<compile_context>
chip_gen: v7x
topology: tpu7x:2x2x1
jax: 0.10.2.dev20260603
libtpu: 0.0.44.dev20260713+nightly
codegen_flags: <defaults>
</compile_context>

<pallas_src>
import functools

import jax
import jax.numpy as jnp
from jax import lax
from jax.experimental import pallas as pl
from jax.experimental.pallas import tpu as pltpu
from jax.experimental.pallas import tpu_sc as plsc

N = 10000
E = 320000
F_IN = 128
H = 256
C = 10
B = 64

NC = 2
NS = 16
HH = H // 2
N_PAD = 10240
ROWS_PER_SUB = N_PAD // NS
EDGES_PER_SUB = E // NS
EDGES_PER_TILE = E // (NC * NS)
K = 40
CHUNKS = EDGES_PER_SUB // K
G = 5
GROUPS = CHUNKS // G
ZR = 64

ROW_BLK = 1000
NB = N // ROW_BLK

_mesh = plsc.VectorSubcoreMesh(
    core_axis_name="c", subcore_axis_name="s", num_cores=NC, num_subcores=NS
)



@functools.partial(
    pl.kernel,
    out_type=jax.ShapeDtypeStruct((NC, N_PAD, 16), jnp.float32),
    mesh=_mesh,
    scratch_types=[
        pltpu.VMEM((K,), jnp.int32),
        pltpu.VMEM((K, 16), jnp.float32),
        pltpu.VMEM((ZR, 16), jnp.float32),
        pltpu.VMEM_SHARED((N_PAD, 16), jnp.float32),
    ],
)
def _deg_kernel(dst_hbm, zeros_hbm, out_hbm, dst_v, ones_v, zer_v, acc):
    c = lax.axis_index("c")
    s = lax.axis_index("s")
    ebase = (c * NS + s) * EDGES_PER_TILE

    @pl.loop(0, K)
    def _(r):
        ones_v[r, pl.ds(0, 16)] = jnp.ones((16,), jnp.float32)

    row0 = s * ROWS_PER_SUB
    pltpu.sync_copy(zeros_hbm.at[pl.ds(0, ROWS_PER_SUB), pl.ds(0, 16)],
                    acc.at[pl.ds(row0, ROWS_PER_SUB)])

    pltpu.sync_copy(acc.at[pl.ds(row0, 8)], zer_v.at[pl.ds(0, 8)])
    plsc.subcore_barrier()

    @pl.loop(0, EDGES_PER_TILE // K)
    def _(g):
        pltpu.sync_copy(dst_hbm.at[pl.ds(ebase + g * K, K)], dst_v)
        pltpu.sync_copy(ones_v, acc.at[dst_v], add=True)

    pltpu.sync_copy(acc.at[pl.ds(row0, 8)], zer_v.at[pl.ds(0, 8)])
    plsc.subcore_barrier()
    plsc.subcore_barrier()
    pltpu.sync_copy(
        acc.at[pl.ds(row0, ROWS_PER_SUB)],
        out_hbm.at[c, pl.ds(row0, ROWS_PER_SUB)],
    )


@functools.partial(
    pl.kernel,
    out_type=jax.ShapeDtypeStruct((NC, N_PAD, HH), jnp.float32),
    mesh=_mesh,
    scratch_types=[
        [pltpu.VMEM((K,), jnp.int32) for _ in range(G)],
        [pltpu.VMEM((K,), jnp.int32) for _ in range(G)],
        [pltpu.VMEM((K, HH), jnp.float32) for _ in range(G)],
        pltpu.VMEM_SHARED((N_PAD, HH), jnp.float32),
        pltpu.SemaphoreType.DMA,
        pltpu.SemaphoreType.DMA,
    ],
)
def _scatter_kernel(z_hbm, src_hbm, dst_hbm, zeros_hbm, out_hbm,
                    sbufs, dbufs, bufs, acc, isem, gsem):
    c = lax.axis_index("c")
    s = lax.axis_index("s")
    ebase = s * EDGES_PER_SUB

    row0 = s * ROWS_PER_SUB
    pltpu.sync_copy(zeros_hbm, acc.at[pl.ds(row0, ROWS_PER_SUB)])

    pltpu.sync_copy(acc.at[pl.ds(row0, 8)], bufs[0].at[pl.ds(0, 8)])
    plsc.subcore_barrier()

    @pl.loop(0, GROUPS)
    def _(grp):
        base = ebase + grp * G * K
        for p in range(G):
            pltpu.async_copy(src_hbm.at[pl.ds(base + p * K, K)],
                             sbufs[p], isem)
            pltpu.async_copy(dst_hbm.at[pl.ds(base + p * K, K)],
                             dbufs[p], isem)
        for p in range(G):
            pltpu.make_async_copy(src_hbm.at[pl.ds(base + p * K, K)],
                                  sbufs[p], isem).wait()
            pltpu.make_async_copy(dst_hbm.at[pl.ds(base + p * K, K)],
                                  dbufs[p], isem).wait()
        for p in range(G):
            pltpu.async_copy(z_hbm.at[c].at[sbufs[p]], bufs[p], gsem)
        for p in range(G):
            pltpu.make_async_copy(
                z_hbm.at[c].at[sbufs[p]], bufs[p], gsem).wait()
        for p in range(G):
            pltpu.sync_copy(bufs[p], acc.at[dbufs[p]], add=True)

    pltpu.sync_copy(acc.at[pl.ds(row0, 8)], bufs[0].at[pl.ds(0, 8)])
    plsc.subcore_barrier()
    plsc.subcore_barrier()
    pltpu.sync_copy(
        acc.at[pl.ds(row0, ROWS_PER_SUB)],
        out_hbm.at[c, pl.ds(row0, ROWS_PER_SUB)],
    )



def _dot(a, b):
    return lax.dot_general(a, b, (((1,), (0,)), ((), ())),
                           precision=lax.Precision.HIGHEST)


def _dinv_of(d_ref):
    deg = d_ref[0, :, 0:1] + d_ref[1, :, 0:1] + 1.0
    return lax.rsqrt(deg)


def _mm_body(x_ref, w_ref, o_ref):
    o_ref[...] = _dot(x_ref[...], w_ref[...])


def _split_body(y_ref, d_ref, o_ref):
    z = y_ref[...] * _dinv_of(d_ref)
    o_ref[0] = z[:, :HH]
    o_ref[1] = z[:, HH:]


def _elu(p):
    return jnp.where(p > 0, p, jnp.exp(jnp.minimum(p, 0.0)) - 1.0)


def _layer_body(a_ref, z_ref, d_ref, b_ref, w_ref, o_ref):
    dinv = _dinv_of(d_ref)
    agg = jnp.concatenate([a_ref[0] + z_ref[0], a_ref[1] + z_ref[1]], axis=1)
    h = _elu(dinv * agg + b_ref[...])
    zn = _dot(h, w_ref[...]) * dinv
    o_ref[0] = zn[:, :HH]
    o_ref[1] = zn[:, HH:]


def _final_body(a_ref, z_ref, d_ref, b_ref, bat_ref, wl_ref, bl_ref,
                o_ref, g_acc):
    i = pl.program_id(0)

    @pl.when(i == 0)
    def _():
        g_acc[...] = jnp.full((B, H), -jnp.inf, jnp.float32)

    dinv = _dinv_of(d_ref)
    agg = jnp.concatenate([a_ref[0] + z_ref[0], a_ref[1] + z_ref[1]], axis=1)
    h = _elu(dinv * agg + b_ref[...])

    bat = bat_ref[...]
    b_lo = bat_ref[0, 0]
    b_hi = bat_ref[ROW_BLK - 1, 0]

    def seg_body(b, _):
        m = jnp.where(bat == b, h, -jnp.inf)
        cur = g_acc[pl.ds(b, 1), :]
        g_acc[pl.ds(b, 1), :] = jnp.maximum(cur, jnp.max(m, axis=0)[None, :])
        return 0

    lax.fori_loop(b_lo, b_hi + 1, seg_body, 0)

    @pl.when(i == NB - 1)
    def _():
        g = g_acc[...]
        logits = _dot(g, wl_ref[...]) + bl_ref[...]
        col = lax.broadcasted_iota(jnp.int32, (B, 128), 1)
        valid = col < C
        lm = jnp.where(valid, logits, -jnp.inf)
        mx = jnp.max(lm, axis=1, keepdims=True)
        e = jnp.where(valid, jnp.exp(lm - mx), 0.0)
        lse = jnp.log(jnp.sum(e, axis=1, keepdims=True)) + mx
        o_ref[...] = lm - lse


def _mm_call(x, w):
    return pl.pallas_call(
        _mm_body,
        grid=(NB,),
        in_specs=[
            pl.BlockSpec((ROW_BLK, F_IN), lambda i: (i, 0)),
            pl.BlockSpec((F_IN, H), lambda i: (0, 0)),
        ],
        out_specs=pl.BlockSpec((ROW_BLK, H), lambda i: (i, 0)),
        out_shape=jax.ShapeDtypeStruct((N, H), jnp.float32),
    )(x, w)


def _split_call(y, deg16):
    return pl.pallas_call(
        _split_body,
        grid=(NB,),
        in_specs=[
            pl.BlockSpec((ROW_BLK, H), lambda i: (i, 0)),
            pl.BlockSpec((NC, ROW_BLK, 16), lambda i: (0, i, 0)),
        ],
        out_specs=pl.BlockSpec((NC, ROW_BLK, HH), lambda i: (0, i, 0)),
        out_shape=jax.ShapeDtypeStruct((NC, N, HH), jnp.float32),
    )(y, deg16)


def _layer_call(a, z, deg16, b2d, w):
    return pl.pallas_call(
        _layer_body,
        grid=(NB,),
        in_specs=[
            pl.BlockSpec((NC, ROW_BLK, HH), lambda i: (0, i, 0)),
            pl.BlockSpec((NC, ROW_BLK, HH), lambda i: (0, i, 0)),
            pl.BlockSpec((NC, ROW_BLK, 16), lambda i: (0, i, 0)),
            pl.BlockSpec((1, H), lambda i: (0, 0)),
            pl.BlockSpec((H, H), lambda i: (0, 0)),
        ],
        out_specs=pl.BlockSpec((NC, ROW_BLK, HH), lambda i: (0, i, 0)),
        out_shape=jax.ShapeDtypeStruct((NC, N, HH), jnp.float32),
    )(a, z, deg16, b2d, w)


def _final_call(a, z, deg16, b2d, bat3d, wl_pad, bl_pad):
    return pl.pallas_call(
        _final_body,
        grid=(NB,),
        in_specs=[
            pl.BlockSpec((NC, ROW_BLK, HH), lambda i: (0, i, 0)),
            pl.BlockSpec((NC, ROW_BLK, HH), lambda i: (0, i, 0)),
            pl.BlockSpec((NC, ROW_BLK, 16), lambda i: (0, i, 0)),
            pl.BlockSpec((1, H), lambda i: (0, 0)),
            pl.BlockSpec((ROW_BLK, 1), lambda i: (i, 0)),
            pl.BlockSpec((H, 128), lambda i: (0, 0)),
            pl.BlockSpec((1, 128), lambda i: (0, 0)),
        ],
        out_specs=pl.BlockSpec((B, 128), lambda i: (0, 0)),
        out_shape=jax.ShapeDtypeStruct((B, 128), jnp.float32),
        scratch_shapes=[pltpu.VMEM((B, H), jnp.float32)],
    )(a, z, deg16, b2d, bat3d, wl_pad, bl_pad)


def kernel(x, edge_index, batch, W1, b1, W2, b2, W3, b3, Wl, bl):
    src = edge_index[0]
    dst = edge_index[1]

    zeros16 = jnp.zeros((ROWS_PER_SUB, 16), jnp.float32)
    zeros_hh = jnp.zeros((ROWS_PER_SUB, HH), jnp.float32)
    deg16 = _deg_kernel(dst, zeros16)
    y1 = _mm_call(x, W1)
    z1 = _split_call(y1, deg16)

    wl_pad = jnp.zeros((H, 128), jnp.float32).at[:, :C].set(Wl)
    bl_pad = jnp.zeros((1, 128), jnp.float32).at[0, :C].set(bl)
    bat2d = batch.reshape(N, 1)

    a1 = _scatter_kernel(z1, src, dst, zeros_hh)
    z2 = _layer_call(a1, z1, deg16, b1.reshape(1, H), W2)
    a2 = _scatter_kernel(z2, src, dst, zeros_hh)
    z3 = _layer_call(a2, z2, deg16, b2.reshape(1, H), W3)
    a3 = _scatter_kernel(z3, src, dst, zeros_hh)
    out = _final_call(a3, z3, deg16, b3.reshape(1, H), bat2d, wl_pad, bl_pad)
    return out[:, :C]

# --- scband reference (transcript-rebuilt; emitter-appended) ---
"""Pipeline reference for scband-classify-graph-gc-12919261627064 (READ-ONLY COPY).

The authoritative reference and input builder live on the scoring server;
editing this copy changes nothing except your own understanding.
"""

import jax, jax.numpy as jnp
import numpy as np

N = 10000
E = 320000
F_IN = 128
H = 256
C = 10
B = 64


def setup_inputs(seed: int = 0) -> dict:
    key = jax.random.key(seed)
    ks = jax.random.split(key, 12)
    x = jax.random.normal(ks[0], (N, F_IN), dtype=jnp.float32)
    edge_index = jax.random.randint(ks[1], (2, E), 0, N, dtype=jnp.int32)
    batch = jnp.sort(jax.random.randint(ks[2], (N,), 0, B, dtype=jnp.int32))
    W1 = jax.random.normal(ks[3], (F_IN, H), dtype=jnp.float32) * (1.0 / np.sqrt(F_IN))
    b1 = jnp.zeros((H,), dtype=jnp.float32)
    W2 = jax.random.normal(ks[4], (H, H), dtype=jnp.float32) * (1.0 / np.sqrt(H))
    b2 = jnp.zeros((H,), dtype=jnp.float32)
    W3 = jax.random.normal(ks[5], (H, H), dtype=jnp.float32) * (1.0 / np.sqrt(H))
    b3 = jnp.zeros((H,), dtype=jnp.float32)
    Wl = jax.random.normal(ks[6], (H, C), dtype=jnp.float32) * (1.0 / np.sqrt(H))
    bl = jnp.zeros((C,), dtype=jnp.float32)
    return {"x": x, "edge_index": edge_index, "batch": batch,
            "W1": W1, "b1": b1, "W2": W2, "b2": b2, "W3": W3, "b3": b3,
            "Wl": Wl, "bl": bl}


def reference(x, edge_index, batch, W1, b1, W2, b2, W3, b3, Wl, bl):
    src = edge_index[0]
    dst = edge_index[1]
    loop = jnp.arange(N, dtype=src.dtype)
    src = jnp.concatenate([src, loop])
    dst = jnp.concatenate([dst, loop])
    # symmetric GCN normalization (deg from dst, with self-loops)
    deg = jax.ops.segment_sum(jnp.ones(src.shape[0], jnp.float32), dst, num_segments=N)
    dinv = jnp.where(deg > 0, jax.lax.rsqrt(deg), 0.0)
    norm = dinv[src] * dinv[dst]

    def conv(h, W, b):
        h = h @ W
        msg = h[src] * norm[:, None]
        out = jax.ops.segment_sum(msg, dst, num_segments=N)
        return out + b

    h = x
    for W, b in ((W1, b1), (W2, b2), (W3, b3)):
        h = jax.nn.elu(conv(h, W, b))
        # dropout is identity in eval mode
    g = jax.ops.segment_max(h, batch, num_segments=B)
    logits = g @ Wl + bl
    return jax.nn.log_softmax(logits, axis=1)

if __name__ == "__main__":
    import jax
    _d = setup_inputs()
    print(jax.jit(kernel)(*tuple(_d.values())))

</pallas_src>

<mosaic_0001>
#map = affine_map<(d0, d1) -> (0, 0, 0)>
#map1 = affine_map<(d0, d1) -> (0)>
#map2 = affine_map<(d0, d1) -> (0, 0)>
module attributes {stable_mosaic.version = 14 : i64} {
  func.func @_scatter_kernel(%arg0: i32, %arg1: i32, %arg2: memref<2x10000x128xf32, #tpu.memory_space<hbm>>, %arg3: memref<320000xi32, #tpu.memory_space<hbm>>, %arg4: memref<320000xi32, #tpu.memory_space<hbm>>, %arg5: memref<640x128xf32, #tpu.memory_space<hbm>>, %arg6: memref<2x10240x128xf32, #tpu.memory_space<hbm>>, %arg7: memref<40xi32, #tpu.memory_space<vmem>>, %arg8: memref<40xi32, #tpu.memory_space<vmem>>, %arg9: memref<40xi32, #tpu.memory_space<vmem>>, %arg10: memref<40xi32, #tpu.memory_space<vmem>>, %arg11: memref<40xi32, #tpu.memory_space<vmem>>, %arg12: memref<40xi32, #tpu.memory_space<vmem>>, %arg13: memref<40xi32, #tpu.memory_space<vmem>>, %arg14: memref<40xi32, #tpu.memory_space<vmem>>, %arg15: memref<40xi32, #tpu.memory_space<vmem>>, %arg16: memref<40xi32, #tpu.memory_space<vmem>>, %arg17: memref<40x128xf32, #tpu.memory_space<vmem>>, %arg18: memref<40x128xf32, #tpu.memory_space<vmem>>, %arg19: memref<40x128xf32, #tpu.memory_space<vmem>>, %arg20: memref<40x128xf32, #tpu.memory_space<vmem>>, %arg21: memref<40x128xf32, #tpu.memory_space<vmem>>, %arg22: memref<10240x128xf32, #tpu.memory_space<vmem_shared>>, %arg23: memref<!tpu.dma_semaphore, #tpu.memory_space<semaphore_mem>>, %arg24: memref<!tpu.dma_semaphore, #tpu.memory_space<semaphore_mem>>) attributes {dimension_semantics = [#tpu.dimension_semantics<core_parallel>, #tpu.dimension_semantics<subcore_parallel>], iteration_bounds = array<i64: 2, 16>, scalar_prefetch = 0 : i64, scratch_operands = 18 : i64, tpu.core_type = #tpu.core_type<sc_vector_subcore>, window_params = [{transform_indices = #map}, {transform_indices = #map1}, {transform_indices = #map1}, {transform_indices = #map2}, {transform_indices = #map}]} {
    %mul3A = arith.constant 20000 : i32
    %mul3A_0 = arith.muli %arg1, %mul3A : i32
    %mul3A_1 = arith.constant 640 : i32
    %mul3A_2 = arith.muli %arg1, %mul3A_1 : i32
    "tpu.region"() ({
      %run_scoped3A = tpu.sem_alloc : memref<!tpu.dma_semaphore, #tpu.memory_space<semaphore_mem>>
      %dma_start3A = arith.constant 0 : i32
      %dma_start3A_9 = tpu.memref_slice %arg22[%mul3A_2, %dma_start3A] : memref<10240x128xf32, #tpu.memory_space<vmem_shared>> -> memref<640x128xf32, #tpu.memory_space<vmem_shared>>
      tpu.enqueue_dma source(%arg5 : memref<640x128xf32, #tpu.memory_space<hbm>>) target(%dma_start3A_9 : memref<640x128xf32, #tpu.memory_space<vmem_shared>>) target_semaphore(%run_scoped3A : memref<!tpu.dma_semaphore, #tpu.memory_space<semaphore_mem>>)
      %dma_wait3A = arith.constant 0 : i32
      %dma_wait3A_10 = tpu.memref_slice %arg22[%mul3A_2, %dma_wait3A] : memref<10240x128xf32, #tpu.memory_space<vmem_shared>> -> memref<640x128xf32, #tpu.memory_space<vmem_shared>>
      tpu.wait_dma2 semaphore(%run_scoped3A : memref<!tpu.dma_semaphore, #tpu.memory_space<semaphore_mem>>) src(%arg5 : memref<640x128xf32, #tpu.memory_space<hbm>>) dst(%dma_wait3A_10 : memref<640x128xf32, #tpu.memory_space<vmem_shared>>)
      tpu.yield
    }) : () -> ()
    "tpu.region"() ({
      %run_scoped3A = tpu.sem_alloc : memref<!tpu.dma_semaphore, #tpu.memory_space<semaphore_mem>>
      %dma_start3A = arith.constant 0 : i32
      %dma_start3A_9 = arith.constant 0 : i32
      %dma_start3A_10 = tpu.memref_slice %arg17[%dma_start3A, %dma_start3A_9] : memref<40x128xf32, #tpu.memory_space<vmem>> -> memref<8x128xf32, #tpu.memory_space<vmem>>
      %dma_start3A_11 = arith.constant 0 : i32
      %dma_start3A_12 = tpu.memref_slice %arg22[%mul3A_2, %dma_start3A_11] : memref<10240x128xf32, #tpu.memory_space<vmem_shared>> -> memref<8x128xf32, #tpu.memory_space<vmem_shared>>
      %dma_start3A_13 = arith.constant 0 : i32
      %dma_start3A_14 = arith.constant 0 : i32
      %dma_start3A_15 = tpu.memref_slice %arg17[%dma_start3A_13, %dma_start3A_14] : memref<40x128xf32, #tpu.memory_space<vmem>> -> memref<8x128xf32, #tpu.memory_space<vmem>>
      %dma_start3A_16 = arith.constant 0 : i32
      %dma_start3A_17 = tpu.memref_slice %arg22[%mul3A_2, %dma_start3A_16] : memref<10240x128xf32, #tpu.memory_space<vmem_shared>> -> memref<8x128xf32, #tpu.memory_space<vmem_shared>>
      tpu.enqueue_dma source(%dma_start3A_17 : memref<8x128xf32, #tpu.memory_space<vmem_shared>>) target(%dma_start3A_15 : memref<8x128xf32, #tpu.memory_space<vmem>>) target_semaphore(%run_scoped3A : memref<!tpu.dma_semaphore, #tpu.memory_space<semaphore_mem>>)
      %dma_wait3A = arith.constant 0 : i32
      %dma_wait3A_18 = arith.constant 0 : i32
      %dma_wait3A_19 = tpu.memref_slice %arg17[%dma_wait3A, %dma_wait3A_18] : memref<40x128xf32, #tpu.memory_space<vmem>> -> memref<8x128xf32, #tpu.memory_space<vmem>>
      %dma_wait3A_20 = arith.constant 0 : i32
      %dma_wait3A_21 = tpu.memref_slice %arg22[%mul3A_2, %dma_wait3A_20] : memref<10240x128xf32, #tpu.memory_space<vmem_shared>> -> memref<8x128xf32, #tpu.memory_space<vmem_shared>>
      %dma_wait3A_22 = arith.constant 0 : i32
      %dma_wait3A_23 = arith.constant 0 : i32
      %dma_wait3A_24 = tpu.memref_slice %arg17[%dma_wait3A_22, %dma_wait3A_23] : memref<40x128xf32, #tpu.memory_space<vmem>> -> memref<8x128xf32, #tpu.memory_space<vmem>>
      %dma_wait3A_25 = arith.constant 0 : i32
      %dma_wait3A_26 = tpu.memref_slice %arg22[%mul3A_2, %dma_wait3A_25] : memref<10240x128xf32, #tpu.memory_space<vmem_shared>> -> memref<8x128xf32, #tpu.memory_space<vmem_shared>>
      tpu.wait_dma2 semaphore(%run_scoped3A : memref<!tpu.dma_semaphore, #tpu.memory_space<semaphore_mem>>) src(%dma_wait3A_26 : memref<8x128xf32, #tpu.memory_space<vmem_shared>>) dst(%dma_wait3A_24 : memref<8x128xf32, #tpu.memory_space<vmem>>)
      tpu.yield
    }) : () -> ()
    %barrier3A = arith.constant 0 : index
    tpu.barrier barrier_id(%barrier3A)
    %scan3A = arith.constant 0 : i32
    %scan3A_3 = arith.constant 100 : i32
    %scan3A_4 = arith.addi %scan3A, %scan3A_3 : i32
    %scan3A_5 = arith.constant 1 : i32
    scf.for %scan3A_9 = %scan3A to %scan3A_4 step %scan3A_5  : i32 {
      %mul3A_10 = arith.constant 1 : i32
      %mul3A_11 = arith.muli %scan3A_9, %mul3A_10 : i32
      %add3A = arith.constant 0 : i32
      %add3A_12 = arith.addi %add3A, %mul3A_11 : i32
      %mul3A_13 = arith.constant 5 : i32
      %mul3A_14 = arith.muli %add3A_12, %mul3A_13 : i32
      %mul3A_15 = arith.constant 40 : i32
      %mul3A_16 = arith.muli %mul3A_14, %mul3A_15 : i32
      %add3A_17 = arith.addi %mul3A_0, %mul3A_16 : i32
      %add3A_18 = arith.constant 0 : i32
      %add3A_19 = arith.addi %add3A_17, %add3A_18 : i32
      %dma_start3A = tpu.memref_slice %arg3[%add3A_19] : memref<320000xi32, #tpu.memory_space<hbm>> -> memref<40xi32, #tpu.memory_space<hbm>>
      %dma_start3A_20 = tpu.memref_slice %arg3[%add3A_19] : memref<320000xi32, #tpu.memory_space<hbm>> -> memref<40xi32, #tpu.memory_space<hbm>>
      tpu.enqueue_dma source(%dma_start3A_20 : memref<40xi32, #tpu.memory_space<hbm>>) target(%arg7 : memref<40xi32, #tpu.memory_space<vmem>>) target_semaphore(%arg23 : memref<!tpu.dma_semaphore, #tpu.memory_space<semaphore_mem>>)
      %add3A_21 = arith.constant 0 : i32
      %add3A_22 = arith.addi %add3A_17, %add3A_21 : i32
      %dma_start3A_23 = tpu.memref_slice %arg4[%add3A_22] : memref<320000xi32, #tpu.memory_space<hbm>> -> memref<40xi32, #tpu.memory_space<hbm>>
      %dma_start3A_24 = tpu.memref_slice %arg4[%add3A_22] : memref<320000xi32, #tpu.memory_space<hbm>> -> memref<40xi32, #tpu.memory_space<hbm>>
      tpu.enqueue_dma source(%dma_start3A_24 : memref<40xi32, #tpu.memory_space<hbm>>) target(%arg12 : memref<40xi32, #tpu.memory_space<vmem>>) target_semaphore(%arg23 : memref<!tpu.dma_semaphore, #tpu.memory_space<semaphore_mem>>)
      %add3A_25 = arith.constant 40 : i32
      %add3A_26 = arith.addi %add3A_17, %add3A_25 : i32
      %dma_start3A_27 = tpu.memref_slice %arg3[%add3A_26] : memref<320000xi32, #tpu.memory_space<hbm>> -> memref<40xi32, #tpu.memory_space<hbm>>
      %dma_start3A_28 = tpu.memref_slice %arg3[%add3A_26] : memref<320000xi32, #tpu.memory_space<hbm>> -> memref<40xi32, #tpu.memory_space<hbm>>
      tpu.enqueue_dma source(%dma_start3A_28 : memref<40xi32, #tpu.memory_space<hbm>>) target(%arg8 : memref<40xi32, #tpu.memory_space<vmem>>) target_semaphore(%arg23 : memref<!tpu.dma_semaphore, #tpu.memory_space<semaphore_mem>>)
      %add3A_29 = arith.constant 40 : i32
      %add3A_30 = arith.addi %add3A_17, %add3A_29 : i32
      %dma_start3A_31 = tpu.memref_slice %arg4[%add3A_30] : memref<320000xi32, #tpu.memory_space<hbm>> -> memref<40xi32, #tpu.memory_space<hbm>>
      %dma_start3A_32 = tpu.memref_slice %arg4[%add3A_30] : memref<320000xi32, #tpu.memory_space<hbm>> -> memref<40xi32, #tpu.memory_space<hbm>>
      tpu.enqueue_dma source(%dma_start3A_32 : memref<40xi32, #tpu.memory_space<hbm>>) target(%arg13 : memref<40xi32, #tpu.memory_space<vmem>>) target_semaphore(%arg23 : memref<!tpu.dma_semaphore, #tpu.memory_space<semaphore_mem>>)
      %add3A_33 = arith.constant 80 : i32
      %add3A_34 = arith.addi %add3A_17, %add3A_33 : i32
      %dma_start3A_35 = tpu.memref_slice %arg3[%add3A_34] : memref<320000xi32, #tpu.memory_space<hbm>> -> memref<40xi32, #tpu.memory_space<hbm>>
      %dma_start3A_36 = tpu.memref_slice %arg3[%add3A_34] : memref<320000xi32, #tpu.memory_space<hbm>> -> memref<40xi32, #tpu.memory_space<hbm>>
      tpu.enqueue_dma source(%dma_start3A_36 : memref<40xi32, #tpu.memory_space<hbm>>) target(%arg9 : memref<40xi32, #tpu.memory_space<vmem>>) target_semaphore(%arg23 : memref<!tpu.dma_semaphore, #tpu.memory_space<semaphore_mem>>)
      %add3A_37 = arith.constant 80 : i32
      %add3A_38 = arith.addi %add3A_17, %add3A_37 : i32
      %dma_start3A_39 = tpu.memref_slice %arg4[%add3A_38] : memref<320000xi32, #tpu.memory_space<hbm>> -> memref<40xi32, #tpu.memory_space<hbm>>
      %dma_start3A_40 = tpu.memref_slice %arg4[%add3A_38] : memref<320000xi32, #tpu.memory_space<hbm>> -> memref<40xi32, #tpu.memory_space<hbm>>
      tpu.enqueue_dma source(%dma_start3A_40 : memref<40xi32, #tpu.memory_space<hbm>>) target(%arg14 : memref<40xi32, #tpu.memory_space<vmem>>) target_semaphore(%arg23 : memref<!tpu.dma_semaphore, #tpu.memory_space<semaphore_mem>>)
      %add3A_41 = arith.constant 120 : i32
      %add3A_42 = arith.addi %add3A_17, %add3A_41 : i32
      %dma_start3A_43 = tpu.memref_slice %arg3[%add3A_42] : memref<320000xi32, #tpu.memory_space<hbm>> -> memref<40xi32, #tpu.memory_space<hbm>>
      %dma_start3A_44 = tpu.memref_slice %arg3[%add3A_42] : memref<320000xi32, #tpu.memory_space<hbm>> -> memref<40xi32, #tpu.memory_space<hbm>>
      tpu.enqueue_dma source(%dma_start3A_44 : memref<40xi32, #tpu.memory_space<hbm>>) target(%arg10 : memref<40xi32, #tpu.memory_space<vmem>>) target_semaphore(%arg23 : memref<!tpu.dma_semaphore, #tpu.memory_space<semaphore_mem>>)
      %add3A_45 = arith.constant 120 : i32
      %add3A_46 = arith.addi %add3A_17, %add3A_45 : i32
      %dma_start3A_47 = tpu.memref_slice %arg4[%add3A_46] : memref<320000xi32, #tpu.memory_space<hbm>> -> memref<40xi32, #tpu.memory_space<hbm>>
      %dma_start3A_48 = tpu.memref_slice %arg4[%add3A_46] : memref<320000xi32, #tpu.memory_space<hbm>> -> memref<40xi32, #tpu.memory_space<hbm>>
      tpu.enqueue_dma source(%dma_start3A_48 : memref<40xi32, #tpu.memory_space<hbm>>) target(%arg15 : memref<40xi32, #tpu.memory_space<vmem>>) target_semaphore(%arg23 : memref<!tpu.dma_semaphore, #tpu.memory_space<semaphore_mem>>)
      %add3A_49 = arith.constant 160 : i32
      %add3A_50 = arith.addi %add3A_17, %add3A_49 : i32
      %dma_start3A_51 = tpu.memref_slice %arg3[%add3A_50] : memref<320000xi32, #tpu.memory_space<hbm>> -> memref<40xi32, #tpu.memory_space<hbm>>
      %dma_start3A_52 = tpu.memref_slice %arg3[%add3A_50] : memref<320000xi32, #tpu.memory_space<hbm>> -> memref<40xi32, #tpu.memory_space<hbm>>
      tpu.enqueue_dma source(%dma_start3A_52 : memref<40xi32, #tpu.memory_space<hbm>>) target(%arg11 : memref<40xi32, #tpu.memory_space<vmem>>) target_semaphore(%arg23 : memref<!tpu.dma_semaphore, #tpu.memory_space<semaphore_mem>>)
      %add3A_53 = arith.constant 160 : i32
      %add3A_54 = arith.addi %add3A_17, %add3A_53 : i32
      %dma_start3A_55 = tpu.memref_slice %arg4[%add3A_54] : memref<320000xi32, #tpu.memory_space<hbm>> -> memref<40xi32, #tpu.memory_space<hbm>>
      %dma_start3A_56 = tpu.memref_slice %arg4[%add3A_54] : memref<320000xi32, #tpu.memory_space<hbm>> -> memref<40xi32, #tpu.memory_space<hbm>>
      tpu.enqueue_dma source(%dma_start3A_56 : memref<40xi32, #tpu.memory_space<hbm>>) target(%arg16 : memref<40xi32, #tpu.memory_space<vmem>>) target_semaphore(%arg23 : memref<!tpu.dma_semaphore, #tpu.memory_space<semaphore_mem>>)
      %add3A_57 = arith.constant 0 : i32
      %add3A_58 = arith.addi %add3A_17, %add3A_57 : i32
      %dma_wait3A = tpu.memref_slice %arg3[%add3A_58] : memref<320000xi32, #tpu.memory_space<hbm>> -> memref<40xi32, #tpu.memory_space<hbm>>
      %dma_wait3A_59 = tpu.memref_slice %arg3[%add3A_58] : memref<320000xi32, #tpu.memory_space<hbm>> -> memref<40xi32, #tpu.memory_space<hbm>>
      tpu.wait_dma2 semaphore(%arg23 : memref<!tpu.dma_semaphore, #tpu.memory_space<semaphore_mem>>) src(%dma_wait3A_59 : memref<40xi32, #tpu.memory_space<hbm>>) dst(%arg7 : memref<40xi32, #tpu.memory_space<vmem>>)
      %add3A_60 = arith.constant 0 : i32
      %add3A_61 = arith.addi %add3A_17, %add3A_60 : i32
      %dma_wait3A_62 = tpu.memref_slice %arg4[%add3A_61] : memref<320000xi32, #tpu.memory_space<hbm>> -> memref<40xi32, #tpu.memory_space<hbm>>
      %dma_wait3A_63 = tpu.memref_slice %arg4[%add3A_61] : memref<320000xi32, #tpu.memory_space<hbm>> -> memref<40xi32, #tpu.memory_space<hbm>>
      tpu.wait_dma2 semaphore(%arg23 : memref<!tpu.dma_semaphore, #tpu.memory_space<semaphore_mem>>) src(%dma_wait3A_63 : memref<40xi32, #tpu.memory_space<hbm>>) dst(%arg12 : memref<40xi32, #tpu.memory_space<vmem>>)
      %add3A_64 = arith.constant 40 : i32
      %add3A_65 = arith.addi %add3A_17, %add3A_64 : i32
      %dma_wait3A_66 = tpu.memref_slice %arg3[%add3A_65] : memref<320000xi32, #tpu.memory_space<hbm>> -> memref<40xi32, #tpu.memory_space<hbm>>
      %dma_wait3A_67 = tpu.memref_slice %arg3[%add3A_65] : memref<320000xi32, #tpu.memory_space<hbm>> -> memref<40xi32, #tpu.memory_space<hbm>>
      tpu.wait_dma2 semaphore(%arg23 : memref<!tpu.dma_semaphore, #tpu.memory_space<semaphore_mem>>) src(%dma_wait3A_67 : memref<40xi32, #tpu.memory_space<hbm>>) dst(%arg8 : memref<40xi32, #tpu.memory_space<vmem>>)
      %add3A_68 = arith.constant 40 : i32
      %add3A_69 = arith.addi %add3A_17, %add3A_68 : i32
      %dma_wait3A_70 = tpu.memref_slice %arg4[%add3A_69] : memref<320000xi32, #tpu.memory_space<hbm>> -> memref<40xi32, #tpu.memory_space<hbm>>
      %dma_wait3A_71 = tpu.memref_slice %arg4[%add3A_69] : memref<320000xi32, #tpu.memory_space<hbm>> -> memref<40xi32, #tpu.memory_space<hbm>>
      tpu.wait_dma2 semaphore(%arg23 : memref<!tpu.dma_semaphore, #tpu.memory_space<semaphore_mem>>) src(%dma_wait3A_71 : memref<40xi32, #tpu.memory_space<hbm>>) dst(%arg13 : memref<40xi32, #tpu.memory_space<vmem>>)
      %add3A_72 = arith.constant 80 : i32
      %add3A_73 = arith.addi %add3A_17, %add3A_72 : i32
      %dma_wait3A_74 = tpu.memref_slice %arg3[%add3A_73] : memref<320000xi32, #tpu.memory_space<hbm>> -> memref<40xi32, #tpu.memory_space<hbm>>
      %dma_wait3A_75 = tpu.memref_slice %arg3[%add3A_73] : memref<320000xi32, #tpu.memory_space<hbm>> -> memref<40xi32, #tpu.memory_space<hbm>>
      tpu.wait_dma2 semaphore(%arg23 : memref<!tpu.dma_semaphore, #tpu.memory_space<semaphore_mem>>) src(%dma_wait3A_75 : memref<40xi32, #tpu.memory_space<hbm>>) dst(%arg9 : memref<40xi32, #tpu.memory_space<vmem>>)
      %add3A_76 = arith.constant 80 : i32
      %add3A_77 = arith.addi %add3A_17, %add3A_76 : i32
      %dma_wait3A_78 = tpu.memref_slice %arg4[%add3A_77] : memref<320000xi32, #tpu.memory_space<hbm>> -> memref<40xi32, #tpu.memory_space<hbm>>
      %dma_wait3A_79 = tpu.memref_slice %arg4[%add3A_77] : memref<320000xi32, #tpu.memory_space<hbm>> -> memref<40xi32, #tpu.memory_space<hbm>>
      tpu.wait_dma2 semaphore(%arg23 : memref<!tpu.dma_semaphore, #tpu.memory_space<semaphore_mem>>) src(%dma_wait3A_79 : memref<40xi32, #tpu.memory_space<hbm>>) dst(%arg14 : memref<40xi32, #tpu.memory_space<vmem>>)
      %add3A_80 = arith.constant 120 : i32
      %add3A_81 = arith.addi %add3A_17, %add3A_80 : i32
      %dma_wait3A_82 = tpu.memref_slice %arg3[%add3A_81] : memref<320000xi32, #tpu.memory_space<hbm>> -> memref<40xi32, #tpu.memory_space<hbm>>
      %dma_wait3A_83 = tpu.memref_slice %arg3[%add3A_81] : memref<320000xi32, #tpu.memory_space<hbm>> -> memref<40xi32, #tpu.memory_space<hbm>>
      tpu.wait_dma2 semaphore(%arg23 : memref<!tpu.dma_semaphore, #tpu.memory_space<semaphore_mem>>) src(%dma_wait3A_83 : memref<40xi32, #tpu.memory_space<hbm>>) dst(%arg10 : memref<40xi32, #tpu.memory_space<vmem>>)
      %add3A_84 = arith.constant 120 : i32
      %add3A_85 = arith.addi %add3A_17, %add3A_84 : i32
      %dma_wait3A_86 = tpu.memref_slice %arg4[%add3A_85] : memref<320000xi32, #tpu.memory_space<hbm>> -> memref<40xi32, #tpu.memory_space<hbm>>
      %dma_wait3A_87 = tpu.memref_slice %arg4[%add3A_85] : memref<320000xi32, #tpu.memory_space<hbm>> -> memref<40xi32, #tpu.memory_space<hbm>>
      tpu.wait_dma2 semaphore(%arg23 : memref<!tpu.dma_semaphore, #tpu.memory_space<semaphore_mem>>) src(%dma_wait3A_87 : memref<40xi32, #tpu.memory_space<hbm>>) dst(%arg15 : memref<40xi32, #tpu.memory_space<vmem>>)
      %add3A_88 = arith.constant 160 : i32
      %add3A_89 = arith.addi %add3A_17, %add3A_88 : i32
      %dma_wait3A_90 = tpu.memref_slice %arg3[%add3A_89] : memref<320000xi32, #tpu.memory_space<hbm>> -> memref<40xi32, #tpu.memory_space<hbm>>
      %dma_wait3A_91 = tpu.memref_slice %arg3[%add3A_89] : memref<320000xi32, #tpu.memory_space<hbm>> -> memref<40xi32, #tpu.memory_space<hbm>>
      tpu.wait_dma2 semaphore(%arg23 : memref<!tpu.dma_semaphore, #tpu.memory_space<semaphore_mem>>) src(%dma_wait3A_91 : memref<40xi32, #tpu.memory_space<hbm>>) dst(%arg11 : memref<40xi32, #tpu.memory_space<vmem>>)
      %add3A_92 = arith.constant 160 : i32
      %add3A_93 = arith.addi %add3A_17, %add3A_92 : i32
      %dma_wait3A_94 = tpu.memref_slice %arg4[%add3A_93] : memref<320000xi32, #tpu.memory_space<hbm>> -> memref<40xi32, #tpu.memory_space<hbm>>
      %dma_wait3A_95 = tpu.memref_slice %arg4[%add3A_93] : memref<320000xi32, #tpu.memory_space<hbm>> -> memref<40xi32, #tpu.memory_space<hbm>>
      tpu.wait_dma2 semaphore(%arg23 : memref<!tpu.dma_semaphore, #tpu.memory_space<semaphore_mem>>) src(%dma_wait3A_95 : memref<40xi32, #tpu.memory_space<hbm>>) dst(%arg16 : memref<40xi32, #tpu.memory_space<vmem>>)
      %dma_start3A_96 = arith.constant 0 : i32
      %dma_start3A_97 = arith.constant 0 : i32
      %dma_start3A_98 = tpu.memref_slice %arg2[%arg0, %dma_start3A_96, %dma_start3A_97] : memref<2x10000x128xf32, #tpu.memory_space<hbm>> -> memref<1x10000x128xf32, #tpu.memory_space<hbm>>
      %dma_start3A_99 = tpu.memref_squeeze %dma_start3A_98 : memref<1x10000x128xf32, #tpu.memory_space<hbm>> -> memref<10000x128xf32, #tpu.memory_space<hbm>>
      %dma_start3A_100 = arith.constant 0 : i32
      %dma_start3A_101 = arith.constant 0 : i32
      %dma_start3A_102 = tpu.memref_slice %dma_start3A_99[%dma_start3A_100, %dma_start3A_101] : memref<10000x128xf32, #tpu.memory_space<hbm>> -> memref<10000x128xf32, #tpu.memory_space<hbm>>
      tpu.enqueue_indirect_dma source(%dma_start3A_102 : memref<10000x128xf32, #tpu.memory_space<hbm>>) target(%arg17 : memref<40x128xf32, #tpu.memory_space<vmem>>) offsets(%arg7 : memref<40xi32, #tpu.memory_space<vmem>>) semaphore(%arg24 : memref<!tpu.dma_semaphore, #tpu.memory_space<semaphore_mem>>)
      %dma_start3A_103 = arith.constant 0 : i32
      %dma_start3A_104 = arith.constant 0 : i32
      %dma_start3A_105 = tpu.memref_slice %arg2[%arg0, %dma_start3A_103, %dma_start3A_104] : memref<2x10000x128xf32, #tpu.memory_space<hbm>> -> memref<1x10000x128xf32, #tpu.memory_space<hbm>>
      %dma_start3A_106 = tpu.memref_squeeze %dma_start3A_105 : memref<1x10000x128xf32, #tpu.memory_space<hbm>> -> memref<10000x128xf32, #tpu.memory_space<hbm>>
      %dma_start3A_107 = arith.constant 0 : i32
      %dma_start3A_108 = arith.constant 0 : i32
      %dma_start3A_109 = tpu.memref_slice %dma_start3A_106[%dma_start3A_107, %dma_start3A_108] : memref<10000x128xf32, #tpu.memory_space<hbm>> -> memref<10000x128xf32, #tpu.memory_space<hbm>>
      tpu.enqueue_indirect_dma source(%dma_start3A_109 : memref<10000x128xf32, #tpu.memory_space<hbm>>) target(%arg18 : memref<40x128xf32, #tpu.memory_space<vmem>>) offsets(%arg8 : memref<40xi32, #tpu.memory_space<vmem>>) semaphore(%arg24 : memref<!tpu.dma_semaphore, #tpu.memory_space<semaphore_mem>>)
      %dma_start3A_110 = arith.constant 0 : i32
      %dma_start3A_111 = arith.constant 0 : i32
      %dma_start3A_112 = tpu.memref_slice %arg2[%arg0, %dma_start3A_110, %dma_start3A_111] : memref<2x10000x128xf32, #tpu.memory_space<hbm>> -> memref<1x10000x128xf32, #tpu.memory_space<hbm>>
      %dma_start3A_113 = tpu.memref_squeeze %dma_start3A_112 : memref<1x10000x128xf32, #tpu.memory_space<hbm>> -> memref<10000x128xf32, #tpu.memory_space<hbm>>
      %dma_start3A_114 = arith.constant 0 : i32
      %dma_start3A_115 = arith.constant 0 : i32
      %dma_start3A_116 = tpu.memref_slice %dma_start3A_113[%dma_start3A_114, %dma_start3A_115] : memref<10000x128xf32, #tpu.memory_space<hbm>> -> memref<10000x128xf32, #tpu.memory_space<hbm>>
      tpu.enqueue_indirect_dma source(%dma_start3A_116 : memref<10000x128xf32, #tpu.memory_space<hbm>>) target(%arg19 : memref<40x128xf32, #tpu.memory_space<vmem>>) offsets(%arg9 : memref<40xi32, #tpu.memory_space<vmem>>) semaphore(%arg24 : memref<!tpu.dma_semaphore, #tpu.memory_space<semaphore_mem>>)
      %dma_start3A_117 = arith.constant 0 : i32
      %dma_start3A_118 = arith.constant 0 : i32
      %dma_start3A_119 = tpu.memref_slice %arg2[%arg0, %dma_start3A_117, %dma_start3A_118] : memref<2x10000x128xf32, #tpu.memory_space<hbm>> -> memref<1x10000x128xf32, #tpu.memory_space<hbm>>
      %dma_start3A_120 = tpu.memref_squeeze %dma_start3A_119 : memref<1x10000x128xf32, #tpu.memory_space<hbm>> -> memref<10000x128xf32, #tpu.memory_space<hbm>>
      %dma_start3A_121 = arith.constant 0 : i32
      %dma_start3A_122 = arith.constant 0 : i32
      %dma_start3A_123 = tpu.memref_slice %dma_start3A_120[%dma_start3A_121, %dma_start3A_122] : memref<10000x128xf32, #tpu.memory_space<hbm>> -> memref<10000x128xf32, #tpu.memory_space<hbm>>
      tpu.enqueue_indirect_dma source(%dma_start3A_123 : memref<10000x128xf32, #tpu.memory_space<hbm>>) target(%arg20 : memref<40x128xf32, #tpu.memory_space<vmem>>) offsets(%arg10 : memref<40xi32, #tpu.memory_space<vmem>>) semaphore(%arg24 : memref<!tpu.dma_semaphore, #tpu.memory_space<semaphore_mem>>)
      %dma_start3A_124 = arith.constant 0 : i32
      %dma_start3A_125 = arith.constant 0 : i32
      %dma_start3A_126 = tpu.memref_slice %arg2[%arg0, %dma_start3A_124, %dma_start3A_125] : memref<2x10000x128xf32, #tpu.memory_space<hbm>> -> memref<1x10000x128xf32, #tpu.memory_space<hbm>>
      %dma_start3A_127 = tpu.memref_squeeze %dma_start3A_126 : memref<1x10000x128xf32, #tpu.memory_space<hbm>> -> memref<10000x128xf32, #tpu.memory_space<hbm>>
      %dma_start3A_128 = arith.constant 0 : i32
      %dma_start3A_129 = arith.constant 0 : i32
      %dma_start3A_130 = tpu.memref_slice %dma_start3A_127[%dma_start3A_128, %dma_start3A_129] : memref<10000x128xf32, #tpu.memory_space<hbm>> -> memref<10000x128xf32, #tpu.memory_space<hbm>>
      tpu.enqueue_indirect_dma source(%dma_start3A_130 : memref<10000x128xf32, #tpu.memory_space<hbm>>) target(%arg21 : memref<40x128xf32, #tpu.memory_space<vmem>>) offsets(%arg11 : memref<40xi32, #tpu.memory_space<vmem>>) semaphore(%arg24 : memref<!tpu.dma_semaphore, #tpu.memory_space<semaphore_mem>>)
      %dma_wait3A_131 = arith.constant 0 : i32
      %dma_wait3A_132 = arith.constant 0 : i32
      %dma_wait3A_133 = tpu.memref_slice %arg2[%arg0, %dma_wait3A_131, %dma_wait3A_132] : memref<2x10000x128xf32, #tpu.memory_space<hbm>> -> memref<1x10000x128xf32, #tpu.memory_space<hbm>>
      %dma_wait3A_134 = tpu.memref_squeeze %dma_wait3A_133 : memref<1x10000x128xf32, #tpu.memory_space<hbm>> -> memref<10000x128xf32, #tpu.memory_space<hbm>>
      %dma_wait3A_135 = arith.constant 0 : i32
      %dma_wait3A_136 = arith.constant 0 : i32
      %dma_wait3A_137 = tpu.memref_slice %dma_wait3A_134[%dma_wait3A_135, %dma_wait3A_136] : memref<10000x128xf32, #tpu.memory_space<hbm>> -> memref<10000x128xf32, #tpu.memory_space<hbm>>
      tpu.wait_indirect_dma semaphore(%arg24 : memref<!tpu.dma_semaphore, #tpu.memory_space<semaphore_mem>>) src(%dma_wait3A_137 : memref<10000x128xf32, #tpu.memory_space<hbm>>) dst(%arg17 : memref<40x128xf32, #tpu.memory_space<vmem>>)
      %dma_wait3A_138 = arith.constant 0 : i32
      %dma_wait3A_139 = arith.constant 0 : i32
      %dma_wait3A_140 = tpu.memref_slice %arg2[%arg0, %dma_wait3A_138, %dma_wait3A_139] : memref<2x10000x128xf32, #tpu.memory_space<hbm>> -> memref<1x10000x128xf32, #tpu.memory_space<hbm>>
      %dma_wait3A_141 = tpu.memref_squeeze %dma_wait3A_140 : memref<1x10000x128xf32, #tpu.memory_space<hbm>> -> memref<10000x128xf32, #tpu.memory_space<hbm>>
      %dma_wait3A_142 = arith.constant 0 : i32
      %dma_wait3A_143 = arith.constant 0 : i32
      %dma_wait3A_144 = tpu.memref_slice %dma_wait3A_141[%dma_wait3A_142, %dma_wait3A_143] : memref<10000x128xf32, #tpu.memory_space<hbm>> -> memref<10000x128xf32, #tpu.memory_space<hbm>>
      tpu.wait_indirect_dma semaphore(%arg24 : memref<!tpu.dma_semaphore, #tpu.memory_space<semaphore_mem>>) src(%dma_wait3A_144 : memref<10000x128xf32, #tpu.memory_space<hbm>>) dst(%arg18 : memref<40x128xf32, #tpu.memory_space<vmem>>)
      %dma_wait3A_145 = arith.constant 0 : i32
      %dma_wait3A_146 = arith.constant 0 : i32
      %dma_wait3A_147 = tpu.memref_slice %arg2[%arg0, %dma_wait3A_145, %dma_wait3A_146] : memref<2x10000x128xf32, #tpu.memory_space<hbm>> -> memref<1x10000x128xf32, #tpu.memory_space<hbm>>
      %dma_wait3A_148 = tpu.memref_squeeze %dma_wait3A_147 : memref<1x10000x128xf32, #tpu.memory_space<hbm>> -> memref<10000x128xf32, #tpu.memory_space<hbm>>
      %dma_wait3A_149 = arith.constant 0 : i32
      %dma_wait3A_150 = arith.constant 0 : i32
      %dma_wait3A_151 = tpu.memref_slice %dma_wait3A_148[%dma_wait3A_149, %dma_wait3A_150] : memref<10000x128xf32, #tpu.memory_space<hbm>> -> memref<10000x128xf32, #tpu.memory_space<hbm>>
      tpu.wait_indirect_dma semaphore(%arg24 : memref<!tpu.dma_semaphore, #tpu.memory_space<semaphore_mem>>) src(%dma_wait3A_151 : memref<10000x128xf32, #tpu.memory_space<hbm>>) dst(%arg19 : memref<40x128xf32, #tpu.memory_space<vmem>>)
      %dma_wait3A_152 = arith.constant 0 : i32
      %dma_wait3A_153 = arith.constant 0 : i32
      %dma_wait3A_154 = tpu.memref_slice %arg2[%arg0, %dma_wait3A_152, %dma_wait3A_153] : memref<2x10000x128xf32, #tpu.memory_space<hbm>> -> memref<1x10000x128xf32, #tpu.memory_space<hbm>>
      %dma_wait3A_155 = tpu.memref_squeeze %dma_wait3A_154 : memref<1x10000x128xf32, #tpu.memory_space<hbm>> -> memref<10000x128xf32, #tpu.memory_space<hbm>>
      %dma_wait3A_156 = arith.constant 0 : i32
      %dma_wait3A_157 = arith.constant 0 : i32
      %dma_wait3A_158 = tpu.memref_slice %dma_wait3A_155[%dma_wait3A_156, %dma_wait3A_157] : memref<10000x128xf32, #tpu.memory_space<hbm>> -> memref<10000x128xf32, #tpu.memory_space<hbm>>
      tpu.wait_indirect_dma semaphore(%arg24 : memref<!tpu.dma_semaphore, #tpu.memory_space<semaphore_mem>>) src(%dma_wait3A_158 : memref<10000x128xf32, #tpu.memory_space<hbm>>) dst(%arg20 : memref<40x128xf32, #tpu.memory_space<vmem>>)
      %dma_wait3A_159 = arith.constant 0 : i32
      %dma_wait3A_160 = arith.constant 0 : i32
      %dma_wait3A_161 = tpu.memref_slice %arg2[%arg0, %dma_wait3A_159, %dma_wait3A_160] : memref<2x10000x128xf32, #tpu.memory_space<hbm>> -> memref<1x10000x128xf32, #tpu.memory_space<hbm>>
      %dma_wait3A_162 = tpu.memref_squeeze %dma_wait3A_161 : memref<1x10000x128xf32, #tpu.memory_space<hbm>> -> memref<10000x128xf32, #tpu.memory_space<hbm>>
      %dma_wait3A_163 = arith.constant 0 : i32
      %dma_wait3A_164 = arith.constant 0 : i32
      %dma_wait3A_165 = tpu.memref_slice %dma_wait3A_162[%dma_wait3A_163, %dma_wait3A_164] : memref<10000x128xf32, #tpu.memory_space<hbm>> -> memref<10000x128xf32, #tpu.memory_space<hbm>>
      tpu.wait_indirect_dma semaphore(%arg24 : memref<!tpu.dma_semaphore, #tpu.memory_space<semaphore_mem>>) src(%dma_wait3A_165 : memref<10000x128xf32, #tpu.memory_space<hbm>>) dst(%arg21 : memref<40x128xf32, #tpu.memory_space<vmem>>)
      "tpu.region"() ({
        %run_scoped3A = tpu.sem_alloc : memref<!tpu.dma_semaphore, #tpu.memory_space<semaphore_mem>>
        %dma_start3A_166 = arith.constant 0 : i32
        %dma_start3A_167 = arith.constant 0 : i32
        %dma_start3A_168 = tpu.memref_slice %arg22[%dma_start3A_166, %dma_start3A_167] : memref<10240x128xf32, #tpu.memory_space<vmem_shared>> -> memref<10240x128xf32, #tpu.memory_space<vmem_shared>>
        tpu.enqueue_indirect_dma source(%arg17 : memref<40x128xf32, #tpu.memory_space<vmem>>) target(%dma_start3A_168 : memref<10240x128xf32, #tpu.memory_space<vmem_shared>>) offsets(%arg12 : memref<40xi32, #tpu.memory_space<vmem>>) semaphore(%run_scoped3A : memref<!tpu.dma_semaphore, #tpu.memory_space<semaphore_mem>>) {add = true}
        %dma_wait3A_169 = arith.constant 0 : i32
        %dma_wait3A_170 = arith.constant 0 : i32
        %dma_wait3A_171 = tpu.memref_slice %arg22[%dma_wait3A_169, %dma_wait3A_170] : memref<10240x128xf32, #tpu.memory_space<vmem_shared>> -> memref<10240x128xf32, #tpu.memory_space<vmem_shared>>
        tpu.wait_indirect_dma semaphore(%run_scoped3A : memref<!tpu.dma_semaphore, #tpu.memory_space<semaphore_mem>>) src(%arg17 : memref<40x128xf32, #tpu.memory_space<vmem>>) dst(%dma_wait3A_171 : memref<10240x128xf32, #tpu.memory_space<vmem_shared>>)
        tpu.yield
      }) : () -> ()
      "tpu.region"() ({
        %run_scoped3A = tpu.sem_alloc : memref<!tpu.dma_semaphore, #tpu.memory_space<semaphore_mem>>
        %dma_start3A_166 = arith.constant 0 : i32
        %dma_start3A_167 = arith.constant 0 : i32
        %dma_start3A_168 = tpu.memref_slice %arg22[%dma_start3A_166, %dma_start3A_167] : memref<10240x128xf32, #tpu.memory_space<vmem_shared>> -> memref<10240x128xf32, #tpu.memory_space<vmem_shared>>
        tpu.enqueue_indirect_dma source(%arg18 : memref<40x128xf32, #tpu.memory_space<vmem>>) target(%dma_start3A_168 : memref<10240x128xf32, #tpu.memory_space<vmem_shared>>) offsets(%arg13 : memref<40xi32, #tpu.memory_space<vmem>>) semaphore(%run_scoped3A : memref<!tpu.dma_semaphore, #tpu.memory_space<semaphore_mem>>) {add = true}
        %dma_wait3A_169 = arith.constant 0 : i32
        %dma_wait3A_170 = arith.constant 0 : i32
        %dma_wait3A_171 = tpu.memref_slice %arg22[%dma_wait3A_169, %dma_wait3A_170] : memref<10240x128xf32, #tpu.memory_space<vmem_shared>> -> memref<10240x128xf32, #tpu.memory_space<vmem_shared>>
        tpu.wait_indirect_dma semaphore(%run_scoped3A : memref<!tpu.dma_semaphore, #tpu.memory_space<semaphore_mem>>) src(%arg18 : memref<40x128xf32, #tpu.memory_space<vmem>>) dst(%dma_wait3A_171 : memref<10240x128xf32, #tpu.memory_space<vmem_shared>>)
        tpu.yield
      }) : () -> ()
      "tpu.region"() ({
        %run_scoped3A = tpu.sem_alloc : memref<!tpu.dma_semaphore, #tpu.memory_space<semaphore_mem>>
        %dma_start3A_166 = arith.constant 0 : i32
        %dma_start3A_167 = arith.constant 0 : i32
        %dma_start3A_168 = tpu.memref_slice %arg22[%dma_start3A_166, %dma_start3A_167] : memref<10240x128xf32, #tpu.memory_space<vmem_shared>> -> memref<10240x128xf32, #tpu.memory_space<vmem_shared>>
        tpu.enqueue_indirect_dma source(%arg19 : memref<40x128xf32, #tpu.memory_space<vmem>>) target(%dma_start3A_168 : memref<10240x128xf32, #tpu.memory_space<vmem_shared>>) offsets(%arg14 : memref<40xi32, #tpu.memory_space<vmem>>) semaphore(%run_scoped3A : memref<!tpu.dma_semaphore, #tpu.memory_space<semaphore_mem>>) {add = true}
        %dma_wait3A_169 = arith.constant 0 : i32
        %dma_wait3A_170 = arith.constant 0 : i32
        %dma_wait3A_171 = tpu.memref_slice %arg22[%dma_wait3A_169, %dma_wait3A_170] : memref<10240x128xf32, #tpu.memory_space<vmem_shared>> -> memref<10240x128xf32, #tpu.memory_space<vmem_shared>>
        tpu.wait_indirect_dma semaphore(%run_scoped3A : memref<!tpu.dma_semaphore, #tpu.memory_space<semaphore_mem>>) src(%arg19 : memref<40x128xf32, #tpu.memory_space<vmem>>) dst(%dma_wait3A_171 : memref<10240x128xf32, #tpu.memory_space<vmem_shared>>)
        tpu.yield
      }) : () -> ()
      "tpu.region"() ({
        %run_scoped3A = tpu.sem_alloc : memref<!tpu.dma_semaphore, #tpu.memory_space<semaphore_mem>>
        %dma_start3A_166 = arith.constant 0 : i32
        %dma_start3A_167 = arith.constant 0 : i32
        %dma_start3A_168 = tpu.memref_slice %arg22[%dma_start3A_166, %dma_start3A_167] : memref<10240x128xf32, #tpu.memory_space<vmem_shared>> -> memref<10240x128xf32, #tpu.memory_space<vmem_shared>>
        tpu.enqueue_indirect_dma source(%arg20 : memref<40x128xf32, #tpu.memory_space<vmem>>) target(%dma_start3A_168 : memref<10240x128xf32, #tpu.memory_space<vmem_shared>>) offsets(%arg15 : memref<40xi32, #tpu.memory_space<vmem>>) semaphore(%run_scoped3A : memref<!tpu.dma_semaphore, #tpu.memory_space<semaphore_mem>>) {add = true}
        %dma_wait3A_169 = arith.constant 0 : i32
        %dma_wait3A_170 = arith.constant 0 : i32
        %dma_wait3A_171 = tpu.memref_slice %arg22[%dma_wait3A_169, %dma_wait3A_170] : memref<10240x128xf32, #tpu.memory_space<vmem_shared>> -> memref<10240x128xf32, #tpu.memory_space<vmem_shared>>
        tpu.wait_indirect_dma semaphore(%run_scoped3A : memref<!tpu.dma_semaphore, #tpu.memory_space<semaphore_mem>>) src(%arg20 : memref<40x128xf32, #tpu.memory_space<vmem>>) dst(%dma_wait3A_171 : memref<10240x128xf32, #tpu.memory_space<vmem_shared>>)
        tpu.yield
      }) : () -> ()
      "tpu.region"() ({
        %run_scoped3A = tpu.sem_alloc : memref<!tpu.dma_semaphore, #tpu.memory_space<semaphore_mem>>
        %dma_start3A_166 = arith.constant 0 : i32
        %dma_start3A_167 = arith.constant 0 : i32
        %dma_start3A_168 = tpu.memref_slice %arg22[%dma_start3A_166, %dma_start3A_167] : memref<10240x128xf32, #tpu.memory_space<vmem_shared>> -> memref<10240x128xf32, #tpu.memory_space<vmem_shared>>
        tpu.enqueue_indirect_dma source(%arg21 : memref<40x128xf32, #tpu.memory_space<vmem>>) target(%dma_start3A_168 : memref<10240x128xf32, #tpu.memory_space<vmem_shared>>) offsets(%arg16 : memref<40xi32, #tpu.memory_space<vmem>>) semaphore(%run_scoped3A : memref<!tpu.dma_semaphore, #tpu.memory_space<semaphore_mem>>) {add = true}
        %dma_wait3A_169 = arith.constant 0 : i32
        %dma_wait3A_170 = arith.constant 0 : i32
        %dma_wait3A_171 = tpu.memref_slice %arg22[%dma_wait3A_169, %dma_wait3A_170] : memref<10240x128xf32, #tpu.memory_space<vmem_shared>> -> memref<10240x128xf32, #tpu.memory_space<vmem_shared>>
        tpu.wait_indirect_dma semaphore(%run_scoped3A : memref<!tpu.dma_semaphore, #tpu.memory_space<semaphore_mem>>) src(%arg21 : memref<40x128xf32, #tpu.memory_space<vmem>>) dst(%dma_wait3A_171 : memref<10240x128xf32, #tpu.memory_space<vmem_shared>>)
        tpu.yield
      }) : () -> ()
    }
    %scan3A_6 = arith.constant 100 : i32
    "tpu.region"() ({
      %run_scoped3A = tpu.sem_alloc : memref<!tpu.dma_semaphore, #tpu.memory_space<semaphore_mem>>
      %dma_start3A = arith.constant 0 : i32
      %dma_start3A_9 = arith.constant 0 : i32
      %dma_start3A_10 = tpu.memref_slice %arg17[%dma_start3A, %dma_start3A_9] : memref<40x128xf32, #tpu.memory_space<vmem>> -> memref<8x128xf32, #tpu.memory_space<vmem>>
      %dma_start3A_11 = arith.constant 0 : i32
      %dma_start3A_12 = tpu.memref_slice %arg22[%mul3A_2, %dma_start3A_11] : memref<10240x128xf32, #tpu.memory_space<vmem_shared>> -> memref<8x128xf32, #tpu.memory_space<vmem_shared>>
      %dma_start3A_13 = arith.constant 0 : i32
      %dma_start3A_14 = arith.constant 0 : i32
      %dma_start3A_15 = tpu.memref_slice %arg17[%dma_start3A_13, %dma_start3A_14] : memref<40x128xf32, #tpu.memory_space<vmem>> -> memref<8x128xf32, #tpu.memory_space<vmem>>
      %dma_start3A_16 = arith.constant 0 : i32
      %dma_start3A_17 = tpu.memref_slice %arg22[%mul3A_2, %dma_start3A_16] : memref<10240x128xf32, #tpu.memory_space<vmem_shared>> -> memref<8x128xf32, #tpu.memory_space<vmem_shared>>
      tpu.enqueue_dma source(%dma_start3A_17 : memref<8x128xf32, #tpu.memory_space<vmem_shared>>) target(%dma_start3A_15 : memref<8x128xf32, #tpu.memory_space<vmem>>) target_semaphore(%run_scoped3A : memref<!tpu.dma_semaphore, #tpu.memory_space<semaphore_mem>>)
      %dma_wait3A = arith.constant 0 : i32
      %dma_wait3A_18 = arith.constant 0 : i32
      %dma_wait3A_19 = tpu.memref_slice %arg17[%dma_wait3A, %dma_wait3A_18] : memref<40x128xf32, #tpu.memory_space<vmem>> -> memref<8x128xf32, #tpu.memory_space<vmem>>
      %dma_wait3A_20 = arith.constant 0 : i32
      %dma_wait3A_21 = tpu.memref_slice %arg22[%mul3A_2, %dma_wait3A_20] : memref<10240x128xf32, #tpu.memory_space<vmem_shared>> -> memref<8x128xf32, #tpu.memory_space<vmem_shared>>
      %dma_wait3A_22 = arith.constant 0 : i32
      %dma_wait3A_23 = arith.constant 0 : i32
      %dma_wait3A_24 = tpu.memref_slice %arg17[%dma_wait3A_22, %dma_wait3A_23] : memref<40x128xf32, #tpu.memory_space<vmem>> -> memref<8x128xf32, #tpu.memory_space<vmem>>
      %dma_wait3A_25 = arith.constant 0 : i32
      %dma_wait3A_26 = tpu.memref_slice %arg22[%mul3A_2, %dma_wait3A_25] : memref<10240x128xf32, #tpu.memory_space<vmem_shared>> -> memref<8x128xf32, #tpu.memory_space<vmem_shared>>
      tpu.wait_dma2 semaphore(%run_scoped3A : memref<!tpu.dma_semaphore, #tpu.memory_space<semaphore_mem>>) src(%dma_wait3A_26 : memref<8x128xf32, #tpu.memory_space<vmem_shared>>) dst(%dma_wait3A_24 : memref<8x128xf32, #tpu.memory_space<vmem>>)
      tpu.yield
    }) : () -> ()
    %barrier3A_7 = arith.constant 0 : index
    tpu.barrier barrier_id(%barrier3A_7)
    %barrier3A_8 = arith.constant 0 : index
    tpu.barrier barrier_id(%barrier3A_8)
    "tpu.region"() ({
      %run_scoped3A = tpu.sem_alloc : memref<!tpu.dma_semaphore, #tpu.memory_space<semaphore_mem>>
      %dma_start3A = arith.constant 0 : i32
      %dma_start3A_9 = tpu.memref_slice %arg6[%arg0, %mul3A_2, %dma_start3A] : memref<2x10240x128xf32, #tpu.memory_space<hbm>> -> memref<1x640x128xf32, #tpu.memory_space<hbm>>
      %dma_start3A_10 = tpu.memref_squeeze %dma_start3A_9 : memref<1x640x128xf32, #tpu.memory_space<hbm>> -> memref<640x128xf32, #tpu.memory_space<hbm>>
      %dma_start3A_11 = arith.constant 0 : i32
      %dma_start3A_12 = tpu.memref_slice %arg22[%mul3A_2, %dma_start3A_11] : memref<10240x128xf32, #tpu.memory_space<vmem_shared>> -> memref<640x128xf32, #tpu.memory_space<vmem_shared>>
      tpu.enqueue_dma source(%dma_start3A_12 : memref<640x128xf32, #tpu.memory_space<vmem_shared>>) target(%dma_start3A_10 : memref<640x128xf32, #tpu.memory_space<hbm>>) target_semaphore(%run_scoped3A : memref<!tpu.dma_semaphore, #tpu.memory_space<semaphore_mem>>)
      %dma_wait3A = arith.constant 0 : i32
      %dma_wait3A_13 = tpu.memref_slice %arg6[%arg0, %mul3A_2, %dma_wait3A] : memref<2x10240x128xf32, #tpu.memory_space<hbm>> -> memref<1x640x128xf32, #tpu.memory_space<hbm>>
      %dma_wait3A_14 = tpu.memref_squeeze %dma_wait3A_13 : memref<1x640x128xf32, #tpu.memory_space<hbm>> -> memref<640x128xf32, #tpu.memory_space<hbm>>
      %dma_wait3A_15 = arith.constant 0 : i32
      %dma_wait3A_16 = tpu.memref_slice %arg22[%mul3A_2, %dma_wait3A_15] : memref<10240x128xf32, #tpu.memory_space<vmem_shared>> -> memref<640x128xf32, #tpu.memory_space<vmem_shared>>
      tpu.wait_dma2 semaphore(%run_scoped3A : memref<!tpu.dma_semaphore, #tpu.memory_space<semaphore_mem>>) src(%dma_wait3A_16 : memref<640x128xf32, #tpu.memory_space<vmem_shared>>) dst(%dma_wait3A_14 : memref<640x128xf32, #tpu.memory_space<hbm>>)
      tpu.yield
    }) : () -> ()
    return
  }
}

#map = affine_map<(d0, d1) -> (0)>
#map1 = affine_map<(d0, d1) -> (0, 0)>
#map2 = affine_map<(d0, d1) -> (0, 0, 0)>
module attributes {stable_mosaic.version = 14 : i64} {
  func.func @_deg_kernel(%arg0: i32, %arg1: i32, %arg2: memref<320000xi32, #tpu.memory_space<hbm>>, %arg3: memref<640x16xf32, #tpu.memory_space<hbm>>, %arg4: memref<2x10240x16xf32, #tpu.memory_space<hbm>>, %arg5: memref<40xi32, #tpu.memory_space<vmem>>, %arg6: memref<40x16xf32, #tpu.memory_space<vmem>>, %arg7: memref<64x16xf32, #tpu.memory_space<vmem>>, %arg8: memref<10240x16xf32, #tpu.memory_space<vmem_shared>>) attributes {dimension_semantics = [#tpu.dimension_semantics<core_parallel>, #tpu.dimension_semantics<subcore_parallel>], iteration_bounds = array<i64: 2, 16>, scalar_prefetch = 0 : i64, scratch_operands = 4 : i64, tpu.core_type = #tpu.core_type<sc_vector_subcore>, window_params = [{transform_indices = #map}, {transform_indices = #map1}, {transform_indices = #map2}]} {
    %mul3A = arith.constant 16 : i32
    %mul3A_0 = arith.muli %arg0, %mul3A : i32
    %add3A = arith.addi %mul3A_0, %arg1 : i32
    %mul3A_1 = arith.constant 10000 : i32
    %mul3A_2 = arith.muli %add3A, %mul3A_1 : i32
    %scan3A = arith.constant 0 : i32
    %scan3A_3 = arith.constant 40 : i32
    %scan3A_4 = arith.addi %scan3A, %scan3A_3 : i32
    %scan3A_5 = arith.constant 1 : i32
    scf.for %scan3A_16 = %scan3A to %scan3A_4 step %scan3A_5  : i32 {
      %mul3A_17 = arith.constant 1 : i32
      %mul3A_18 = arith.muli %scan3A_16, %mul3A_17 : i32
      %add3A_19 = arith.constant 0 : i32
      %add3A_20 = arith.addi %add3A_19, %mul3A_18 : i32
      %broadcast_in_dim3A = arith.constant 1.000000e+00 : f32
      %broadcast_in_dim3A_21 = vector.broadcast %broadcast_in_dim3A : f32 to vector<16xf32>
      %swap3A = arith.index_cast %add3A_20 : i32 to index
      %swap3A_22 = arith.constant 0 : index
      %swap3A_23 = tpu.vector_load %arg6[%swap3A, %swap3A_22] {strides = array<i32>} : memref<40x16xf32, #tpu.memory_space<vmem>>, vector<1x16xf32>,
      %swap3A_24 = vector.shape_cast %swap3A_23 : vector<1x16xf32> to vector<16xf32>
      %swap3A_25 = vector.shape_cast %broadcast_in_dim3A_21 : vector<16xf32> to vector<1x16xf32>
      tpu.vector_store %arg6[%swap3A, %swap3A_22], %swap3A_25 {strides = array<i32>} : memref<40x16xf32, #tpu.memory_space<vmem>>, vector<1x16xf32>,
    }
    %scan3A_6 = arith.constant 40 : i32
    %mul3A_7 = arith.constant 640 : i32
    %mul3A_8 = arith.muli %arg1, %mul3A_7 : i32
    "tpu.region"() ({
      %run_scoped3A = tpu.sem_alloc : memref<!tpu.dma_semaphore, #tpu.memory_space<semaphore_mem>>
      %dma_start3A = arith.constant 0 : i32
      %dma_start3A_16 = tpu.memref_slice %arg8[%mul3A_8, %dma_start3A] : memref<10240x16xf32, #tpu.memory_space<vmem_shared>> -> memref<640x16xf32, #tpu.memory_space<vmem_shared>>
      %dma_start3A_17 = arith.constant 0 : i32
      %dma_start3A_18 = arith.constant 0 : i32
      %dma_start3A_19 = tpu.memref_slice %arg3[%dma_start3A_17, %dma_start3A_18] : memref<640x16xf32, #tpu.memory_space<hbm>> -> memref<640x16xf32, #tpu.memory_space<hbm>>
      tpu.enqueue_dma source(%dma_start3A_19 : memref<640x16xf32, #tpu.memory_space<hbm>>) target(%dma_start3A_16 : memref<640x16xf32, #tpu.memory_space<vmem_shared>>) target_semaphore(%run_scoped3A : memref<!tpu.dma_semaphore, #tpu.memory_space<semaphore_mem>>)
      %dma_wait3A = arith.constant 0 : i32
      %dma_wait3A_20 = tpu.memref_slice %arg8[%mul3A_8, %dma_wait3A] : memref<10240x16xf32, #tpu.memory_space<vmem_shared>> -> memref<640x16xf32, #tpu.memory_space<vmem_shared>>
      %dma_wait3A_21 = arith.constant 0 : i32
      %dma_wait3A_22 = arith.constant 0 : i32
      %dma_wait3A_23 = tpu.memref_slice %arg3[%dma_wait3A_21, %dma_wait3A_22] : memref<640x16xf32, #tpu.memory_space<hbm>> -> memref<640x16xf32, #tpu.memory_space<hbm>>
      tpu.wait_dma2 semaphore(%run_scoped3A : memref<!tpu.dma_semaphore, #tpu.memory_space<semaphore_mem>>) src(%dma_wait3A_23 : memref<640x16xf32, #tpu.memory_space<hbm>>) dst(%dma_wait3A_20 : memref<640x16xf32, #tpu.memory_space<vmem_shared>>)
      tpu.yield
    }) : () -> ()
    "tpu.region"() ({
      %run_scoped3A = tpu.sem_alloc : memref<!tpu.dma_semaphore, #tpu.memory_space<semaphore_mem>>
      %dma_start3A = arith.constant 0 : i32
      %dma_start3A_16 = arith.constant 0 : i32
      %dma_start3A_17 = tpu.memref_slice %arg7[%dma_start3A, %dma_start3A_16] : memref<64x16xf32, #tpu.memory_space<vmem>> -> memref<8x16xf32, #tpu.memory_space<vmem>>
      %dma_start3A_18 = arith.constant 0 : i32
      %dma_start3A_19 = tpu.memref_slice %arg8[%mul3A_8, %dma_start3A_18] : memref<10240x16xf32, #tpu.memory_space<vmem_shared>> -> memref<8x16xf32, #tpu.memory_space<vmem_shared>>
      %dma_start3A_20 = arith.constant 0 : i32
      %dma_start3A_21 = arith.constant 0 : i32
      %dma_start3A_22 = tpu.memref_slice %arg7[%dma_start3A_20, %dma_start3A_21] : memref<64x16xf32, #tpu.memory_space<vmem>> -> memref<8x16xf32, #tpu.memory_space<vmem>>
      %dma_start3A_23 = arith.constant 0 : i32
      %dma_start3A_24 = tpu.memref_slice %arg8[%mul3A_8, %dma_start3A_23] : memref<10240x16xf32, #tpu.memory_space<vmem_shared>> -> memref<8x16xf32, #tpu.memory_space<vmem_shared>>
      tpu.enqueue_dma source(%dma_start3A_24 : memref<8x16xf32, #tpu.memory_space<vmem_shared>>) target(%dma_start3A_22 : memref<8x16xf32, #tpu.memory_space<vmem>>) target_semaphore(%run_scoped3A : memref<!tpu.dma_semaphore, #tpu.memory_space<semaphore_mem>>)
      %dma_wait3A = arith.constant 0 : i32
      %dma_wait3A_25 = arith.constant 0 : i32
      %dma_wait3A_26 = tpu.memref_slice %arg7[%dma_wait3A, %dma_wait3A_25] : memref<64x16xf32, #tpu.memory_space<vmem>> -> memref<8x16xf32, #tpu.memory_space<vmem>>
      %dma_wait3A_27 = arith.constant 0 : i32
      %dma_wait3A_28 = tpu.memref_slice %arg8[%mul3A_8, %dma_wait3A_27] : memref<10240x16xf32, #tpu.memory_space<vmem_shared>> -> memref<8x16xf32, #tpu.memory_space<vmem_shared>>
      %dma_wait3A_29 = arith.constant 0 : i32
      %dma_wait3A_30 = arith.constant 0 : i32
      %dma_wait3A_31 = tpu.memref_slice %arg7[%dma_wait3A_29, %dma_wait3A_30] : memref<64x16xf32, #tpu.memory_space<vmem>> -> memref<8x16xf32, #tpu.memory_space<vmem>>
      %dma_wait3A_32 = arith.constant 0 : i32
      %dma_wait3A_33 = tpu.memref_slice %arg8[%mul3A_8, %dma_wait3A_32] : memref<10240x16xf32, #tpu.memory_space<vmem_shared>> -> memref<8x16xf32, #tpu.memory_space<vmem_shared>>
      tpu.wait_dma2 semaphore(%run_scoped3A : memref<!tpu.dma_semaphore, #tpu.memory_space<semaphore_mem>>) src(%dma_wait3A_33 : memref<8x16xf32, #tpu.memory_space<vmem_shared>>) dst(%dma_wait3A_31 : memref<8x16xf32, #tpu.memory_space<vmem>>)
      tpu.yield
    }) : () -> ()
    %barrier3A = arith.constant 0 : index
    tpu.barrier barrier_id(%barrier3A)
    %scan3A_9 = arith.constant 0 : i32
    %scan3A_10 = arith.constant 250 : i32
    %scan3A_11 = arith.addi %scan3A_9, %scan3A_10 : i32
    %scan3A_12 = arith.constant 1 : i32
    scf.for %scan3A_16 = %scan3A_9 to %scan3A_11 step %scan3A_12  : i32 {
      %mul3A_17 = arith.constant 1 : i32
      %mul3A_18 = arith.muli %scan3A_16, %mul3A_17 : i32
      %add3A_19 = arith.constant 0 : i32
      %add3A_20 = arith.addi %add3A_19, %mul3A_18 : i32
      %mul3A_21 = arith.constant 40 : i32
      %mul3A_22 = arith.muli %add3A_20, %mul3A_21 : i32
      %add3A_23 = arith.addi %mul3A_2, %mul3A_22 : i32
      "tpu.region"() ({
        %run_scoped3A = tpu.sem_alloc : memref<!tpu.dma_semaphore, #tpu.memory_space<semaphore_mem>>
        %dma_start3A = tpu.memref_slice %arg2[%add3A_23] : memref<320000xi32, #tpu.memory_space<hbm>> -> memref<40xi32, #tpu.memory_space<hbm>>
        %dma_start3A_24 = tpu.memref_slice %arg2[%add3A_23] : memref<320000xi32, #tpu.memory_space<hbm>> -> memref<40xi32, #tpu.memory_space<hbm>>
        tpu.enqueue_dma source(%dma_start3A_24 : memref<40xi32, #tpu.memory_space<hbm>>) target(%arg5 : memref<40xi32, #tpu.memory_space<vmem>>) target_semaphore(%run_scoped3A : memref<!tpu.dma_semaphore, #tpu.memory_space<semaphore_mem>>)
        %dma_wait3A = tpu.memref_slice %arg2[%add3A_23] : memref<320000xi32, #tpu.memory_space<hbm>> -> memref<40xi32, #tpu.memory_space<hbm>>
        %dma_wait3A_25 = tpu.memref_slice %arg2[%add3A_23] : memref<320000xi32, #tpu.memory_space<hbm>> -> memref<40xi32, #tpu.memory_space<hbm>>
        tpu.wait_dma2 semaphore(%run_scoped3A : memref<!tpu.dma_semaphore, #tpu.memory_space<semaphore_mem>>) src(%dma_wait3A_25 : memref<40xi32, #tpu.memory_space<hbm>>) dst(%arg5 : memref<40xi32, #tpu.memory_space<vmem>>)
        tpu.yield
      }) : () -> ()
      "tpu.region"() ({
        %run_scoped3A = tpu.sem_alloc : memref<!tpu.dma_semaphore, #tpu.memory_space<semaphore_mem>>
        %dma_start3A = arith.constant 0 : i32
        %dma_start3A_24 = arith.constant 0 : i32
        %dma_start3A_25 = tpu.memref_slice %arg8[%dma_start3A, %dma_start3A_24] : memref<10240x16xf32, #tpu.memory_space<vmem_shared>> -> memref<10240x16xf32, #tpu.memory_space<vmem_shared>>
        tpu.enqueue_indirect_dma source(%arg6 : memref<40x16xf32, #tpu.memory_space<vmem>>) target(%dma_start3A_25 : memref<10240x16xf32, #tpu.memory_space<vmem_shared>>) offsets(%arg5 : memref<40xi32, #tpu.memory_space<vmem>>) semaphore(%run_scoped3A : memref<!tpu.dma_semaphore, #tpu.memory_space<semaphore_mem>>) {add = true}
        %dma_wait3A = arith.constant 0 : i32
        %dma_wait3A_26 = arith.constant 0 : i32
        %dma_wait3A_27 = tpu.memref_slice %arg8[%dma_wait3A, %dma_wait3A_26] : memref<10240x16xf32, #tpu.memory_space<vmem_shared>> -> memref<10240x16xf32, #tpu.memory_space<vmem_shared>>
        tpu.wait_indirect_dma semaphore(%run_scoped3A : memref<!tpu.dma_semaphore, #tpu.memory_space<semaphore_mem>>) src(%arg6 : memref<40x16xf32, #tpu.memory_space<vmem>>) dst(%dma_wait3A_27 : memref<10240x16xf32, #tpu.memory_space<vmem_shared>>)
        tpu.yield
      }) : () -> ()
    }
    %scan3A_13 = arith.constant 250 : i32
    "tpu.region"() ({
      %run_scoped3A = tpu.sem_alloc : memref<!tpu.dma_semaphore, #tpu.memory_space<semaphore_mem>>
      %dma_start3A = arith.constant 0 : i32
      %dma_start3A_16 = arith.constant 0 : i32
      %dma_start3A_17 = tpu.memref_slice %arg7[%dma_start3A, %dma_start3A_16] : memref<64x16xf32, #tpu.memory_space<vmem>> -> memref<8x16xf32, #tpu.memory_space<vmem>>
      %dma_start3A_18 = arith.constant 0 : i32
      %dma_start3A_19 = tpu.memref_slice %arg8[%mul3A_8, %dma_start3A_18] : memref<10240x16xf32, #tpu.memory_space<vmem_shared>> -> memref<8x16xf32, #tpu.memory_space<vmem_shared>>
      %dma_start3A_20 = arith.constant 0 : i32
      %dma_start3A_21 = arith.constant 0 : i32
      %dma_start3A_22 = tpu.memref_slice %arg7[%dma_start3A_20, %dma_start3A_21] : memref<64x16xf32, #tpu.memory_space<vmem>> -> memref<8x16xf32, #tpu.memory_space<vmem>>
      %dma_start3A_23 = arith.constant 0 : i32
      %dma_start3A_24 = tpu.memref_slice %arg8[%mul3A_8, %dma_start3A_23] : memref<10240x16xf32, #tpu.memory_space<vmem_shared>> -> memref<8x16xf32, #tpu.memory_space<vmem_shared>>
      tpu.enqueue_dma source(%dma_start3A_24 : memref<8x16xf32, #tpu.memory_space<vmem_shared>>) target(%dma_start3A_22 : memref<8x16xf32, #tpu.memory_space<vmem>>) target_semaphore(%run_scoped3A : memref<!tpu.dma_semaphore, #tpu.memory_space<semaphore_mem>>)
      %dma_wait3A = arith.constant 0 : i32
      %dma_wait3A_25 = arith.constant 0 : i32
      %dma_wait3A_26 = tpu.memref_slice %arg7[%dma_wait3A, %dma_wait3A_25] : memref<64x16xf32, #tpu.memory_space<vmem>> -> memref<8x16xf32, #tpu.memory_space<vmem>>
      %dma_wait3A_27 = arith.constant 0 : i32
      %dma_wait3A_28 = tpu.memref_slice %arg8[%mul3A_8, %dma_wait3A_27] : memref<10240x16xf32, #tpu.memory_space<vmem_shared>> -> memref<8x16xf32, #tpu.memory_space<vmem_shared>>
      %dma_wait3A_29 = arith.constant 0 : i32
      %dma_wait3A_30 = arith.constant 0 : i32
      %dma_wait3A_31 = tpu.memref_slice %arg7[%dma_wait3A_29, %dma_wait3A_30] : memref<64x16xf32, #tpu.memory_space<vmem>> -> memref<8x16xf32, #tpu.memory_space<vmem>>
      %dma_wait3A_32 = arith.constant 0 : i32
      %dma_wait3A_33 = tpu.memref_slice %arg8[%mul3A_8, %dma_wait3A_32] : memref<10240x16xf32, #tpu.memory_space<vmem_shared>> -> memref<8x16xf32, #tpu.memory_space<vmem_shared>>
      tpu.wait_dma2 semaphore(%run_scoped3A : memref<!tpu.dma_semaphore, #tpu.memory_space<semaphore_mem>>) src(%dma_wait3A_33 : memref<8x16xf32, #tpu.memory_space<vmem_shared>>) dst(%dma_wait3A_31 : memref<8x16xf32, #tpu.memory_space<vmem>>)
      tpu.yield
    }) : () -> ()
    %barrier3A_14 = arith.constant 0 : index
    tpu.barrier barrier_id(%barrier3A_14)
    %barrier3A_15 = arith.constant 0 : index
    tpu.barrier barrier_id(%barrier3A_15)
    "tpu.region"() ({
      %run_scoped3A = tpu.sem_alloc : memref<!tpu.dma_semaphore, #tpu.memory_space<semaphore_mem>>
      %dma_start3A = arith.constant 0 : i32
      %dma_start3A_16 = tpu.memref_slice %arg4[%arg0, %mul3A_8, %dma_start3A] : memref<2x10240x16xf32, #tpu.memory_space<hbm>> -> memref<1x640x16xf32, #tpu.memory_space<hbm>>
      %dma_start3A_17 = tpu.memref_squeeze %dma_start3A_16 : memref<1x640x16xf32, #tpu.memory_space<hbm>> -> memref<640x16xf32, #tpu.memory_space<hbm>>
      %dma_start3A_18 = arith.constant 0 : i32
      %dma_start3A_19 = tpu.memref_slice %arg8[%mul3A_8, %dma_start3A_18] : memref<10240x16xf32, #tpu.memory_space<vmem_shared>> -> memref<640x16xf32, #tpu.memory_space<vmem_shared>>
      tpu.enqueue_dma source(%dma_start3A_19 : memref<640x16xf32, #tpu.memory_space<vmem_shared>>) target(%dma_start3A_17 : memref<640x16xf32, #tpu.memory_space<hbm>>) target_semaphore(%run_scoped3A : memref<!tpu.dma_semaphore, #tpu.memory_space<semaphore_mem>>)
      %dma_wait3A = arith.constant 0 : i32
      %dma_wait3A_20 = tpu.memref_slice %arg4[%arg0, %mul3A_8, %dma_wait3A] : memref<2x10240x16xf32, #tpu.memory_space<hbm>> -> memref<1x640x16xf32, #tpu.memory_space<hbm>>
      %dma_wait3A_21 = tpu.memref_squeeze %dma_wait3A_20 : memref<1x640x16xf32, #tpu.memory_space<hbm>> -> memref<640x16xf32, #tpu.memory_space<hbm>>
      %dma_wait3A_22 = arith.constant 0 : i32
      %dma_wait3A_23 = tpu.memref_slice %arg8[%mul3A_8, %dma_wait3A_22] : memref<10240x16xf32, #tpu.memory_space<vmem_shared>> -> memref<640x16xf32, #tpu.memory_space<vmem_shared>>
      tpu.wait_dma2 semaphore(%run_scoped3A : memref<!tpu.dma_semaphore, #tpu.memory_space<semaphore_mem>>) src(%dma_wait3A_23 : memref<640x16xf32, #tpu.memory_space<vmem_shared>>) dst(%dma_wait3A_21 : memref<640x16xf32, #tpu.memory_space<hbm>>)
      tpu.yield
    }) : () -> ()
    return
  }
}

#map = affine_map<(d0, d1) -> (0, 0, 0)>
#map1 = affine_map<(d0, d1) -> (0)>
#map2 = affine_map<(d0, d1) -> (0, 0)>
module attributes {stable_mosaic.version = 14 : i64} {
  func.func @_scatter_kernel(%arg0: i32, %arg1: i32, %arg2: memref<2x10000x128xf32, #tpu.memory_space<hbm>>, %arg3: memref<320000xi32, #tpu.memory_space<hbm>>, %arg4: memref<320000xi32, #tpu.memory_space<hbm>>, %arg5: memref<640x128xf32, #tpu.memory_space<hbm>>, %arg6: memref<2x10240x128xf32, #tpu.memory_space<hbm>>, %arg7: memref<40xi32, #tpu.memory_space<vmem>>, %arg8: memref<40xi32, #tpu.memory_space<vmem>>, %arg9: memref<40xi32, #tpu.memory_space<vmem>>, %arg10: memref<40xi32, #tpu.memory_space<vmem>>, %arg11: memref<40xi32, #tpu.memory_space<vmem>>, %arg12: memref<40xi32, #tpu.memory_space<vmem>>, %arg13: memref<40xi32, #tpu.memory_space<vmem>>, %arg14: memref<40xi32, #tpu.memory_space<vmem>>, %arg15: memref<40xi32, #tpu.memory_space<vmem>>, %arg16: memref<40xi32, #tpu.memory_space<vmem>>, %arg17: memref<40x128xf32, #tpu.memory_space<vmem>>, %arg18: memref<40x128xf32, #tpu.memory_space<vmem>>, %arg19: memref<40x128xf32, #tpu.memory_space<vmem>>, %arg20: memref<40x128xf32, #tpu.memory_space<vmem>>, %arg21: memref<40x128xf32, #tpu.memory_space<vmem>>, %arg22: memref<10240x128xf32, #tpu.memory_space<vmem_shared>>, %arg23: memref<!tpu.dma_semaphore, #tpu.memory_space<semaphore_mem>>, %arg24: memref<!tpu.dma_semaphore, #tpu.memory_space<semaphore_mem>>) attributes {dimension_semantics = [#tpu.dimension_semantics<core_parallel>, #tpu.dimension_semantics<subcore_parallel>], iteration_bounds = array<i64: 2, 16>, scalar_prefetch = 0 : i64, scratch_operands = 18 : i64, tpu.core_type = #tpu.core_type<sc_vector_subcore>, window_params = [{transform_indices = #map}, {transform_indices = #map1}, {transform_indices = #map1}, {transform_indices = #map2}, {transform_indices = #map}]} {
    %mul3A = arith.constant 20000 : i32
    %mul3A_0 = arith.muli %arg1, %mul3A : i32
    %mul3A_1 = arith.constant 640 : i32
    %mul3A_2 = arith.muli %arg1, %mul3A_1 : i32
    "tpu.region"() ({
      %run_scoped3A = tpu.sem_alloc : memref<!tpu.dma_semaphore, #tpu.memory_space<semaphore_mem>>
      %dma_start3A = arith.constant 0 : i32
      %dma_start3A_9 = tpu.memref_slice %arg22[%mul3A_2, %dma_start3A] : memref<10240x128xf32, #tpu.memory_space<vmem_shared>> -> memref<640x128xf32, #tpu.memory_space<vmem_shared>>
      tpu.enqueue_dma source(%arg5 : memref<640x128xf32, #tpu.memory_space<hbm>>) target(%dma_start3A_9 : memref<640x128xf32, #tpu.memory_space<vmem_shared>>) target_semaphore(%run_scoped3A : memref<!tpu.dma_semaphore, #tpu.memory_space<semaphore_mem>>)
      %dma_wait3A = arith.constant 0 : i32
      %dma_wait3A_10 = tpu.memref_slice %arg22[%mul3A_2, %dma_wait3A] : memref<10240x128xf32, #tpu.memory_space<vmem_shared>> -> memref<640x128xf32, #tpu.memory_space<vmem_shared>>
      tpu.wait_dma2 semaphore(%run_scoped3A : memref<!tpu.dma_semaphore, #tpu.memory_space<semaphore_mem>>) src(%arg5 : memref<640x128xf32, #tpu.memory_space<hbm>>) dst(%dma_wait3A_10 : memref<640x128xf32, #tpu.memory_space<vmem_shared>>)
      tpu.yield
    }) : () -> ()
    "tpu.region"() ({
      %run_scoped3A = tpu.sem_alloc : memref<!tpu.dma_semaphore, #tpu.memory_space<semaphore_mem>>
      %dma_start3A = arith.constant 0 : i32
      %dma_start3A_9 = arith.constant 0 : i32
      %dma_start3A_10 = tpu.memref_slice %arg17[%dma_start3A, %dma_start3A_9] : memref<40x128xf32, #tpu.memory_space<vmem>> -> memref<8x128xf32, #tpu.memory_space<vmem>>
      %dma_start3A_11 = arith.constant 0 : i32
      %dma_start3A_12 = tpu.memref_slice %arg22[%mul3A_2, %dma_start3A_11] : memref<10240x128xf32, #tpu.memory_space<vmem_shared>> -> memref<8x128xf32, #tpu.memory_space<vmem_shared>>
      %dma_start3A_13 = arith.constant 0 : i32
      %dma_start3A_14 = arith.constant 0 : i32
      %dma_start3A_15 = tpu.memref_slice %arg17[%dma_start3A_13, %dma_start3A_14] : memref<40x128xf32, #tpu.memory_space<vmem>> -> memref<8x128xf32, #tpu.memory_space<vmem>>
      %dma_start3A_16 = arith.constant 0 : i32
      %dma_start3A_17 = tpu.memref_slice %arg22[%mul3A_2, %dma_start3A_16] : memref<10240x128xf32, #tpu.memory_space<vmem_shared>> -> memref<8x128xf32, #tpu.memory_space<vmem_shared>>
      tpu.enqueue_dma source(%dma_start3A_17 : memref<8x128xf32, #tpu.memory_space<vmem_shared>>) target(%dma_start3A_15 : memref<8x128xf32, #tpu.memory_space<vmem>>) target_semaphore(%run_scoped3A : memref<!tpu.dma_semaphore, #tpu.memory_space<semaphore_mem>>)
      %dma_wait3A = arith.constant 0 : i32
      %dma_wait3A_18 = arith.constant 0 : i32
      %dma_wait3A_19 = tpu.memref_slice %arg17[%dma_wait3A, %dma_wait3A_18] : memref<40x128xf32, #tpu.memory_space<vmem>> -> memref<8x128xf32, #tpu.memory_space<vmem>>
      %dma_wait3A_20 = arith.constant 0 : i32
      %dma_wait3A_21 = tpu.memref_slice %arg22[%mul3A_2, %dma_wait3A_20] : memref<10240x128xf32, #tpu.memory_space<vmem_shared>> -> memref<8x128xf32, #tpu.memory_space<vmem_shared>>
      %dma_wait3A_22 = arith.constant 0 : i32
      %dma_wait3A_23 = arith.constant 0 : i32
      %dma_wait3A_24 = tpu.memref_slice %arg17[%dma_wait3A_22, %dma_wait3A_23] : memref<40x128xf32, #tpu.memory_space<vmem>> -> memref<8x128xf32, #tpu.memory_space<vmem>>
      %dma_wait3A_25 = arith.constant 0 : i32
      %dma_wait3A_26 = tpu.memref_slice %arg22[%mul3A_2, %dma_wait3A_25] : memref<10240x128xf32, #tpu.memory_space<vmem_shared>> -> memref<8x128xf32, #tpu.memory_space<vmem_shared>>
      tpu.wait_dma2 semaphore(%run_scoped3A : memref<!tpu.dma_semaphore, #tpu.memory_space<semaphore_mem>>) src(%dma_wait3A_26 : memref<8x128xf32, #tpu.memory_space<vmem_shared>>) dst(%dma_wait3A_24 : memref<8x128xf32, #tpu.memory_space<vmem>>)
      tpu.yield
    }) : () -> ()
    %barrier3A = arith.constant 0 : index
    tpu.barrier barrier_id(%barrier3A)
    %scan3A = arith.constant 0 : i32
    %scan3A_3 = arith.constant 100 : i32
    %scan3A_4 = arith.addi %scan3A, %scan3A_3 : i32
    %scan3A_5 = arith.constant 1 : i32
    scf.for %scan3A_9 = %scan3A to %scan3A_4 step %scan3A_5  : i32 {
      %mul3A_10 = arith.constant 1 : i32
      %mul3A_11 = arith.muli %scan3A_9, %mul3A_10 : i32
      %add3A = arith.constant 0 : i32
      %add3A_12 = arith.addi %add3A, %mul3A_11 : i32
      %mul3A_13 = arith.constant 5 : i32
      %mul3A_14 = arith.muli %add3A_12, %mul3A_13 : i32
      %mul3A_15 = arith.constant 40 : i32
      %mul3A_16 = arith.muli %mul3A_14, %mul3A_15 : i32
      %add3A_17 = arith.addi %mul3A_0, %mul3A_16 : i32
      %add3A_18 = arith.constant 0 : i32
      %add3A_19 = arith.addi %add3A_17, %add3A_18 : i32
      %dma_start3A = tpu.memref_slice %arg3[%add3A_19] : memref<320000xi32, #tpu.memory_space<hbm>> -> memref<40xi32, #tpu.memory_space<hbm>>
      %dma_start3A_20 = tpu.memref_slice %arg3[%add3A_19] : memref<320000xi32, #tpu.memory_space<hbm>> -> memref<40xi32, #tpu.memory_space<hbm>>
      tpu.enqueue_dma source(%dma_start3A_20 : memref<40xi32, #tpu.memory_space<hbm>>) target(%arg7 : memref<40xi32, #tpu.memory_space<vmem>>) target_semaphore(%arg23 : memref<!tpu.dma_semaphore, #tpu.memory_space<semaphore_mem>>)
      %add3A_21 = arith.constant 0 : i32
      %add3A_22 = arith.addi %add3A_17, %add3A_21 : i32
      %dma_start3A_23 = tpu.memref_slice %arg4[%add3A_22] : memref<320000xi32, #tpu.memory_space<hbm>> -> memref<40xi32, #tpu.memory_space<hbm>>
      %dma_start3A_24 = tpu.memref_slice %arg4[%add3A_22] : memref<320000xi32, #tpu.memory_space<hbm>> -> memref<40xi32, #tpu.memory_space<hbm>>
      tpu.enqueue_dma source(%dma_start3A_24 : memref<40xi32, #tpu.memory_space<hbm>>) target(%arg12 : memref<40xi32, #tpu.memory_space<vmem>>) target_semaphore(%arg23 : memref<!tpu.dma_semaphore, #tpu.memory_space<semaphore_mem>>)
      %add3A_25 = arith.constant 40 : i32
      %add3A_26 = arith.addi %add3A_17, %add3A_25 : i32
      %dma_start3A_27 = tpu.memref_slice %arg3[%add3A_26] : memref<320000xi32, #tpu.memory_space<hbm>> -> memref<40xi32, #tpu.memory_space<hbm>>
      %dma_start3A_28 = tpu.memref_slice %arg3[%add3A_26] : memref<320000xi32, #tpu.memory_space<hbm>> -> memref<40xi32, #tpu.memory_space<hbm>>
      tpu.enqueue_dma source(%dma_start3A_28 : memref<40xi32, #tpu.memory_space<hbm>>) target(%arg8 : memref<40xi32, #tpu.memory_space<vmem>>) target_semaphore(%arg23 : memref<!tpu.dma_semaphore, #tpu.memory_space<semaphore_mem>>)
      %add3A_29 = arith.constant 40 : i32
      %add3A_30 = arith.addi %add3A_17, %add3A_29 : i32
      %dma_start3A_31 = tpu.memref_slice %arg4[%add3A_30] : memref<320000xi32, #tpu.memory_space<hbm>> -> memref<40xi32, #tpu.memory_space<hbm>>
      %dma_start3A_32 = tpu.memref_slice %arg4[%add3A_30] : memref<320000xi32, #tpu.memory_space<hbm>> -> memref<40xi32, #tpu.memory_space<hbm>>
      tpu.enqueue_dma source(%dma_start3A_32 : memref<40xi32, #tpu.memory_space<hbm>>) target(%arg13 : memref<40xi32, #tpu.memory_space<vmem>>) target_semaphore(%arg23 : memref<!tpu.dma_semaphore, #tpu.memory_space<semaphore_mem>>)
      %add3A_33 = arith.constant 80 : i32
      %add3A_34 = arith.addi %add3A_17, %add3A_33 : i32
      %dma_start3A_35 = tpu.memref_slice %arg3[%add3A_34] : memref<320000xi32, #tpu.memory_space<hbm>> -> memref<40xi32, #tpu.memory_space<hbm>>
      %dma_start3A_36 = tpu.memref_slice %arg3[%add3A_34] : memref<320000xi32, #tpu.memory_space<hbm>> -> memref<40xi32, #tpu.memory_space<hbm>>
      tpu.enqueue_dma source(%dma_start3A_36 : memref<40xi32, #tpu.memory_space<hbm>>) target(%arg9 : memref<40xi32, #tpu.memory_space<vmem>>) target_semaphore(%arg23 : memref<!tpu.dma_semaphore, #tpu.memory_space<semaphore_mem>>)
      %add3A_37 = arith.constant 80 : i32
      %add3A_38 = arith.addi %add3A_17, %add3A_37 : i32
      %dma_start3A_39 = tpu.memref_slice %arg4[%add3A_38] : memref<320000xi32, #tpu.memory_space<hbm>> -> memref<40xi32, #tpu.memory_space<hbm>>
      %dma_start3A_40 = tpu.memref_slice %arg4[%add3A_38] : memref<320000xi32, #tpu.memory_space<hbm>> -> memref<40xi32, #tpu.memory_space<hbm>>
      tpu.enqueue_dma source(%dma_start3A_40 : memref<40xi32, #tpu.memory_space<hbm>>) target(%arg14 : memref<40xi32, #tpu.memory_space<vmem>>) target_semaphore(%arg23 : memref<!tpu.dma_semaphore, #tpu.memory_space<semaphore_mem>>)
      %add3A_41 = arith.constant 120 : i32
      %add3A_42 = arith.addi %add3A_17, %add3A_41 : i32
      %dma_start3A_43 = tpu.memref_slice %arg3[%add3A_42] : memref<320000xi32, #tpu.memory_space<hbm>> -> memref<40xi32, #tpu.memory_space<hbm>>
      %dma_start3A_44 = tpu.memref_slice %arg3[%add3A_42] : memref<320000xi32, #tpu.memory_space<hbm>> -> memref<40xi32, #tpu.memory_space<hbm>>
      tpu.enqueue_dma source(%dma_start3A_44 : memref<40xi32, #tpu.memory_space<hbm>>) target(%arg10 : memref<40xi32, #tpu.memory_space<vmem>>) target_semaphore(%arg23 : memref<!tpu.dma_semaphore, #tpu.memory_space<semaphore_mem>>)
      %add3A_45 = arith.constant 120 : i32
      %add3A_46 = arith.addi %add3A_17, %add3A_45 : i32
      %dma_start3A_47 = tpu.memref_slice %arg4[%add3A_46] : memref<320000xi32, #tpu.memory_space<hbm>> -> memref<40xi32, #tpu.memory_space<hbm>>
      %dma_start3A_48 = tpu.memref_slice %arg4[%add3A_46] : memref<320000xi32, #tpu.memory_space<hbm>> -> memref<40xi32, #tpu.memory_space<hbm>>
      tpu.enqueue_dma source(%dma_start3A_48 : memref<40xi32, #tpu.memory_space<hbm>>) target(%arg15 : memref<40xi32, #tpu.memory_space<vmem>>) target_semaphore(%arg23 : memref<!tpu.dma_semaphore, #tpu.memory_space<semaphore_mem>>)
      %add3A_49 = arith.constant 160 : i32
      %add3A_50 = arith.addi %add3A_17, %add3A_49 : i32
      %dma_start3A_51 = tpu.memref_slice %arg3[%add3A_50] : memref<320000xi32, #tpu.memory_space<hbm>> -> memref<40xi32, #tpu.memory_space<hbm>>
      %dma_start3A_52 = tpu.memref_slice %arg3[%add3A_50] : memref<320000xi32, #tpu.memory_space<hbm>> -> memref<40xi32, #tpu.memory_space<hbm>>
      tpu.enqueue_dma source(%dma_start3A_52 : memref<40xi32, #tpu.memory_space<hbm>>) target(%arg11 : memref<40xi32, #tpu.memory_space<vmem>>) target_semaphore(%arg23 : memref<!tpu.dma_semaphore, #tpu.memory_space<semaphore_mem>>)
      %add3A_53 = arith.constant 160 : i32
      %add3A_54 = arith.addi %add3A_17, %add3A_53 : i32
      %dma_start3A_55 = tpu.memref_slice %arg4[%add3A_54] : memref<320000xi32, #tpu.memory_space<hbm>> -> memref<40xi32, #tpu.memory_space<hbm>>
      %dma_start3A_56 = tpu.memref_slice %arg4[%add3A_54] : memref<320000xi32, #tpu.memory_space<hbm>> -> memref<40xi32, #tpu.memory_space<hbm>>
      tpu.enqueue_dma source(%dma_start3A_56 : memref<40xi32, #tpu.memory_space<hbm>>) target(%arg16 : memref<40xi32, #tpu.memory_space<vmem>>) target_semaphore(%arg23 : memref<!tpu.dma_semaphore, #tpu.memory_space<semaphore_mem>>)
      %add3A_57 = arith.constant 0 : i32
      %add3A_58 = arith.addi %add3A_17, %add3A_57 : i32
      %dma_wait3A = tpu.memref_slice %arg3[%add3A_58] : memref<320000xi32, #tpu.memory_space<hbm>> -> memref<40xi32, #tpu.memory_space<hbm>>
      %dma_wait3A_59 = tpu.memref_slice %arg3[%add3A_58] : memref<320000xi32, #tpu.memory_space<hbm>> -> memref<40xi32, #tpu.memory_space<hbm>>
      tpu.wait_dma2 semaphore(%arg23 : memref<!tpu.dma_semaphore, #tpu.memory_space<semaphore_mem>>) src(%dma_wait3A_59 : memref<40xi32, #tpu.memory_space<hbm>>) dst(%arg7 : memref<40xi32, #tpu.memory_space<vmem>>)
      %add3A_60 = arith.constant 0 : i32
      %add3A_61 = arith.addi %add3A_17, %add3A_60 : i32
      %dma_wait3A_62 = tpu.memref_slice %arg4[%add3A_61] : memref<320000xi32, #tpu.memory_space<hbm>> -> memref<40xi32, #tpu.memory_space<hbm>>
      %dma_wait3A_63 = tpu.memref_slice %arg4[%add3A_61] : memref<320000xi32, #tpu.memory_space<hbm>> -> memref<40xi32, #tpu.memory_space<hbm>>
      tpu.wait_dma2 semaphore(%arg23 : memref<!tpu.dma_semaphore, #tpu.memory_space<semaphore_mem>>) src(%dma_wait3A_63 : memref<40xi32, #tpu.memory_space<hbm>>) dst(%arg12 : memref<40xi32, #tpu.memory_space<vmem>>)
      %add3A_64 = arith.constant 40 : i32
      %add3A_65 = arith.addi %add3A_17, %add3A_64 : i32
      %dma_wait3A_66 = tpu.memref_slice %arg3[%add3A_65] : memref<320000xi32, #tpu.memory_space<hbm>> -> memref<40xi32, #tpu.memory_space<hbm>>
      %dma_wait3A_67 = tpu.memref_slice %arg3[%add3A_65] : memref<320000xi32, #tpu.memory_space<hbm>> -> memref<40xi32, #tpu.memory_space<hbm>>
      tpu.wait_dma2 semaphore(%arg23 : memref<!tpu.dma_semaphore, #tpu.memory_space<semaphore_mem>>) src(%dma_wait3A_67 : memref<40xi32, #tpu.memory_space<hbm>>) dst(%arg8 : memref<40xi32, #tpu.memory_space<vmem>>)
      %add3A_68 = arith.constant 40 : i32
      %add3A_69 = arith.addi %add3A_17, %add3A_68 : i32
      %dma_wait3A_70 = tpu.memref_slice %arg4[%add3A_69] : memref<320000xi32, #tpu.memory_space<hbm>> -> memref<40xi32, #tpu.memory_space<hbm>>
      %dma_wait3A_71 = tpu.memref_slice %arg4[%add3A_69] : memref<320000xi32, #tpu.memory_space<hbm>> -> memref<40xi32, #tpu.memory_space<hbm>>
      tpu.wait_dma2 semaphore(%arg23 : memref<!tpu.dma_semaphore, #tpu.memory_space<semaphore_mem>>) src(%dma_wait3A_71 : memref<40xi32, #tpu.memory_space<hbm>>) dst(%arg13 : memref<40xi32, #tpu.memory_space<vmem>>)
      %add3A_72 = arith.constant 80 : i32
      %add3A_73 = arith.addi %add3A_17, %add3A_72 : i32
      %dma_wait3A_74 = tpu.memref_slice %arg3[%add3A_73] : memref<320000xi32, #tpu.memory_space<hbm>> -> memref<40xi32, #tpu.memory_space<hbm>>
      %dma_wait3A_75 = tpu.memref_slice %arg3[%add3A_73] : memref<320000xi32, #tpu.memory_space<hbm>> -> memref<40xi32, #tpu.memory_space<hbm>>
      tpu.wait_dma2 semaphore(%arg23 : memref<!tpu.dma_semaphore, #tpu.memory_space<semaphore_mem>>) src(%dma_wait3A_75 : memref<40xi32, #tpu.memory_space<hbm>>) dst(%arg9 : memref<40xi32, #tpu.memory_space<vmem>>)
      %add3A_76 = arith.constant 80 : i32
      %add3A_77 = arith.addi %add3A_17, %add3A_76 : i32
      %dma_wait3A_78 = tpu.memref_slice %arg4[%add3A_77] : memref<320000xi32, #tpu.memory_space<hbm>> -> memref<40xi32, #tpu.memory_space<hbm>>
      %dma_wait3A_79 = tpu.memref_slice %arg4[%add3A_77] : memref<320000xi32, #tpu.memory_space<hbm>> -> memref<40xi32, #tpu.memory_space<hbm>>
      tpu.wait_dma2 semaphore(%arg23 : memref<!tpu.dma_semaphore, #tpu.memory_space<semaphore_mem>>) src(%dma_wait3A_79 : memref<40xi32, #tpu.memory_space<hbm>>) dst(%arg14 : memref<40xi32, #tpu.memory_space<vmem>>)
      %add3A_80 = arith.constant 120 : i32
      %add3A_81 = arith.addi %add3A_17, %add3A_80 : i32
      %dma_wait3A_82 = tpu.memref_slice %arg3[%add3A_81] : memref<320000xi32, #tpu.memory_space<hbm>> -> memref<40xi32, #tpu.memory_space<hbm>>
      %dma_wait3A_83 = tpu.memref_slice %arg3[%add3A_81] : memref<320000xi32, #tpu.memory_space<hbm>> -> memref<40xi32, #tpu.memory_space<hbm>>
      tpu.wait_dma2 semaphore(%arg23 : memref<!tpu.dma_semaphore, #tpu.memory_space<semaphore_mem>>) src(%dma_wait3A_83 : memref<40xi32, #tpu.memory_space<hbm>>) dst(%arg10 : memref<40xi32, #tpu.memory_space<vmem>>)
      %add3A_84 = arith.constant 120 : i32
      %add3A_85 = arith.addi %add3A_17, %add3A_84 : i32
      %dma_wait3A_86 = tpu.memref_slice %arg4[%add3A_85] : memref<320000xi32, #tpu.memory_space<hbm>> -> memref<40xi32, #tpu.memory_space<hbm>>
      %dma_wait3A_87 = tpu.memref_slice %arg4[%add3A_85] : memref<320000xi32, #tpu.memory_space<hbm>> -> memref<40xi32, #tpu.memory_space<hbm>>
      tpu.wait_dma2 semaphore(%arg23 : memref<!tpu.dma_semaphore, #tpu.memory_space<semaphore_mem>>) src(%dma_wait3A_87 : memref<40xi32, #tpu.memory_space<hbm>>) dst(%arg15 : memref<40xi32, #tpu.memory_space<vmem>>)
      %add3A_88 = arith.constant 160 : i32
      %add3A_89 = arith.addi %add3A_17, %add3A_88 : i32
      %dma_wait3A_90 = tpu.memref_slice %arg3[%add3A_89] : memref<320000xi32, #tpu.memory_space<hbm>> -> memref<40xi32, #tpu.memory_space<hbm>>
      %dma_wait3A_91 = tpu.memref_slice %arg3[%add3A_89] : memref<320000xi32, #tpu.memory_space<hbm>> -> memref<40xi32, #tpu.memory_space<hbm>>
      tpu.wait_dma2 semaphore(%arg23 : memref<!tpu.dma_semaphore, #tpu.memory_space<semaphore_mem>>) src(%dma_wait3A_91 : memref<40xi32, #tpu.memory_space<hbm>>) dst(%arg11 : memref<40xi32, #tpu.memory_space<vmem>>)
      %add3A_92 = arith.constant 160 : i32
      %add3A_93 = arith.addi %add3A_17, %add3A_92 : i32
      %dma_wait3A_94 = tpu.memref_slice %arg4[%add3A_93] : memref<320000xi32, #tpu.memory_space<hbm>> -> memref<40xi32, #tpu.memory_space<hbm>>
      %dma_wait3A_95 = tpu.memref_slice %arg4[%add3A_93] : memref<320000xi32, #tpu.memory_space<hbm>> -> memref<40xi32, #tpu.memory_space<hbm>>
      tpu.wait_dma2 semaphore(%arg23 : memref<!tpu.dma_semaphore, #tpu.memory_space<semaphore_mem>>) src(%dma_wait3A_95 : memref<40xi32, #tpu.memory_space<hbm>>) dst(%arg16 : memref<40xi32, #tpu.memory_space<vmem>>)
      %dma_start3A_96 = arith.constant 0 : i32
      %dma_start3A_97 = arith.constant 0 : i32
      %dma_start3A_98 = tpu.memref_slice %arg2[%arg0, %dma_start3A_96, %dma_start3A_97] : memref<2x10000x128xf32, #tpu.memory_space<hbm>> -> memref<1x10000x128xf32, #tpu.memory_space<hbm>>
      %dma_start3A_99 = tpu.memref_squeeze %dma_start3A_98 : memref<1x10000x128xf32, #tpu.memory_space<hbm>> -> memref<10000x128xf32, #tpu.memory_space<hbm>>
      %dma_start3A_100 = arith.constant 0 : i32
      %dma_start3A_101 = arith.constant 0 : i32
      %dma_start3A_102 = tpu.memref_slice %dma_start3A_99[%dma_start3A_100, %dma_start3A_101] : memref<10000x128xf32, #tpu.memory_space<hbm>> -> memref<10000x128xf32, #tpu.memory_space<hbm>>
      tpu.enqueue_indirect_dma source(%dma_start3A_102 : memref<10000x128xf32, #tpu.memory_space<hbm>>) target(%arg17 : memref<40x128xf32, #tpu.memory_space<vmem>>) offsets(%arg7 : memref<40xi32, #tpu.memory_space<vmem>>) semaphore(%arg24 : memref<!tpu.dma_semaphore, #tpu.memory_space<semaphore_mem>>)
      %dma_start3A_103 = arith.constant 0 : i32
      %dma_start3A_104 = arith.constant 0 : i32
      %dma_start3A_105 = tpu.memref_slice %arg2[%arg0, %dma_start3A_103, %dma_start3A_104] : memref<2x10000x128xf32, #tpu.memory_space<hbm>> -> memref<1x10000x128xf32, #tpu.memory_space<hbm>>
      %dma_start3A_106 = tpu.memref_squeeze %dma_start3A_105 : memref<1x10000x128xf32, #tpu.memory_space<hbm>> -> memref<10000x128xf32, #tpu.memory_space<hbm>>
      %dma_start3A_107 = arith.constant 0 : i32
      %dma_start3A_108 = arith.constant 0 : i32
      %dma_start3A_109 = tpu.memref_slice %dma_start3A_106[%dma_start3A_107, %dma_start3A_108] : memref<10000x128xf32, #tpu.memory_space<hbm>> -> memref<10000x128xf32, #tpu.memory_space<hbm>>
      tpu.enqueue_indirect_dma source(%dma_start3A_109 : memref<10000x128xf32, #tpu.memory_space<hbm>>) target(%arg18 : memref<40x128xf32, #tpu.memory_space<vmem>>) offsets(%arg8 : memref<40xi32, #tpu.memory_space<vmem>>) semaphore(%arg24 : memref<!tpu.dma_semaphore, #tpu.memory_space<semaphore_mem>>)
      %dma_start3A_110 = arith.constant 0 : i32
      %dma_start3A_111 = arith.constant 0 : i32
      %dma_start3A_112 = tpu.memref_slice %arg2[%arg0, %dma_start3A_110, %dma_start3A_111] : memref<2x10000x128xf32, #tpu.memory_space<hbm>> -> memref<1x10000x128xf32, #tpu.memory_space<hbm>>
      %dma_start3A_113 = tpu.memref_squeeze %dma_start3A_112 : memref<1x10000x128xf32, #tpu.memory_space<hbm>> -> memref<10000x128xf32, #tpu.memory_space<hbm>>
      %dma_start3A_114 = arith.constant 0 : i32
      %dma_start3A_115 = arith.constant 0 : i32
      %dma_start3A_116 = tpu.memref_slice %dma_start3A_113[%dma_start3A_114, %dma_start3A_115] : memref<10000x128xf32, #tpu.memory_space<hbm>> -> memref<10000x128xf32, #tpu.memory_space<hbm>>
      tpu.enqueue_indirect_dma source(%dma_start3A_116 : memref<10000x128xf32, #tpu.memory_space<hbm>>) target(%arg19 : memref<40x128xf32, #tpu.memory_space<vmem>>) offsets(%arg9 : memref<40xi32, #tpu.memory_space<vmem>>) semaphore(%arg24 : memref<!tpu.dma_semaphore, #tpu.memory_space<semaphore_mem>>)
      %dma_start3A_117 = arith.constant 0 : i32
      %dma_start3A_118 = arith.constant 0 : i32
      %dma_start3A_119 = tpu.memref_slice %arg2[%arg0, %dma_start3A_117, %dma_start3A_118] : memref<2x10000x128xf32, #tpu.memory_space<hbm>> -> memref<1x10000x128xf32, #tpu.memory_space<hbm>>
      %dma_start3A_120 = tpu.memref_squeeze %dma_start3A_119 : memref<1x10000x128xf32, #tpu.memory_space<hbm>> -> memref<10000x128xf32, #tpu.memory_space<hbm>>
      %dma_start3A_121 = arith.constant 0 : i32
      %dma_start3A_122 = arith.constant 0 : i32
      %dma_start3A_123 = tpu.memref_slice %dma_start3A_120[%dma_start3A_121, %dma_start3A_122] : memref<10000x128xf32, #tpu.memory_space<hbm>> -> memref<10000x128xf32, #tpu.memory_space<hbm>>
      tpu.enqueue_indirect_dma source(%dma_start3A_123 : memref<10000x128xf32, #tpu.memory_space<hbm>>) target(%arg20 : memref<40x128xf32, #tpu.memory_space<vmem>>) offsets(%arg10 : memref<40xi32, #tpu.memory_space<vmem>>) semaphore(%arg24 : memref<!tpu.dma_semaphore, #tpu.memory_space<semaphore_mem>>)
      %dma_start3A_124 = arith.constant 0 : i32
      %dma_start3A_125 = arith.constant 0 : i32
      %dma_start3A_126 = tpu.memref_slice %arg2[%arg0, %dma_start3A_124, %dma_start3A_125] : memref<2x10000x128xf32, #tpu.memory_space<hbm>> -> memref<1x10000x128xf32, #tpu.memory_space<hbm>>
      %dma_start3A_127 = tpu.memref_squeeze %dma_start3A_126 : memref<1x10000x128xf32, #tpu.memory_space<hbm>> -> memref<10000x128xf32, #tpu.memory_space<hbm>>
      %dma_start3A_128 = arith.constant 0 : i32
      %dma_start3A_129 = arith.constant 0 : i32
      %dma_start3A_130 = tpu.memref_slice %dma_start3A_127[%dma_start3A_128, %dma_start3A_129] : memref<10000x128xf32, #tpu.memory_space<hbm>> -> memref<10000x128xf32, #tpu.memory_space<hbm>>
      tpu.enqueue_indirect_dma source(%dma_start3A_130 : memref<10000x128xf32, #tpu.memory_space<hbm>>) target(%arg21 : memref<40x128xf32, #tpu.memory_space<vmem>>) offsets(%arg11 : memref<40xi32, #tpu.memory_space<vmem>>) semaphore(%arg24 : memref<!tpu.dma_semaphore, #tpu.memory_space<semaphore_mem>>)
      %dma_wait3A_131 = arith.constant 0 : i32
      %dma_wait3A_132 = arith.constant 0 : i32
      %dma_wait3A_133 = tpu.memref_slice %arg2[%arg0, %dma_wait3A_131, %dma_wait3A_132] : memref<2x10000x128xf32, #tpu.memory_space<hbm>> -> memref<1x10000x128xf32, #tpu.memory_space<hbm>>
      %dma_wait3A_134 = tpu.memref_squeeze %dma_wait3A_133 : memref<1x10000x128xf32, #tpu.memory_space<hbm>> -> memref<10000x128xf32, #tpu.memory_space<hbm>>
      %dma_wait3A_135 = arith.constant 0 : i32
      %dma_wait3A_136 = arith.constant 0 : i32
      %dma_wait3A_137 = tpu.memref_slice %dma_wait3A_134[%dma_wait3A_135, %dma_wait3A_136] : memref<10000x128xf32, #tpu.memory_space<hbm>> -> memref<10000x128xf32, #tpu.memory_space<hbm>>
      tpu.wait_indirect_dma semaphore(%arg24 : memref<!tpu.dma_semaphore, #tpu.memory_space<semaphore_mem>>) src(%dma_wait3A_137 : memref<10000x128xf32, #tpu.memory_space<hbm>>) dst(%arg17 : memref<40x128xf32, #tpu.memory_space<vmem>>)
      %dma_wait3A_138 = arith.constant 0 : i32
      %dma_wait3A_139 = arith.constant 0 : i32
      %dma_wait3A_140 = tpu.memref_slice %arg2[%arg0, %dma_wait3A_138, %dma_wait3A_139] : memref<2x10000x128xf32, #tpu.memory_space<hbm>> -> memref<1x10000x128xf32, #tpu.memory_space<hbm>>
      %dma_wait3A_141 = tpu.memref_squeeze %dma_wait3A_140 : memref<1x10000x128xf32, #tpu.memory_space<hbm>> -> memref<10000x128xf32, #tpu.memory_space<hbm>>
      %dma_wait3A_142 = arith.constant 0 : i32
      %dma_wait3A_143 = arith.constant 0 : i32
      %dma_wait3A_144 = tpu.memref_slice %dma_wait3A_141[%dma_wait3A_142, %dma_wait3A_143] : memref<10000x128xf32, #tpu.memory_space<hbm>> -> memref<10000x128xf32, #tpu.memory_space<hbm>>
      tpu.wait_indirect_dma semaphore(%arg24 : memref<!tpu.dma_semaphore, #tpu.memory_space<semaphore_mem>>) src(%dma_wait3A_144 : memref<10000x128xf32, #tpu.memory_space<hbm>>) dst(%arg18 : memref<40x128xf32, #tpu.memory_space<vmem>>)
      %dma_wait3A_145 = arith.constant 0 : i32
      %dma_wait3A_146 = arith.constant 0 : i32
      %dma_wait3A_147 = tpu.memref_slice %arg2[%arg0, %dma_wait3A_145, %dma_wait3A_146] : memref<2x10000x128xf32, #tpu.memory_space<hbm>> -> memref<1x10000x128xf32, #tpu.memory_space<hbm>>
      %dma_wait3A_148 = tpu.memref_squeeze %dma_wait3A_147 : memref<1x10000x128xf32, #tpu.memory_space<hbm>> -> memref<10000x128xf32, #tpu.memory_space<hbm>>
      %dma_wait3A_149 = arith.constant 0 : i32
      %dma_wait3A_150 = arith.constant 0 : i32
      %dma_wait3A_151 = tpu.memref_slice %dma_wait3A_148[%dma_wait3A_149, %dma_wait3A_150] : memref<10000x128xf32, #tpu.memory_space<hbm>> -> memref<10000x128xf32, #tpu.memory_space<hbm>>
      tpu.wait_indirect_dma semaphore(%arg24 : memref<!tpu.dma_semaphore, #tpu.memory_space<semaphore_mem>>) src(%dma_wait3A_151 : memref<10000x128xf32, #tpu.memory_space<hbm>>) dst(%arg19 : memref<40x128xf32, #tpu.memory_space<vmem>>)
      %dma_wait3A_152 = arith.constant 0 : i32
      %dma_wait3A_153 = arith.constant 0 : i32
      %dma_wait3A_154 = tpu.memref_slice %arg2[%arg0, %dma_wait3A_152, %dma_wait3A_153] : memref<2x10000x128xf32, #tpu.memory_space<hbm>> -> memref<1x10000x128xf32, #tpu.memory_space<hbm>>
      %dma_wait3A_155 = tpu.memref_squeeze %dma_wait3A_154 : memref<1x10000x128xf32, #tpu.memory_space<hbm>> -> memref<10000x128xf32, #tpu.memory_space<hbm>>
      %dma_wait3A_156 = arith.constant 0 : i32
      %dma_wait3A_157 = arith.constant 0 : i32
      %dma_wait3A_158 = tpu.memref_slice %dma_wait3A_155[%dma_wait3A_156, %dma_wait3A_157] : memref<10000x128xf32, #tpu.memory_space<hbm>> -> memref<10000x128xf32, #tpu.memory_space<hbm>>
      tpu.wait_indirect_dma semaphore(%arg24 : memref<!tpu.dma_semaphore, #tpu.memory_space<semaphore_mem>>) src(%dma_wait3A_158 : memref<10000x128xf32, #tpu.memory_space<hbm>>) dst(%arg20 : memref<40x128xf32, #tpu.memory_space<vmem>>)
      %dma_wait3A_159 = arith.constant 0 : i32
      %dma_wait3A_160 = arith.constant 0 : i32
      %dma_wait3A_161 = tpu.memref_slice %arg2[%arg0, %dma_wait3A_159, %dma_wait3A_160] : memref<2x10000x128xf32, #tpu.memory_space<hbm>> -> memref<1x10000x128xf32, #tpu.memory_space<hbm>>
      %dma_wait3A_162 = tpu.memref_squeeze %dma_wait3A_161 : memref<1x10000x128xf32, #tpu.memory_space<hbm>> -> memref<10000x128xf32, #tpu.memory_space<hbm>>
      %dma_wait3A_163 = arith.constant 0 : i32
      %dma_wait3A_164 = arith.constant 0 : i32
      %dma_wait3A_165 = tpu.memref_slice %dma_wait3A_162[%dma_wait3A_163, %dma_wait3A_164] : memref<10000x128xf32, #tpu.memory_space<hbm>> -> memref<10000x128xf32, #tpu.memory_space<hbm>>
      tpu.wait_indirect_dma semaphore(%arg24 : memref<!tpu.dma_semaphore, #tpu.memory_space<semaphore_mem>>) src(%dma_wait3A_165 : memref<10000x128xf32, #tpu.memory_space<hbm>>) dst(%arg21 : memref<40x128xf32, #tpu.memory_space<vmem>>)
      "tpu.region"() ({
        %run_scoped3A = tpu.sem_alloc : memref<!tpu.dma_semaphore, #tpu.memory_space<semaphore_mem>>
        %dma_start3A_166 = arith.constant 0 : i32
        %dma_start3A_167 = arith.constant 0 : i32
        %dma_start3A_168 = tpu.memref_slice %arg22[%dma_start3A_166, %dma_start3A_167] : memref<10240x128xf32, #tpu.memory_space<vmem_shared>> -> memref<10240x128xf32, #tpu.memory_space<vmem_shared>>
        tpu.enqueue_indirect_dma source(%arg17 : memref<40x128xf32, #tpu.memory_space<vmem>>) target(%dma_start3A_168 : memref<10240x128xf32, #tpu.memory_space<vmem_shared>>) offsets(%arg12 : memref<40xi32, #tpu.memory_space<vmem>>) semaphore(%run_scoped3A : memref<!tpu.dma_semaphore, #tpu.memory_space<semaphore_mem>>) {add = true}
        %dma_wait3A_169 = arith.constant 0 : i32
        %dma_wait3A_170 = arith.constant 0 : i32
        %dma_wait3A_171 = tpu.memref_slice %arg22[%dma_wait3A_169, %dma_wait3A_170] : memref<10240x128xf32, #tpu.memory_space<vmem_shared>> -> memref<10240x128xf32, #tpu.memory_space<vmem_shared>>
        tpu.wait_indirect_dma semaphore(%run_scoped3A : memref<!tpu.dma_semaphore, #tpu.memory_space<semaphore_mem>>) src(%arg17 : memref<40x128xf32, #tpu.memory_space<vmem>>) dst(%dma_wait3A_171 : memref<10240x128xf32, #tpu.memory_space<vmem_shared>>)
        tpu.yield
      }) : () -> ()
      "tpu.region"() ({
        %run_scoped3A = tpu.sem_alloc : memref<!tpu.dma_semaphore, #tpu.memory_space<semaphore_mem>>
        %dma_start3A_166 = arith.constant 0 : i32
        %dma_start3A_167 = arith.constant 0 : i32
        %dma_start3A_168 = tpu.memref_slice %arg22[%dma_start3A_166, %dma_start3A_167] : memref<10240x128xf32, #tpu.memory_space<vmem_shared>> -> memref<10240x128xf32, #tpu.memory_space<vmem_shared>>
        tpu.enqueue_indirect_dma source(%arg18 : memref<40x128xf32, #tpu.memory_space<vmem>>) target(%dma_start3A_168 : memref<10240x128xf32, #tpu.memory_space<vmem_shared>>) offsets(%arg13 : memref<40xi32, #tpu.memory_space<vmem>>) semaphore(%run_scoped3A : memref<!tpu.dma_semaphore, #tpu.memory_space<semaphore_mem>>) {add = true}
        %dma_wait3A_169 = arith.constant 0 : i32
        %dma_wait3A_170 = arith.constant 0 : i32
        %dma_wait3A_171 = tpu.memref_slice %arg22[%dma_wait3A_169, %dma_wait3A_170] : memref<10240x128xf32, #tpu.memory_space<vmem_shared>> -> memref<10240x128xf32, #tpu.memory_space<vmem_shared>>
        tpu.wait_indirect_dma semaphore(%run_scoped3A : memref<!tpu.dma_semaphore, #tpu.memory_space<semaphore_mem>>) src(%arg18 : memref<40x128xf32, #tpu.memory_space<vmem>>) dst(%dma_wait3A_171 : memref<10240x128xf32, #tpu.memory_space<vmem_shared>>)
        tpu.yield
      }) : () -> ()
      "tpu.region"() ({
        %run_scoped3A = tpu.sem_alloc : memref<!tpu.dma_semaphore, #tpu.memory_space<semaphore_mem>>
        %dma_start3A_166 = arith.constant 0 : i32
        %dma_start3A_167 = arith.constant 0 : i32
        %dma_start3A_168 = tpu.memref_slice %arg22[%dma_start3A_166, %dma_start3A_167] : memref<10240x128xf32, #tpu.memory_space<vmem_shared>> -> memref<10240x128xf32, #tpu.memory_space<vmem_shared>>
        tpu.enqueue_indirect_dma source(%arg19 : memref<40x128xf32, #tpu.memory_space<vmem>>) target(%dma_start3A_168 : memref<10240x128xf32, #tpu.memory_space<vmem_shared>>) offsets(%arg14 : memref<40xi32, #tpu.memory_space<vmem>>) semaphore(%run_scoped3A : memref<!tpu.dma_semaphore, #tpu.memory_space<semaphore_mem>>) {add = true}
        %dma_wait3A_169 = arith.constant 0 : i32
        %dma_wait3A_170 = arith.constant 0 : i32
        %dma_wait3A_171 = tpu.memref_slice %arg22[%dma_wait3A_169, %dma_wait3A_170] : memref<10240x128xf32, #tpu.memory_space<vmem_shared>> -> memref<10240x128xf32, #tpu.memory_space<vmem_shared>>
        tpu.wait_indirect_dma semaphore(%run_scoped3A : memref<!tpu.dma_semaphore, #tpu.memory_space<semaphore_mem>>) src(%arg19 : memref<40x128xf32, #tpu.memory_space<vmem>>) dst(%dma_wait3A_171 : memref<10240x128xf32, #tpu.memory_space<vmem_shared>>)
        tpu.yield
      }) : () -> ()
      "tpu.region"() ({
        %run_scoped3A = tpu.sem_alloc : memref<!tpu.dma_semaphore, #tpu.memory_space<semaphore_mem>>
        %dma_start3A_166 = arith.constant 0 : i32
        %dma_start3A_167 = arith.constant 0 : i32
        %dma_start3A_168 = tpu.memref_slice %arg22[%dma_start3A_166, %dma_start3A_167] : memref<10240x128xf32, #tpu.memory_space<vmem_shared>> -> memref<10240x128xf32, #tpu.memory_space<vmem_shared>>
        tpu.enqueue_indirect_dma source(%arg20 : memref<40x128xf32, #tpu.memory_space<vmem>>) target(%dma_start3A_168 : memref<10240x128xf32, #tpu.memory_space<vmem_shared>>) offsets(%arg15 : memref<40xi32, #tpu.memory_space<vmem>>) semaphore(%run_scoped3A : memref<!tpu.dma_semaphore, #tpu.memory_space<semaphore_mem>>) {add = true}
        %dma_wait3A_169 = arith.constant 0 : i32
        %dma_wait3A_170 = arith.constant 0 : i32
        %dma_wait3A_171 = tpu.memref_slice %arg22[%dma_wait3A_169, %dma_wait3A_170] : memref<10240x128xf32, #tpu.memory_space<vmem_shared>> -> memref<10240x128xf32, #tpu.memory_space<vmem_shared>>
        tpu.wait_indirect_dma semaphore(%run_scoped3A : memref<!tpu.dma_semaphore, #tpu.memory_space<semaphore_mem>>) src(%arg20 : memref<40x128xf32, #tpu.memory_space<vmem>>) dst(%dma_wait3A_171 : memref<10240x128xf32, #tpu.memory_space<vmem_shared>>)
        tpu.yield
      }) : () -> ()
      "tpu.region"() ({
        %run_scoped3A = tpu.sem_alloc : memref<!tpu.dma_semaphore, #tpu.memory_space<semaphore_mem>>
        %dma_start3A_166 = arith.constant 0 : i32
        %dma_start3A_167 = arith.constant 0 : i32
        %dma_start3A_168 = tpu.memref_slice %arg22[%dma_start3A_166, %dma_start3A_167] : memref<10240x128xf32, #tpu.memory_space<vmem_shared>> -> memref<10240x128xf32, #tpu.memory_space<vmem_shared>>
        tpu.enqueue_indirect_dma source(%arg21 : memref<40x128xf32, #tpu.memory_space<vmem>>) target(%dma_start3A_168 : memref<10240x128xf32, #tpu.memory_space<vmem_shared>>) offsets(%arg16 : memref<40xi32, #tpu.memory_space<vmem>>) semaphore(%run_scoped3A : memref<!tpu.dma_semaphore, #tpu.memory_space<semaphore_mem>>) {add = true}
        %dma_wait3A_169 = arith.constant 0 : i32
        %dma_wait3A_170 = arith.constant 0 : i32
        %dma_wait3A_171 = tpu.memref_slice %arg22[%dma_wait3A_169, %dma_wait3A_170] : memref<10240x128xf32, #tpu.memory_space<vmem_shared>> -> memref<10240x128xf32, #tpu.memory_space<vmem_shared>>
        tpu.wait_indirect_dma semaphore(%run_scoped3A : memref<!tpu.dma_semaphore, #tpu.memory_space<semaphore_mem>>) src(%arg21 : memref<40x128xf32, #tpu.memory_space<vmem>>) dst(%dma_wait3A_171 : memref<10240x128xf32, #tpu.memory_space<vmem_shared>>)
        tpu.yield
      }) : () -> ()
    }
    %scan3A_6 = arith.constant 100 : i32
    "tpu.region"() ({
      %run_scoped3A = tpu.sem_alloc : memref<!tpu.dma_semaphore, #tpu.memory_space<semaphore_mem>>
      %dma_start3A = arith.constant 0 : i32
      %dma_start3A_9 = arith.constant 0 : i32
      %dma_start3A_10 = tpu.memref_slice %arg17[%dma_start3A, %dma_start3A_9] : memref<40x128xf32, #tpu.memory_space<vmem>> -> memref<8x128xf32, #tpu.memory_space<vmem>>
      %dma_start3A_11 = arith.constant 0 : i32
      %dma_start3A_12 = tpu.memref_slice %arg22[%mul3A_2, %dma_start3A_11] : memref<10240x128xf32, #tpu.memory_space<vmem_shared>> -> memref<8x128xf32, #tpu.memory_space<vmem_shared>>
      %dma_start3A_13 = arith.constant 0 : i32
      %dma_start3A_14 = arith.constant 0 : i32
      %dma_start3A_15 = tpu.memref_slice %arg17[%dma_start3A_13, %dma_start3A_14] : memref<40x128xf32, #tpu.memory_space<vmem>> -> memref<8x128xf32, #tpu.memory_space<vmem>>
      %dma_start3A_16 = arith.constant 0 : i32
      %dma_start3A_17 = tpu.memref_slice %arg22[%mul3A_2, %dma_start3A_16] : memref<10240x128xf32, #tpu.memory_space<vmem_shared>> -> memref<8x128xf32, #tpu.memory_space<vmem_shared>>
      tpu.enqueue_dma source(%dma_start3A_17 : memref<8x128xf32, #tpu.memory_space<vmem_shared>>) target(%dma_start3A_15 : memref<8x128xf32, #tpu.memory_space<vmem>>) target_semaphore(%run_scoped3A : memref<!tpu.dma_semaphore, #tpu.memory_space<semaphore_mem>>)
      %dma_wait3A = arith.constant 0 : i32
      %dma_wait3A_18 = arith.constant 0 : i32
      %dma_wait3A_19 = tpu.memref_slice %arg17[%dma_wait3A, %dma_wait3A_18] : memref<40x128xf32, #tpu.memory_space<vmem>> -> memref<8x128xf32, #tpu.memory_space<vmem>>
      %dma_wait3A_20 = arith.constant 0 : i32
      %dma_wait3A_21 = tpu.memref_slice %arg22[%mul3A_2, %dma_wait3A_20] : memref<10240x128xf32, #tpu.memory_space<vmem_shared>> -> memref<8x128xf32, #tpu.memory_space<vmem_shared>>
      %dma_wait3A_22 = arith.constant 0 : i32
      %dma_wait3A_23 = arith.constant 0 : i32
      %dma_wait3A_24 = tpu.memref_slice %arg17[%dma_wait3A_22, %dma_wait3A_23] : memref<40x128xf32, #tpu.memory_space<vmem>> -> memref<8x128xf32, #tpu.memory_space<vmem>>
      %dma_wait3A_25 = arith.constant 0 : i32
      %dma_wait3A_26 = tpu.memref_slice %arg22[%mul3A_2, %dma_wait3A_25] : memref<10240x128xf32, #tpu.memory_space<vmem_shared>> -> memref<8x128xf32, #tpu.memory_space<vmem_shared>>
      tpu.wait_dma2 semaphore(%run_scoped3A : memref<!tpu.dma_semaphore, #tpu.memory_space<semaphore_mem>>) src(%dma_wait3A_26 : memref<8x128xf32, #tpu.memory_space<vmem_shared>>) dst(%dma_wait3A_24 : memref<8x128xf32, #tpu.memory_space<vmem>>)
      tpu.yield
    }) : () -> ()
    %barrier3A_7 = arith.constant 0 : index
    tpu.barrier barrier_id(%barrier3A_7)
    %barrier3A_8 = arith.constant 0 : index
    tpu.barrier barrier_id(%barrier3A_8)
    "tpu.region"() ({
      %run_scoped3A = tpu.sem_alloc : memref<!tpu.dma_semaphore, #tpu.memory_space<semaphore_mem>>
      %dma_start3A = arith.constant 0 : i32
      %dma_start3A_9 = tpu.memref_slice %arg6[%arg0, %mul3A_2, %dma_start3A] : memref<2x10240x128xf32, #tpu.memory_space<hbm>> -> memref<1x640x128xf32, #tpu.memory_space<hbm>>
      %dma_start3A_10 = tpu.memref_squeeze %dma_start3A_9 : memref<1x640x128xf32, #tpu.memory_space<hbm>> -> memref<640x128xf32, #tpu.memory_space<hbm>>
      %dma_start3A_11 = arith.constant 0 : i32
      %dma_start3A_12 = tpu.memref_slice %arg22[%mul3A_2, %dma_start3A_11] : memref<10240x128xf32, #tpu.memory_space<vmem_shared>> -> memref<640x128xf32, #tpu.memory_space<vmem_shared>>
      tpu.enqueue_dma source(%dma_start3A_12 : memref<640x128xf32, #tpu.memory_space<vmem_shared>>) target(%dma_start3A_10 : memref<640x128xf32, #tpu.memory_space<hbm>>) target_semaphore(%run_scoped3A : memref<!tpu.dma_semaphore, #tpu.memory_space<semaphore_mem>>)
      %dma_wait3A = arith.constant 0 : i32
      %dma_wait3A_13 = tpu.memref_slice %arg6[%arg0, %mul3A_2, %dma_wait3A] : memref<2x10240x128xf32, #tpu.memory_space<hbm>> -> memref<1x640x128xf32, #tpu.memory_space<hbm>>
      %dma_wait3A_14 = tpu.memref_squeeze %dma_wait3A_13 : memref<1x640x128xf32, #tpu.memory_space<hbm>> -> memref<640x128xf32, #tpu.memory_space<hbm>>
      %dma_wait3A_15 = arith.constant 0 : i32
      %dma_wait3A_16 = tpu.memref_slice %arg22[%mul3A_2, %dma_wait3A_15] : memref<10240x128xf32, #tpu.memory_space<vmem_shared>> -> memref<640x128xf32, #tpu.memory_space<vmem_shared>>
      tpu.wait_dma2 semaphore(%run_scoped3A : memref<!tpu.dma_semaphore, #tpu.memory_space<semaphore_mem>>) src(%dma_wait3A_16 : memref<640x128xf32, #tpu.memory_space<vmem_shared>>) dst(%dma_wait3A_14 : memref<640x128xf32, #tpu.memory_space<hbm>>)
      tpu.yield
    }) : () -> ()
    return
  }
}

#map = affine_map<(d0, d1) -> (0, 0, 0)>
#map1 = affine_map<(d0, d1) -> (0)>
#map2 = affine_map<(d0, d1) -> (0, 0)>
module attributes {stable_mosaic.version = 14 : i64} {
  func.func @_scatter_kernel(%arg0: i32, %arg1: i32, %arg2: memref<2x10000x128xf32, #tpu.memory_space<hbm>>, %arg3: memref<320000xi32, #tpu.memory_space<hbm>>, %arg4: memref<320000xi32, #tpu.memory_space<hbm>>, %arg5: memref<640x128xf32, #tpu.memory_space<hbm>>, %arg6: memref<2x10240x128xf32, #tpu.memory_space<hbm>>, %arg7: memref<40xi32, #tpu.memory_space<vmem>>, %arg8: memref<40xi32, #tpu.memory_space<vmem>>, %arg9: memref<40xi32, #tpu.memory_space<vmem>>, %arg10: memref<40xi32, #tpu.memory_space<vmem>>, %arg11: memref<40xi32, #tpu.memory_space<vmem>>, %arg12: memref<40xi32, #tpu.memory_space<vmem>>, %arg13: memref<40xi32, #tpu.memory_space<vmem>>, %arg14: memref<40xi32, #tpu.memory_space<vmem>>, %arg15: memref<40xi32, #tpu.memory_space<vmem>>, %arg16: memref<40xi32, #tpu.memory_space<vmem>>, %arg17: memref<40x128xf32, #tpu.memory_space<vmem>>, %arg18: memref<40x128xf32, #tpu.memory_space<vmem>>, %arg19: memref<40x128xf32, #tpu.memory_space<vmem>>, %arg20: memref<40x128xf32, #tpu.memory_space<vmem>>, %arg21: memref<40x128xf32, #tpu.memory_space<vmem>>, %arg22: memref<10240x128xf32, #tpu.memory_space<vmem_shared>>, %arg23: memref<!tpu.dma_semaphore, #tpu.memory_space<semaphore_mem>>, %arg24: memref<!tpu.dma_semaphore, #tpu.memory_space<semaphore_mem>>) attributes {dimension_semantics = [#tpu.dimension_semantics<core_parallel>, #tpu.dimension_semantics<subcore_parallel>], iteration_bounds = array<i64: 2, 16>, scalar_prefetch = 0 : i64, scratch_operands = 18 : i64, tpu.core_type = #tpu.core_type<sc_vector_subcore>, window_params = [{transform_indices = #map}, {transform_indices = #map1}, {transform_indices = #map1}, {transform_indices = #map2}, {transform_indices = #map}]} {
    %mul3A = arith.constant 20000 : i32
    %mul3A_0 = arith.muli %arg1, %mul3A : i32
    %mul3A_1 = arith.constant 640 : i32
    %mul3A_2 = arith.muli %arg1, %mul3A_1 : i32
    "tpu.region"() ({
      %run_scoped3A = tpu.sem_alloc : memref<!tpu.dma_semaphore, #tpu.memory_space<semaphore_mem>>
      %dma_start3A = arith.constant 0 : i32
      %dma_start3A_9 = tpu.memref_slice %arg22[%mul3A_2, %dma_start3A] : memref<10240x128xf32, #tpu.memory_space<vmem_shared>> -> memref<640x128xf32, #tpu.memory_space<vmem_shared>>
      tpu.enqueue_dma source(%arg5 : memref<640x128xf32, #tpu.memory_space<hbm>>) target(%dma_start3A_9 : memref<640x128xf32, #tpu.memory_space<vmem_shared>>) target_semaphore(%run_scoped3A : memref<!tpu.dma_semaphore, #tpu.memory_space<semaphore_mem>>)
      %dma_wait3A = arith.constant 0 : i32
      %dma_wait3A_10 = tpu.memref_slice %arg22[%mul3A_2, %dma_wait3A] : memref<10240x128xf32, #tpu.memory_space<vmem_shared>> -> memref<640x128xf32, #tpu.memory_space<vmem_shared>>
      tpu.wait_dma2 semaphore(%run_scoped3A : memref<!tpu.dma_semaphore, #tpu.memory_space<semaphore_mem>>) src(%arg5 : memref<640x128xf32, #tpu.memory_space<hbm>>) dst(%dma_wait3A_10 : memref<640x128xf32, #tpu.memory_space<vmem_shared>>)
      tpu.yield
    }) : () -> ()
    "tpu.region"() ({
      %run_scoped3A = tpu.sem_alloc : memref<!tpu.dma_semaphore, #tpu.memory_space<semaphore_mem>>
      %dma_start3A = arith.constant 0 : i32
      %dma_start3A_9 = arith.constant 0 : i32
      %dma_start3A_10 = tpu.memref_slice %arg17[%dma_start3A, %dma_start3A_9] : memref<40x128xf32, #tpu.memory_space<vmem>> -> memref<8x128xf32, #tpu.memory_space<vmem>>
      %dma_start3A_11 = arith.constant 0 : i32
      %dma_start3A_12 = tpu.memref_slice %arg22[%mul3A_2, %dma_start3A_11] : memref<10240x128xf32, #tpu.memory_space<vmem_shared>> -> memref<8x128xf32, #tpu.memory_space<vmem_shared>>
      %dma_start3A_13 = arith.constant 0 : i32
      %dma_start3A_14 = arith.constant 0 : i32
      %dma_start3A_15 = tpu.memref_slice %arg17[%dma_start3A_13, %dma_start3A_14] : memref<40x128xf32, #tpu.memory_space<vmem>> -> memref<8x128xf32, #tpu.memory_space<vmem>>
      %dma_start3A_16 = arith.constant 0 : i32
      %dma_start3A_17 = tpu.memref_slice %arg22[%mul3A_2, %dma_start3A_16] : memref<10240x128xf32, #tpu.memory_space<vmem_shared>> -> memref<8x128xf32, #tpu.memory_space<vmem_shared>>
      tpu.enqueue_dma source(%dma_start3A_17 : memref<8x128xf32, #tpu.memory_space<vmem_shared>>) target(%dma_start3A_15 : memref<8x128xf32, #tpu.memory_space<vmem>>) target_semaphore(%run_scoped3A : memref<!tpu.dma_semaphore, #tpu.memory_space<semaphore_mem>>)
      %dma_wait3A = arith.constant 0 : i32
      %dma_wait3A_18 = arith.constant 0 : i32
      %dma_wait3A_19 = tpu.memref_slice %arg17[%dma_wait3A, %dma_wait3A_18] : memref<40x128xf32, #tpu.memory_space<vmem>> -> memref<8x128xf32, #tpu.memory_space<vmem>>
      %dma_wait3A_20 = arith.constant 0 : i32
      %dma_wait3A_21 = tpu.memref_slice %arg22[%mul3A_2, %dma_wait3A_20] : memref<10240x128xf32, #tpu.memory_space<vmem_shared>> -> memref<8x128xf32, #tpu.memory_space<vmem_shared>>
      %dma_wait3A_22 = arith.constant 0 : i32
      %dma_wait3A_23 = arith.constant 0 : i32
      %dma_wait3A_24 = tpu.memref_slice %arg17[%dma_wait3A_22, %dma_wait3A_23] : memref<40x128xf32, #tpu.memory_space<vmem>> -> memref<8x128xf32, #tpu.memory_space<vmem>>
      %dma_wait3A_25 = arith.constant 0 : i32
      %dma_wait3A_26 = tpu.memref_slice %arg22[%mul3A_2, %dma_wait3A_25] : memref<10240x128xf32, #tpu.memory_space<vmem_shared>> -> memref<8x128xf32, #tpu.memory_space<vmem_shared>>
      tpu.wait_dma2 semaphore(%run_scoped3A : memref<!tpu.dma_semaphore, #tpu.memory_space<semaphore_mem>>) src(%dma_wait3A_26 : memref<8x128xf32, #tpu.memory_space<vmem_shared>>) dst(%dma_wait3A_24 : memref<8x128xf32, #tpu.memory_space<vmem>>)
      tpu.yield
    }) : () -> ()
    %barrier3A = arith.constant 0 : index
    tpu.barrier barrier_id(%barrier3A)
    %scan3A = arith.constant 0 : i32
    %scan3A_3 = arith.constant 100 : i32
    %scan3A_4 = arith.addi %scan3A, %scan3A_3 : i32
    %scan3A_5 = arith.constant 1 : i32
    scf.for %scan3A_9 = %scan3A to %scan3A_4 step %scan3A_5  : i32 {
      %mul3A_10 = arith.constant 1 : i32
      %mul3A_11 = arith.muli %scan3A_9, %mul3A_10 : i32
      %add3A = arith.constant 0 : i32
      %add3A_12 = arith.addi %add3A, %mul3A_11 : i32
      %mul3A_13 = arith.constant 5 : i32
      %mul3A_14 = arith.muli %add3A_12, %mul3A_13 : i32
      %mul3A_15 = arith.constant 40 : i32
      %mul3A_16 = arith.muli %mul3A_14, %mul3A_15 : i32
      %add3A_17 = arith.addi %mul3A_0, %mul3A_16 : i32
      %add3A_18 = arith.constant 0 : i32
      %add3A_19 = arith.addi %add3A_17, %add3A_18 : i32
      %dma_start3A = tpu.memref_slice %arg3[%add3A_19] : memref<320000xi32, #tpu.memory_space<hbm>> -> memref<40xi32, #tpu.memory_space<hbm>>
      %dma_start3A_20 = tpu.memref_slice %arg3[%add3A_19] : memref<320000xi32, #tpu.memory_space<hbm>> -> memref<40xi32, #tpu.memory_space<hbm>>
      tpu.enqueue_dma source(%dma_start3A_20 : memref<40xi32, #tpu.memory_space<hbm>>) target(%arg7 : memref<40xi32, #tpu.memory_space<vmem>>) target_semaphore(%arg23 : memref<!tpu.dma_semaphore, #tpu.memory_space<semaphore_mem>>)
      %add3A_21 = arith.constant 0 : i32
      %add3A_22 = arith.addi %add3A_17, %add3A_21 : i32
      %dma_start3A_23 = tpu.memref_slice %arg4[%add3A_22] : memref<320000xi32, #tpu.memory_space<hbm>> -> memref<40xi32, #tpu.memory_space<hbm>>
      %dma_start3A_24 = tpu.memref_slice %arg4[%add3A_22] : memref<320000xi32, #tpu.memory_space<hbm>> -> memref<40xi32, #tpu.memory_space<hbm>>
      tpu.enqueue_dma source(%dma_start3A_24 : memref<40xi32, #tpu.memory_space<hbm>>) target(%arg12 : memref<40xi32, #tpu.memory_space<vmem>>) target_semaphore(%arg23 : memref<!tpu.dma_semaphore, #tpu.memory_space<semaphore_mem>>)
      %add3A_25 = arith.constant 40 : i32
      %add3A_26 = arith.addi %add3A_17, %add3A_25 : i32
      %dma_start3A_27 = tpu.memref_slice %arg3[%add3A_26] : memref<320000xi32, #tpu.memory_space<hbm>> -> memref<40xi32, #tpu.memory_space<hbm>>
      %dma_start3A_28 = tpu.memref_slice %arg3[%add3A_26] : memref<320000xi32, #tpu.memory_space<hbm>> -> memref<40xi32, #tpu.memory_space<hbm>>
      tpu.enqueue_dma source(%dma_start3A_28 : memref<40xi32, #tpu.memory_space<hbm>>) target(%arg8 : memref<40xi32, #tpu.memory_space<vmem>>) target_semaphore(%arg23 : memref<!tpu.dma_semaphore, #tpu.memory_space<semaphore_mem>>)
      %add3A_29 = arith.constant 40 : i32
      %add3A_30 = arith.addi %add3A_17, %add3A_29 : i32
      %dma_start3A_31 = tpu.memref_slice %arg4[%add3A_30] : memref<320000xi32, #tpu.memory_space<hbm>> -> memref<40xi32, #tpu.memory_space<hbm>>
      %dma_start3A_32 = tpu.memref_slice %arg4[%add3A_30] : memref<320000xi32, #tpu.memory_space<hbm>> -> memref<40xi32, #tpu.memory_space<hbm>>
      tpu.enqueue_dma source(%dma_start3A_32 : memref<40xi32, #tpu.memory_space<hbm>>) target(%arg13 : memref<40xi32, #tpu.memory_space<vmem>>) target_semaphore(%arg23 : memref<!tpu.dma_semaphore, #tpu.memory_space<semaphore_mem>>)
      %add3A_33 = arith.constant 80 : i32
      %add3A_34 = arith.addi %add3A_17, %add3A_33 : i32
      %dma_start3A_35 = tpu.memref_slice %arg3[%add3A_34] : memref<320000xi32, #tpu.memory_space<hbm>> -> memref<40xi32, #tpu.memory_space<hbm>>
      %dma_start3A_36 = tpu.memref_slice %arg3[%add3A_34] : memref<320000xi32, #tpu.memory_space<hbm>> -> memref<40xi32, #tpu.memory_space<hbm>>
      tpu.enqueue_dma source(%dma_start3A_36 : memref<40xi32, #tpu.memory_space<hbm>>) target(%arg9 : memref<40xi32, #tpu.memory_space<vmem>>) target_semaphore(%arg23 : memref<!tpu.dma_semaphore, #tpu.memory_space<semaphore_mem>>)
      %add3A_37 = arith.constant 80 : i32
      %add3A_38 = arith.addi %add3A_17, %add3A_37 : i32
      %dma_start3A_39 = tpu.memref_slice %arg4[%add3A_38] : memref<320000xi32, #tpu.memory_space<hbm>> -> memref<40xi32, #tpu.memory_space<hbm>>
      %dma_start3A_40 = tpu.memref_slice %arg4[%add3A_38] : memref<320000xi32, #tpu.memory_space<hbm>> -> memref<40xi32, #tpu.memory_space<hbm>>
      tpu.enqueue_dma source(%dma_start3A_40 : memref<40xi32, #tpu.memory_space<hbm>>) target(%arg14 : memref<40xi32, #tpu.memory_space<vmem>>) target_semaphore(%arg23 : memref<!tpu.dma_semaphore, #tpu.memory_space<semaphore_mem>>)
      %add3A_41 = arith.constant 120 : i32
      %add3A_42 = arith.addi %add3A_17, %add3A_41 : i32
      %dma_start3A_43 = tpu.memref_slice %arg3[%add3A_42] : memref<320000xi32, #tpu.memory_space<hbm>> -> memref<40xi32, #tpu.memory_space<hbm>>
      %dma_start3A_44 = tpu.memref_slice %arg3[%add3A_42] : memref<320000xi32, #tpu.memory_space<hbm>> -> memref<40xi32, #tpu.memory_space<hbm>>
      tpu.enqueue_dma source(%dma_start3A_44 : memref<40xi32, #tpu.memory_space<hbm>>) target(%arg10 : memref<40xi32, #tpu.memory_space<vmem>>) target_semaphore(%arg23 : memref<!tpu.dma_semaphore, #tpu.memory_space<semaphore_mem>>)
      %add3A_45 = arith.constant 120 : i32
      %add3A_46 = arith.addi %add3A_17, %add3A_45 : i32
      %dma_start3A_47 = tpu.memref_slice %arg4[%add3A_46] : memref<320000xi32, #tpu.memory_space<hbm>> -> memref<40xi32, #tpu.memory_space<hbm>>
      %dma_start3A_48 = tpu.memref_slice %arg4[%add3A_46] : memref<320000xi32, #tpu.memory_space<hbm>> -> memref<40xi32, #tpu.memory_space<hbm>>
      tpu.enqueue_dma source(%dma_start3A_48 : memref<40xi32, #tpu.memory_space<hbm>>) target(%arg15 : memref<40xi32, #tpu.memory_space<vmem>>) target_semaphore(%arg23 : memref<!tpu.dma_semaphore, #tpu.memory_space<semaphore_mem>>)
      %add3A_49 = arith.constant 160 : i32
      %add3A_50 = arith.addi %add3A_17, %add3A_49 : i32
      %dma_start3A_51 = tpu.memref_slice %arg3[%add3A_50] : memref<320000xi32, #tpu.memory_space<hbm>> -> memref<40xi32, #tpu.memory_space<hbm>>
      %dma_start3A_52 = tpu.memref_slice %arg3[%add3A_50] : memref<320000xi32, #tpu.memory_space<hbm>> -> memref<40xi32, #tpu.memory_space<hbm>>
      tpu.enqueue_dma source(%dma_start3A_52 : memref<40xi32, #tpu.memory_space<hbm>>) target(%arg11 : memref<40xi32, #tpu.memory_space<vmem>>) target_semaphore(%arg23 : memref<!tpu.dma_semaphore, #tpu.memory_space<semaphore_mem>>)
      %add3A_53 = arith.constant 160 : i32
      %add3A_54 = arith.addi %add3A_17, %add3A_53 : i32
      %dma_start3A_55 = tpu.memref_slice %arg4[%add3A_54] : memref<320000xi32, #tpu.memory_space<hbm>> -> memref<40xi32, #tpu.memory_space<hbm>>
      %dma_start3A_56 = tpu.memref_slice %arg4[%add3A_54] : memref<320000xi32, #tpu.memory_space<hbm>> -> memref<40xi32, #tpu.memory_space<hbm>>
      tpu.enqueue_dma source(%dma_start3A_56 : memref<40xi32, #tpu.memory_space<hbm>>) target(%arg16 : memref<40xi32, #tpu.memory_space<vmem>>) target_semaphore(%arg23 : memref<!tpu.dma_semaphore, #tpu.memory_space<semaphore_mem>>)
      %add3A_57 = arith.constant 0 : i32
      %add3A_58 = arith.addi %add3A_17, %add3A_57 : i32
      %dma_wait3A = tpu.memref_slice %arg3[%add3A_58] : memref<320000xi32, #tpu.memory_space<hbm>> -> memref<40xi32, #tpu.memory_space<hbm>>
      %dma_wait3A_59 = tpu.memref_slice %arg3[%add3A_58] : memref<320000xi32, #tpu.memory_space<hbm>> -> memref<40xi32, #tpu.memory_space<hbm>>
      tpu.wait_dma2 semaphore(%arg23 : memref<!tpu.dma_semaphore, #tpu.memory_space<semaphore_mem>>) src(%dma_wait3A_59 : memref<40xi32, #tpu.memory_space<hbm>>) dst(%arg7 : memref<40xi32, #tpu.memory_space<vmem>>)
      %add3A_60 = arith.constant 0 : i32
      %add3A_61 = arith.addi %add3A_17, %add3A_60 : i32
      %dma_wait3A_62 = tpu.memref_slice %arg4[%add3A_61] : memref<320000xi32, #tpu.memory_space<hbm>> -> memref<40xi32, #tpu.memory_space<hbm>>
      %dma_wait3A_63 = tpu.memref_slice %arg4[%add3A_61] : memref<320000xi32, #tpu.memory_space<hbm>> -> memref<40xi32, #tpu.memory_space<hbm>>
      tpu.wait_dma2 semaphore(%arg23 : memref<!tpu.dma_semaphore, #tpu.memory_space<semaphore_mem>>) src(%dma_wait3A_63 : memref<40xi32, #tpu.memory_space<hbm>>) dst(%arg12 : memref<40xi32, #tpu.memory_space<vmem>>)
      %add3A_64 = arith.constant 40 : i32
      %add3A_65 = arith.addi %add3A_17, %add3A_64 : i32
      %dma_wait3A_66 = tpu.memref_slice %arg3[%add3A_65] : memref<320000xi32, #tpu.memory_space<hbm>> -> memref<40xi32, #tpu.memory_space<hbm>>
      %dma_wait3A_67 = tpu.memref_slice %arg3[%add3A_65] : memref<320000xi32, #tpu.memory_space<hbm>> -> memref<40xi32, #tpu.memory_space<hbm>>
      tpu.wait_dma2 semaphore(%arg23 : memref<!tpu.dma_semaphore, #tpu.memory_space<semaphore_mem>>) src(%dma_wait3A_67 : memref<40xi32, #tpu.memory_space<hbm>>) dst(%arg8 : memref<40xi32, #tpu.memory_space<vmem>>)
      %add3A_68 = arith.constant 40 : i32
      %add3A_69 = arith.addi %add3A_17, %add3A_68 : i32
      %dma_wait3A_70 = tpu.memref_slice %arg4[%add3A_69] : memref<320000xi32, #tpu.memory_space<hbm>> -> memref<40xi32, #tpu.memory_space<hbm>>
      %dma_wait3A_71 = tpu.memref_slice %arg4[%add3A_69] : memref<320000xi32, #tpu.memory_space<hbm>> -> memref<40xi32, #tpu.memory_space<hbm>>
      tpu.wait_dma2 semaphore(%arg23 : memref<!tpu.dma_semaphore, #tpu.memory_space<semaphore_mem>>) src(%dma_wait3A_71 : memref<40xi32, #tpu.memory_space<hbm>>) dst(%arg13 : memref<40xi32, #tpu.memory_space<vmem>>)
      %add3A_72 = arith.constant 80 : i32
      %add3A_73 = arith.addi %add3A_17, %add3A_72 : i32
      %dma_wait3A_74 = tpu.memref_slice %arg3[%add3A_73] : memref<320000xi32, #tpu.memory_space<hbm>> -> memref<40xi32, #tpu.memory_space<hbm>>
      %dma_wait3A_75 = tpu.memref_slice %arg3[%add3A_73] : memref<320000xi32, #tpu.memory_space<hbm>> -> memref<40xi32, #tpu.memory_space<hbm>>
      tpu.wait_dma2 semaphore(%arg23 : memref<!tpu.dma_semaphore, #tpu.memory_space<semaphore_mem>>) src(%dma_wait3A_75 : memref<40xi32, #tpu.memory_space<hbm>>) dst(%arg9 : memref<40xi32, #tpu.memory_space<vmem>>)
      %add3A_76 = arith.constant 80 : i32
      %add3A_77 = arith.addi %add3A_17, %add3A_76 : i32
      %dma_wait3A_78 = tpu.memref_slice %arg4[%add3A_77] : memref<320000xi32, #tpu.memory_space<hbm>> -> memref<40xi32, #tpu.memory_space<hbm>>
      %dma_wait3A_79 = tpu.memref_slice %arg4[%add3A_77] : memref<320000xi32, #tpu.memory_space<hbm>> -> memref<40xi32, #tpu.memory_space<hbm>>
      tpu.wait_dma2 semaphore(%arg23 : memref<!tpu.dma_semaphore, #tpu.memory_space<semaphore_mem>>) src(%dma_wait3A_79 : memref<40xi32, #tpu.memory_space<hbm>>) dst(%arg14 : memref<40xi32, #tpu.memory_space<vmem>>)
      %add3A_80 = arith.constant 120 : i32
      %add3A_81 = arith.addi %add3A_17, %add3A_80 : i32
      %dma_wait3A_82 = tpu.memref_slice %arg3[%add3A_81] : memref<320000xi32, #tpu.memory_space<hbm>> -> memref<40xi32, #tpu.memory_space<hbm>>
      %dma_wait3A_83 = tpu.memref_slice %arg3[%add3A_81] : memref<320000xi32, #tpu.memory_space<hbm>> -> memref<40xi32, #tpu.memory_space<hbm>>
      tpu.wait_dma2 semaphore(%arg23 : memref<!tpu.dma_semaphore, #tpu.memory_space<semaphore_mem>>) src(%dma_wait3A_83 : memref<40xi32, #tpu.memory_space<hbm>>) dst(%arg10 : memref<40xi32, #tpu.memory_space<vmem>>)
      %add3A_84 = arith.constant 120 : i32
      %add3A_85 = arith.addi %add3A_17, %add3A_84 : i32
      %dma_wait3A_86 = tpu.memref_slice %arg4[%add3A_85] : memref<320000xi32, #tpu.memory_space<hbm>> -> memref<40xi32, #tpu.memory_space<hbm>>
      %dma_wait3A_87 = tpu.memref_slice %arg4[%add3A_85] : memref<320000xi32, #tpu.memory_space<hbm>> -> memref<40xi32, #tpu.memory_space<hbm>>
      tpu.wait_dma2 semaphore(%arg23 : memref<!tpu.dma_semaphore, #tpu.memory_space<semaphore_mem>>) src(%dma_wait3A_87 : memref<40xi32, #tpu.memory_space<hbm>>) dst(%arg15 : memref<40xi32, #tpu.memory_space<vmem>>)
      %add3A_88 = arith.constant 160 : i32
      %add3A_89 = arith.addi %add3A_17, %add3A_88 : i32
      %dma_wait3A_90 = tpu.memref_slice %arg3[%add3A_89] : memref<320000xi32, #tpu.memory_space<hbm>> -> memref<40xi32, #tpu.memory_space<hbm>>
      %dma_wait3A_91 = tpu.memref_slice %arg3[%add3A_89] : memref<320000xi32, #tpu.memory_space<hbm>> -> memref<40xi32, #tpu.memory_space<hbm>>
      tpu.wait_dma2 semaphore(%arg23 : memref<!tpu.dma_semaphore, #tpu.memory_space<semaphore_mem>>) src(%dma_wait3A_91 : memref<40xi32, #tpu.memory_space<hbm>>) dst(%arg11 : memref<40xi32, #tpu.memory_space<vmem>>)
      %add3A_92 = arith.constant 160 : i32
      %add3A_93 = arith.addi %add3A_17, %add3A_92 : i32
      %dma_wait3A_94 = tpu.memref_slice %arg4[%add3A_93] : memref<320000xi32, #tpu.memory_space<hbm>> -> memref<40xi32, #tpu.memory_space<hbm>>
      %dma_wait3A_95 = tpu.memref_slice %arg4[%add3A_93] : memref<320000xi32, #tpu.memory_space<hbm>> -> memref<40xi32, #tpu.memory_space<hbm>>
      tpu.wait_dma2 semaphore(%arg23 : memref<!tpu.dma_semaphore, #tpu.memory_space<semaphore_mem>>) src(%dma_wait3A_95 : memref<40xi32, #tpu.memory_space<hbm>>) dst(%arg16 : memref<40xi32, #tpu.memory_space<vmem>>)
      %dma_start3A_96 = arith.constant 0 : i32
      %dma_start3A_97 = arith.constant 0 : i32
      %dma_start3A_98 = tpu.memref_slice %arg2[%arg0, %dma_start3A_96, %dma_start3A_97] : memref<2x10000x128xf32, #tpu.memory_space<hbm>> -> memref<1x10000x128xf32, #tpu.memory_space<hbm>>
      %dma_start3A_99 = tpu.memref_squeeze %dma_start3A_98 : memref<1x10000x128xf32, #tpu.memory_space<hbm>> -> memref<10000x128xf32, #tpu.memory_space<hbm>>
      %dma_start3A_100 = arith.constant 0 : i32
      %dma_start3A_101 = arith.constant 0 : i32
      %dma_start3A_102 = tpu.memref_slice %dma_start3A_99[%dma_start3A_100, %dma_start3A_101] : memref<10000x128xf32, #tpu.memory_space<hbm>> -> memref<10000x128xf32, #tpu.memory_space<hbm>>
      tpu.enqueue_indirect_dma source(%dma_start3A_102 : memref<10000x128xf32, #tpu.memory_space<hbm>>) target(%arg17 : memref<40x128xf32, #tpu.memory_space<vmem>>) offsets(%arg7 : memref<40xi32, #tpu.memory_space<vmem>>) semaphore(%arg24 : memref<!tpu.dma_semaphore, #tpu.memory_space<semaphore_mem>>)
      %dma_start3A_103 = arith.constant 0 : i32
      %dma_start3A_104 = arith.constant 0 : i32
      %dma_start3A_105 = tpu.memref_slice %arg2[%arg0, %dma_start3A_103, %dma_start3A_104] : memref<2x10000x128xf32, #tpu.memory_space<hbm>> -> memref<1x10000x128xf32, #tpu.memory_space<hbm>>
      %dma_start3A_106 = tpu.memref_squeeze %dma_start3A_105 : memref<1x10000x128xf32, #tpu.memory_space<hbm>> -> memref<10000x128xf32, #tpu.memory_space<hbm>>
      %dma_start3A_107 = arith.constant 0 : i32
      %dma_start3A_108 = arith.constant 0 : i32
      %dma_start3A_109 = tpu.memref_slice %dma_start3A_106[%dma_start3A_107, %dma_start3A_108] : memref<10000x128xf32, #tpu.memory_space<hbm>> -> memref<10000x128xf32, #tpu.memory_space<hbm>>
      tpu.enqueue_indirect_dma source(%dma_start3A_109 : memref<10000x128xf32, #tpu.memory_space<hbm>>) target(%arg18 : memref<40x128xf32, #tpu.memory_space<vmem>>) offsets(%arg8 : memref<40xi32, #tpu.memory_space<vmem>>) semaphore(%arg24 : memref<!tpu.dma_semaphore, #tpu.memory_space<semaphore_mem>>)
      %dma_start3A_110 = arith.constant 0 : i32
      %dma_start3A_111 = arith.constant 0 : i32
      %dma_start3A_112 = tpu.memref_slice %arg2[%arg0, %dma_start3A_110, %dma_start3A_111] : memref<2x10000x128xf32, #tpu.memory_space<hbm>> -> memref<1x10000x128xf32, #tpu.memory_space<hbm>>
      %dma_start3A_113 = tpu.memref_squeeze %dma_start3A_112 : memref<1x10000x128xf32, #tpu.memory_space<hbm>> -> memref<10000x128xf32, #tpu.memory_space<hbm>>
      %dma_start3A_114 = arith.constant 0 : i32
      %dma_start3A_115 = arith.constant 0 : i32
      %dma_start3A_116 = tpu.memref_slice %dma_start3A_113[%dma_start3A_114, %dma_start3A_115] : memref<10000x128xf32, #tpu.memory_space<hbm>> -> memref<10000x128xf32, #tpu.memory_space<hbm>>
      tpu.enqueue_indirect_dma source(%dma_start3A_116 : memref<10000x128xf32, #tpu.memory_space<hbm>>) target(%arg19 : memref<40x128xf32, #tpu.memory_space<vmem>>) offsets(%arg9 : memref<40xi32, #tpu.memory_space<vmem>>) semaphore(%arg24 : memref<!tpu.dma_semaphore, #tpu.memory_space<semaphore_mem>>)
      %dma_start3A_117 = arith.constant 0 : i32
      %dma_start3A_118 = arith.constant 0 : i32
      %dma_start3A_119 = tpu.memref_slice %arg2[%arg0, %dma_start3A_117, %dma_start3A_118] : memref<2x10000x128xf32, #tpu.memory_space<hbm>> -> memref<1x10000x128xf32, #tpu.memory_space<hbm>>
      %dma_start3A_120 = tpu.memref_squeeze %dma_start3A_119 : memref<1x10000x128xf32, #tpu.memory_space<hbm>> -> memref<10000x128xf32, #tpu.memory_space<hbm>>
      %dma_start3A_121 = arith.constant 0 : i32
      %dma_start3A_122 = arith.constant 0 : i32
      %dma_start3A_123 = tpu.memref_slice %dma_start3A_120[%dma_start3A_121, %dma_start3A_122] : memref<10000x128xf32, #tpu.memory_space<hbm>> -> memref<10000x128xf32, #tpu.memory_space<hbm>>
      tpu.enqueue_indirect_dma source(%dma_start3A_123 : memref<10000x128xf32, #tpu.memory_space<hbm>>) target(%arg20 : memref<40x128xf32, #tpu.memory_space<vmem>>) offsets(%arg10 : memref<40xi32, #tpu.memory_space<vmem>>) semaphore(%arg24 : memref<!tpu.dma_semaphore, #tpu.memory_space<semaphore_mem>>)
      %dma_start3A_124 = arith.constant 0 : i32
      %dma_start3A_125 = arith.constant 0 : i32
      %dma_start3A_126 = tpu.memref_slice %arg2[%arg0, %dma_start3A_124, %dma_start3A_125] : memref<2x10000x128xf32, #tpu.memory_space<hbm>> -> memref<1x10000x128xf32, #tpu.memory_space<hbm>>
      %dma_start3A_127 = tpu.memref_squeeze %dma_start3A_126 : memref<1x10000x128xf32, #tpu.memory_space<hbm>> -> memref<10000x128xf32, #tpu.memory_space<hbm>>
      %dma_start3A_128 = arith.constant 0 : i32
      %dma_start3A_129 = arith.constant 0 : i32
      %dma_start3A_130 = tpu.memref_slice %dma_start3A_127[%dma_start3A_128, %dma_start3A_129] : memref<10000x128xf32, #tpu.memory_space<hbm>> -> memref<10000x128xf32, #tpu.memory_space<hbm>>
      tpu.enqueue_indirect_dma source(%dma_start3A_130 : memref<10000x128xf32, #tpu.memory_space<hbm>>) target(%arg21 : memref<40x128xf32, #tpu.memory_space<vmem>>) offsets(%arg11 : memref<40xi32, #tpu.memory_space<vmem>>) semaphore(%arg24 : memref<!tpu.dma_semaphore, #tpu.memory_space<semaphore_mem>>)
      %dma_wait3A_131 = arith.constant 0 : i32
      %dma_wait3A_132 = arith.constant 0 : i32
      %dma_wait3A_133 = tpu.memref_slice %arg2[%arg0, %dma_wait3A_131, %dma_wait3A_132] : memref<2x10000x128xf32, #tpu.memory_space<hbm>> -> memref<1x10000x128xf32, #tpu.memory_space<hbm>>
      %dma_wait3A_134 = tpu.memref_squeeze %dma_wait3A_133 : memref<1x10000x128xf32, #tpu.memory_space<hbm>> -> memref<10000x128xf32, #tpu.memory_space<hbm>>
      %dma_wait3A_135 = arith.constant 0 : i32
      %dma_wait3A_136 = arith.constant 0 : i32
      %dma_wait3A_137 = tpu.memref_slice %dma_wait3A_134[%dma_wait3A_135, %dma_wait3A_136] : memref<10000x128xf32, #tpu.memory_space<hbm>> -> memref<10000x128xf32, #tpu.memory_space<hbm>>
      tpu.wait_indirect_dma semaphore(%arg24 : memref<!tpu.dma_semaphore, #tpu.memory_space<semaphore_mem>>) src(%dma_wait3A_137 : memref<10000x128xf32, #tpu.memory_space<hbm>>) dst(%arg17 : memref<40x128xf32, #tpu.memory_space<vmem>>)
      %dma_wait3A_138 = arith.constant 0 : i32
      %dma_wait3A_139 = arith.constant 0 : i32
      %dma_wait3A_140 = tpu.memref_slice %arg2[%arg0, %dma_wait3A_138, %dma_wait3A_139] : memref<2x10000x128xf32, #tpu.memory_space<hbm>> -> memref<1x10000x128xf32, #tpu.memory_space<hbm>>
      %dma_wait3A_141 = tpu.memref_squeeze %dma_wait3A_140 : memref<1x10000x128xf32, #tpu.memory_space<hbm>> -> memref<10000x128xf32, #tpu.memory_space<hbm>>
      %dma_wait3A_142 = arith.constant 0 : i32
      %dma_wait3A_143 = arith.constant 0 : i32
      %dma_wait3A_144 = tpu.memref_slice %dma_wait3A_141[%dma_wait3A_142, %dma_wait3A_143] : memref<10000x128xf32, #tpu.memory_space<hbm>> -> memref<10000x128xf32, #tpu.memory_space<hbm>>
      tpu.wait_indirect_dma semaphore(%arg24 : memref<!tpu.dma_semaphore, #tpu.memory_space<semaphore_mem>>) src(%dma_wait3A_144 : memref<10000x128xf32, #tpu.memory_space<hbm>>) dst(%arg18 : memref<40x128xf32, #tpu.memory_space<vmem>>)
      %dma_wait3A_145 = arith.constant 0 : i32
      %dma_wait3A_146 = arith.constant 0 : i32
      %dma_wait3A_147 = tpu.memref_slice %arg2[%arg0, %dma_wait3A_145, %dma_wait3A_146] : memref<2x10000x128xf32, #tpu.memory_space<hbm>> -> memref<1x10000x128xf32, #tpu.memory_space<hbm>>
      %dma_wait3A_148 = tpu.memref_squeeze %dma_wait3A_147 : memref<1x10000x128xf32, #tpu.memory_space<hbm>> -> memref<10000x128xf32, #tpu.memory_space<hbm>>
      %dma_wait3A_149 = arith.constant 0 : i32
      %dma_wait3A_150 = arith.constant 0 : i32
      %dma_wait3A_151 = tpu.memref_slice %dma_wait3A_148[%dma_wait3A_149, %dma_wait3A_150] : memref<10000x128xf32, #tpu.memory_space<hbm>> -> memref<10000x128xf32, #tpu.memory_space<hbm>>
      tpu.wait_indirect_dma semaphore(%arg24 : memref<!tpu.dma_semaphore, #tpu.memory_space<semaphore_mem>>) src(%dma_wait3A_151 : memref<10000x128xf32, #tpu.memory_space<hbm>>) dst(%arg19 : memref<40x128xf32, #tpu.memory_space<vmem>>)
      %dma_wait3A_152 = arith.constant 0 : i32
      %dma_wait3A_153 = arith.constant 0 : i32
      %dma_wait3A_154 = tpu.memref_slice %arg2[%arg0, %dma_wait3A_152, %dma_wait3A_153] : memref<2x10000x128xf32, #tpu.memory_space<hbm>> -> memref<1x10000x128xf32, #tpu.memory_space<hbm>>
      %dma_wait3A_155 = tpu.memref_squeeze %dma_wait3A_154 : memref<1x10000x128xf32, #tpu.memory_space<hbm>> -> memref<10000x128xf32, #tpu.memory_space<hbm>>
      %dma_wait3A_156 = arith.constant 0 : i32
      %dma_wait3A_157 = arith.constant 0 : i32
      %dma_wait3A_158 = tpu.memref_slice %dma_wait3A_155[%dma_wait3A_156, %dma_wait3A_157] : memref<10000x128xf32, #tpu.memory_space<hbm>> -> memref<10000x128xf32, #tpu.memory_space<hbm>>
      tpu.wait_indirect_dma semaphore(%arg24 : memref<!tpu.dma_semaphore, #tpu.memory_space<semaphore_mem>>) src(%dma_wait3A_158 : memref<10000x128xf32, #tpu.memory_space<hbm>>) dst(%arg20 : memref<40x128xf32, #tpu.memory_space<vmem>>)
      %dma_wait3A_159 = arith.constant 0 : i32
      %dma_wait3A_160 = arith.constant 0 : i32
      %dma_wait3A_161 = tpu.memref_slice %arg2[%arg0, %dma_wait3A_159, %dma_wait3A_160] : memref<2x10000x128xf32, #tpu.memory_space<hbm>> -> memref<1x10000x128xf32, #tpu.memory_space<hbm>>
      %dma_wait3A_162 = tpu.memref_squeeze %dma_wait3A_161 : memref<1x10000x128xf32, #tpu.memory_space<hbm>> -> memref<10000x128xf32, #tpu.memory_space<hbm>>
      %dma_wait3A_163 = arith.constant 0 : i32
      %dma_wait3A_164 = arith.constant 0 : i32
      %dma_wait3A_165 = tpu.memref_slice %dma_wait3A_162[%dma_wait3A_163, %dma_wait3A_164] : memref<10000x128xf32, #tpu.memory_space<hbm>> -> memref<10000x128xf32, #tpu.memory_space<hbm>>
      tpu.wait_indirect_dma semaphore(%arg24 : memref<!tpu.dma_semaphore, #tpu.memory_space<semaphore_mem>>) src(%dma_wait3A_165 : memref<10000x128xf32, #tpu.memory_space<hbm>>) dst(%arg21 : memref<40x128xf32, #tpu.memory_space<vmem>>)
      "tpu.region"() ({
        %run_scoped3A = tpu.sem_alloc : memref<!tpu.dma_semaphore, #tpu.memory_space<semaphore_mem>>
        %dma_start3A_166 = arith.constant 0 : i32
        %dma_start3A_167 = arith.constant 0 : i32
        %dma_start3A_168 = tpu.memref_slice %arg22[%dma_start3A_166, %dma_start3A_167] : memref<10240x128xf32, #tpu.memory_space<vmem_shared>> -> memref<10240x128xf32, #tpu.memory_space<vmem_shared>>
        tpu.enqueue_indirect_dma source(%arg17 : memref<40x128xf32, #tpu.memory_space<vmem>>) target(%dma_start3A_168 : memref<10240x128xf32, #tpu.memory_space<vmem_shared>>) offsets(%arg12 : memref<40xi32, #tpu.memory_space<vmem>>) semaphore(%run_scoped3A : memref<!tpu.dma_semaphore, #tpu.memory_space<semaphore_mem>>) {add = true}
        %dma_wait3A_169 = arith.constant 0 : i32
        %dma_wait3A_170 = arith.constant 0 : i32
        %dma_wait3A_171 = tpu.memref_slice %arg22[%dma_wait3A_169, %dma_wait3A_170] : memref<10240x128xf32, #tpu.memory_space<vmem_shared>> -> memref<10240x128xf32, #tpu.memory_space<vmem_shared>>
        tpu.wait_indirect_dma semaphore(%run_scoped3A : memref<!tpu.dma_semaphore, #tpu.memory_space<semaphore_mem>>) src(%arg17 : memref<40x128xf32, #tpu.memory_space<vmem>>) dst(%dma_wait3A_171 : memref<10240x128xf32, #tpu.memory_space<vmem_shared>>)
        tpu.yield
      }) : () -> ()
      "tpu.region"() ({
        %run_scoped3A = tpu.sem_alloc : memref<!tpu.dma_semaphore, #tpu.memory_space<semaphore_mem>>
        %dma_start3A_166 = arith.constant 0 : i32
        %dma_start3A_167 = arith.constant 0 : i32
        %dma_start3A_168 = tpu.memref_slice %arg22[%dma_start3A_166, %dma_start3A_167] : memref<10240x128xf32, #tpu.memory_space<vmem_shared>> -> memref<10240x128xf32, #tpu.memory_space<vmem_shared>>
        tpu.enqueue_indirect_dma source(%arg18 : memref<40x128xf32, #tpu.memory_space<vmem>>) target(%dma_start3A_168 : memref<10240x128xf32, #tpu.memory_space<vmem_shared>>) offsets(%arg13 : memref<40xi32, #tpu.memory_space<vmem>>) semaphore(%run_scoped3A : memref<!tpu.dma_semaphore, #tpu.memory_space<semaphore_mem>>) {add = true}
        %dma_wait3A_169 = arith.constant 0 : i32
        %dma_wait3A_170 = arith.constant 0 : i32
        %dma_wait3A_171 = tpu.memref_slice %arg22[%dma_wait3A_169, %dma_wait3A_170] : memref<10240x128xf32, #tpu.memory_space<vmem_shared>> -> memref<10240x128xf32, #tpu.memory_space<vmem_shared>>
        tpu.wait_indirect_dma semaphore(%run_scoped3A : memref<!tpu.dma_semaphore, #tpu.memory_space<semaphore_mem>>) src(%arg18 : memref<40x128xf32, #tpu.memory_space<vmem>>) dst(%dma_wait3A_171 : memref<10240x128xf32, #tpu.memory_space<vmem_shared>>)
        tpu.yield
      }) : () -> ()
      "tpu.region"() ({
        %run_scoped3A = tpu.sem_alloc : memref<!tpu.dma_semaphore, #tpu.memory_space<semaphore_mem>>
        %dma_start3A_166 = arith.constant 0 : i32
        %dma_start3A_167 = arith.constant 0 : i32
        %dma_start3A_168 = tpu.memref_slice %arg22[%dma_start3A_166, %dma_start3A_167] : memref<10240x128xf32, #tpu.memory_space<vmem_shared>> -> memref<10240x128xf32, #tpu.memory_space<vmem_shared>>
        tpu.enqueue_indirect_dma source(%arg19 : memref<40x128xf32, #tpu.memory_space<vmem>>) target(%dma_start3A_168 : memref<10240x128xf32, #tpu.memory_space<vmem_shared>>) offsets(%arg14 : memref<40xi32, #tpu.memory_space<vmem>>) semaphore(%run_scoped3A : memref<!tpu.dma_semaphore, #tpu.memory_space<semaphore_mem>>) {add = true}
        %dma_wait3A_169 = arith.constant 0 : i32
        %dma_wait3A_170 = arith.constant 0 : i32
        %dma_wait3A_171 = tpu.memref_slice %arg22[%dma_wait3A_169, %dma_wait3A_170] : memref<10240x128xf32, #tpu.memory_space<vmem_shared>> -> memref<10240x128xf32, #tpu.memory_space<vmem_shared>>
        tpu.wait_indirect_dma semaphore(%run_scoped3A : memref<!tpu.dma_semaphore, #tpu.memory_space<semaphore_mem>>) src(%arg19 : memref<40x128xf32, #tpu.memory_space<vmem>>) dst(%dma_wait3A_171 : memref<10240x128xf32, #tpu.memory_space<vmem_shared>>)
        tpu.yield
      }) : () -> ()
      "tpu.region"() ({
        %run_scoped3A = tpu.sem_alloc : memref<!tpu.dma_semaphore, #tpu.memory_space<semaphore_mem>>
        %dma_start3A_166 = arith.constant 0 : i32
        %dma_start3A_167 = arith.constant 0 : i32
        %dma_start3A_168 = tpu.memref_slice %arg22[%dma_start3A_166, %dma_start3A_167] : memref<10240x128xf32, #tpu.memory_space<vmem_shared>> -> memref<10240x128xf32, #tpu.memory_space<vmem_shared>>
        tpu.enqueue_indirect_dma source(%arg20 : memref<40x128xf32, #tpu.memory_space<vmem>>) target(%dma_start3A_168 : memref<10240x128xf32, #tpu.memory_space<vmem_shared>>) offsets(%arg15 : memref<40xi32, #tpu.memory_space<vmem>>) semaphore(%run_scoped3A : memref<!tpu.dma_semaphore, #tpu.memory_space<semaphore_mem>>) {add = true}
        %dma_wait3A_169 = arith.constant 0 : i32
        %dma_wait3A_170 = arith.constant 0 : i32
        %dma_wait3A_171 = tpu.memref_slice %arg22[%dma_wait3A_169, %dma_wait3A_170] : memref<10240x128xf32, #tpu.memory_space<vmem_shared>> -> memref<10240x128xf32, #tpu.memory_space<vmem_shared>>
        tpu.wait_indirect_dma semaphore(%run_scoped3A : memref<!tpu.dma_semaphore, #tpu.memory_space<semaphore_mem>>) src(%arg20 : memref<40x128xf32, #tpu.memory_space<vmem>>) dst(%dma_wait3A_171 : memref<10240x128xf32, #tpu.memory_space<vmem_shared>>)
        tpu.yield
      }) : () -> ()
      "tpu.region"() ({
        %run_scoped3A = tpu.sem_alloc : memref<!tpu.dma_semaphore, #tpu.memory_space<semaphore_mem>>
        %dma_start3A_166 = arith.constant 0 : i32
        %dma_start3A_167 = arith.constant 0 : i32
        %dma_start3A_168 = tpu.memref_slice %arg22[%dma_start3A_166, %dma_start3A_167] : memref<10240x128xf32, #tpu.memory_space<vmem_shared>> -> memref<10240x128xf32, #tpu.memory_space<vmem_shared>>
        tpu.enqueue_indirect_dma source(%arg21 : memref<40x128xf32, #tpu.memory_space<vmem>>) target(%dma_start3A_168 : memref<10240x128xf32, #tpu.memory_space<vmem_shared>>) offsets(%arg16 : memref<40xi32, #tpu.memory_space<vmem>>) semaphore(%run_scoped3A : memref<!tpu.dma_semaphore, #tpu.memory_space<semaphore_mem>>) {add = true}
        %dma_wait3A_169 = arith.constant 0 : i32
        %dma_wait3A_170 = arith.constant 0 : i32
        %dma_wait3A_171 = tpu.memref_slice %arg22[%dma_wait3A_169, %dma_wait3A_170] : memref<10240x128xf32, #tpu.memory_space<vmem_shared>> -> memref<10240x128xf32, #tpu.memory_space<vmem_shared>>
        tpu.wait_indirect_dma semaphore(%run_scoped3A : memref<!tpu.dma_semaphore, #tpu.memory_space<semaphore_mem>>) src(%arg21 : memref<40x128xf32, #tpu.memory_space<vmem>>) dst(%dma_wait3A_171 : memref<10240x128xf32, #tpu.memory_space<vmem_shared>>)
        tpu.yield
      }) : () -> ()
    }
    %scan3A_6 = arith.constant 100 : i32
    "tpu.region"() ({
      %run_scoped3A = tpu.sem_alloc : memref<!tpu.dma_semaphore, #tpu.memory_space<semaphore_mem>>
      %dma_start3A = arith.constant 0 : i32
      %dma_start3A_9 = arith.constant 0 : i32
      %dma_start3A_10 = tpu.memref_slice %arg17[%dma_start3A, %dma_start3A_9] : memref<40x128xf32, #tpu.memory_space<vmem>> -> memref<8x128xf32, #tpu.memory_space<vmem>>
      %dma_start3A_11 = arith.constant 0 : i32
      %dma_start3A_12 = tpu.memref_slice %arg22[%mul3A_2, %dma_start3A_11] : memref<10240x128xf32, #tpu.memory_space<vmem_shared>> -> memref<8x128xf32, #tpu.memory_space<vmem_shared>>
      %dma_start3A_13 = arith.constant 0 : i32
      %dma_start3A_14 = arith.constant 0 : i32
      %dma_start3A_15 = tpu.memref_slice %arg17[%dma_start3A_13, %dma_start3A_14] : memref<40x128xf32, #tpu.memory_space<vmem>> -> memref<8x128xf32, #tpu.memory_space<vmem>>
      %dma_start3A_16 = arith.constant 0 : i32
      %dma_start3A_17 = tpu.memref_slice %arg22[%mul3A_2, %dma_start3A_16] : memref<10240x128xf32, #tpu.memory_space<vmem_shared>> -> memref<8x128xf32, #tpu.memory_space<vmem_shared>>
      tpu.enqueue_dma source(%dma_start3A_17 : memref<8x128xf32, #tpu.memory_space<vmem_shared>>) target(%dma_start3A_15 : memref<8x128xf32, #tpu.memory_space<vmem>>) target_semaphore(%run_scoped3A : memref<!tpu.dma_semaphore, #tpu.memory_space<semaphore_mem>>)
      %dma_wait3A = arith.constant 0 : i32
      %dma_wait3A_18 = arith.constant 0 : i32
      %dma_wait3A_19 = tpu.memref_slice %arg17[%dma_wait3A, %dma_wait3A_18] : memref<40x128xf32, #tpu.memory_space<vmem>> -> memref<8x128xf32, #tpu.memory_space<vmem>>
      %dma_wait3A_20 = arith.constant 0 : i32
      %dma_wait3A_21 = tpu.memref_slice %arg22[%mul3A_2, %dma_wait3A_20] : memref<10240x128xf32, #tpu.memory_space<vmem_shared>> -> memref<8x128xf32, #tpu.memory_space<vmem_shared>>
      %dma_wait3A_22 = arith.constant 0 : i32
      %dma_wait3A_23 = arith.constant 0 : i32
      %dma_wait3A_24 = tpu.memref_slice %arg17[%dma_wait3A_22, %dma_wait3A_23] : memref<40x128xf32, #tpu.memory_space<vmem>> -> memref<8x128xf32, #tpu.memory_space<vmem>>
      %dma_wait3A_25 = arith.constant 0 : i32
      %dma_wait3A_26 = tpu.memref_slice %arg22[%mul3A_2, %dma_wait3A_25] : memref<10240x128xf32, #tpu.memory_space<vmem_shared>> -> memref<8x128xf32, #tpu.memory_space<vmem_shared>>
      tpu.wait_dma2 semaphore(%run_scoped3A : memref<!tpu.dma_semaphore, #tpu.memory_space<semaphore_mem>>) src(%dma_wait3A_26 : memref<8x128xf32, #tpu.memory_space<vmem_shared>>) dst(%dma_wait3A_24 : memref<8x128xf32, #tpu.memory_space<vmem>>)
      tpu.yield
    }) : () -> ()
    %barrier3A_7 = arith.constant 0 : index
    tpu.barrier barrier_id(%barrier3A_7)
    %barrier3A_8 = arith.constant 0 : index
    tpu.barrier barrier_id(%barrier3A_8)
    "tpu.region"() ({
      %run_scoped3A = tpu.sem_alloc : memref<!tpu.dma_semaphore, #tpu.memory_space<semaphore_mem>>
      %dma_start3A = arith.constant 0 : i32
      %dma_start3A_9 = tpu.memref_slice %arg6[%arg0, %mul3A_2, %dma_start3A] : memref<2x10240x128xf32, #tpu.memory_space<hbm>> -> memref<1x640x128xf32, #tpu.memory_space<hbm>>
      %dma_start3A_10 = tpu.memref_squeeze %dma_start3A_9 : memref<1x640x128xf32, #tpu.memory_space<hbm>> -> memref<640x128xf32, #tpu.memory_space<hbm>>
      %dma_start3A_11 = arith.constant 0 : i32
      %dma_start3A_12 = tpu.memref_slice %arg22[%mul3A_2, %dma_start3A_11] : memref<10240x128xf32, #tpu.memory_space<vmem_shared>> -> memref<640x128xf32, #tpu.memory_space<vmem_shared>>
      tpu.enqueue_dma source(%dma_start3A_12 : memref<640x128xf32, #tpu.memory_space<vmem_shared>>) target(%dma_start3A_10 : memref<640x128xf32, #tpu.memory_space<hbm>>) target_semaphore(%run_scoped3A : memref<!tpu.dma_semaphore, #tpu.memory_space<semaphore_mem>>)
      %dma_wait3A = arith.constant 0 : i32
      %dma_wait3A_13 = tpu.memref_slice %arg6[%arg0, %mul3A_2, %dma_wait3A] : memref<2x10240x128xf32, #tpu.memory_space<hbm>> -> memref<1x640x128xf32, #tpu.memory_space<hbm>>
      %dma_wait3A_14 = tpu.memref_squeeze %dma_wait3A_13 : memref<1x640x128xf32, #tpu.memory_space<hbm>> -> memref<640x128xf32, #tpu.memory_space<hbm>>
      %dma_wait3A_15 = arith.constant 0 : i32
      %dma_wait3A_16 = tpu.memref_slice %arg22[%mul3A_2, %dma_wait3A_15] : memref<10240x128xf32, #tpu.memory_space<vmem_shared>> -> memref<640x128xf32, #tpu.memory_space<vmem_shared>>
      tpu.wait_dma2 semaphore(%run_scoped3A : memref<!tpu.dma_semaphore, #tpu.memory_space<semaphore_mem>>) src(%dma_wait3A_16 : memref<640x128xf32, #tpu.memory_space<vmem_shared>>) dst(%dma_wait3A_14 : memref<640x128xf32, #tpu.memory_space<hbm>>)
      tpu.yield
    }) : () -> ()
    return
  }
}

module attributes {stable_mosaic.version = 14 : i64} {
  func.func @_layer_body(%arg0: i32, %arg1: memref<2x1000x128xf32, #tpu.memory_space<vmem>>, %arg2: memref<2x1000x128xf32, #tpu.memory_space<vmem>>, %arg3: memref<2x1000x16xf32, #tpu.memory_space<vmem>>, %arg4: memref<1x256xf32, #tpu.memory_space<vmem>>, %arg5: memref<256x256xf32, #tpu.memory_space<vmem>>, %arg6: memref<2x1000x128xf32, #tpu.memory_space<vmem>>) attributes {dimension_semantics = [#tpu.dimension_semantics<arbitrary>], iteration_bounds = array<i64: 10>, scalar_prefetch = 0 : i64, scratch_operands = 0 : i64, tpu.core_type = #tpu.core_type<tc>, window_params = [{transform_indices = @transform_0, window_bounds = array<i64: 2, 1000, 128>}, {transform_indices = @transform_1, window_bounds = array<i64: 2, 1000, 128>}, {transform_indices = @transform_2, window_bounds = array<i64: 2, 1000, 16>}, {pipeline_mode = #tpu.pipeline_mode<synchronous>, transform_indices = @transform_3, window_bounds = array<i64: 1, 256>}, {pipeline_mode = #tpu.pipeline_mode<synchronous>, transform_indices = @transform_4, window_bounds = array<i64: 256, 256>}, {transform_indices = @transform_5, window_bounds = array<i64: 2, 1000, 128>}]} {
    %get3A = arith.constant 0 : index
    %get3A_0 = arith.constant 0 : index
    %get3A_1 = arith.constant 0 : index
    %get3A_2 = vector.load %arg3[%get3A, %get3A_0, %get3A_1] : memref<2x1000x16xf32, #tpu.memory_space<vmem>>, vector<1x1000x1xf32>
    %get3A_3 = vector.shape_cast %get3A_2 : vector<1x1000x1xf32> to vector<1000x1xf32>
    %get3A_4 = arith.constant 1 : index
    %get3A_5 = arith.constant 0 : index
    %get3A_6 = arith.constant 0 : index
    %get3A_7 = vector.load %arg3[%get3A_4, %get3A_5, %get3A_6] : memref<2x1000x16xf32, #tpu.memory_space<vmem>>, vector<1x1000x1xf32>
    %get3A_8 = vector.shape_cast %get3A_7 : vector<1x1000x1xf32> to vector<1000x1xf32>
    %add3A = arith.addf %get3A_3, %get3A_8 : vector<1000x1xf32>
    %add3A_9 = arith.constant 1.000000e+00 : f32
    %add3A_10 = vector.broadcast %add3A_9 : f32 to vector<1000x1xf32>
    %add3A_11 = arith.addf %add3A, %add3A_10 : vector<1000x1xf32>
    %rsqrt3A = math.rsqrt %add3A_11 : vector<1000x1xf32>
    %get3A_12 = arith.constant 0 : index
    %get3A_13 = arith.constant 0 : index
    %get3A_14 = arith.constant 0 : index
    %get3A_15 = vector.load %arg1[%get3A_12, %get3A_13, %get3A_14] : memref<2x1000x128xf32, #tpu.memory_space<vmem>>, vector<1x1000x128xf32>
    %get3A_16 = vector.shape_cast %get3A_15 : vector<1x1000x128xf32> to vector<1000x128xf32>
    %get3A_17 = arith.constant 0 : index
    %get3A_18 = arith.constant 0 : index
    %get3A_19 = arith.constant 0 : index
    %get3A_20 = vector.load %arg2[%get3A_17, %get3A_18, %get3A_19] : memref<2x1000x128xf32, #tpu.memory_space<vmem>>, vector<1x1000x128xf32>
    %get3A_21 = vector.shape_cast %get3A_20 : vector<1x1000x128xf32> to vector<1000x128xf32>
    %add3A_22 = arith.addf %get3A_16, %get3A_21 : vector<1000x128xf32>
    %get3A_23 = arith.constant 1 : index
    %get3A_24 = arith.constant 0 : index
    %get3A_25 = arith.constant 0 : index
    %get3A_26 = vector.load %arg1[%get3A_23, %get3A_24, %get3A_25] : memref<2x1000x128xf32, #tpu.memory_space<vmem>>, vector<1x1000x128xf32>
    %get3A_27 = vector.shape_cast %get3A_26 : vector<1x1000x128xf32> to vector<1000x128xf32>
    %get3A_28 = arith.constant 1 : index
    %get3A_29 = arith.constant 0 : index
    %get3A_30 = arith.constant 0 : index
    %get3A_31 = vector.load %arg2[%get3A_28, %get3A_29, %get3A_30] : memref<2x1000x128xf32, #tpu.memory_space<vmem>>, vector<1x1000x128xf32>
    %get3A_32 = vector.shape_cast %get3A_31 : vector<1x1000x128xf32> to vector<1000x128xf32>
    %add3A_33 = arith.addf %get3A_27, %get3A_32 : vector<1000x128xf32>
    %concatenate3A = tpu.concatenate %add3A_22, %add3A_33 in 1 : vector<1000x128xf32>, vector<1000x128xf32> -> vector<1000x256xf32>
    %mul3A = vector.broadcast %rsqrt3A : vector<1000x1xf32> to vector<1000x256xf32>
    %mul3A_34 = arith.mulf %mul3A, %concatenate3A : vector<1000x256xf32>
    %get3A_35 = arith.constant 0 : index
    %get3A_36 = arith.constant 0 : index
    %get3A_37 = vector.load %arg4[%get3A_35, %get3A_36] : memref<1x256xf32, #tpu.memory_space<vmem>>, vector<1x256xf32>
    %add3A_38 = vector.broadcast %get3A_37 : vector<1x256xf32> to vector<1000x256xf32>
    %add3A_39 = arith.addf %mul3A_34, %add3A_38 : vector<1000x256xf32>
    %gt3A = arith.constant 0.000000e+00 : f32
    %gt3A_40 = vector.broadcast %gt3A : f32 to vector<1000x256xf32>
    %gt3A_41 = arith.cmpf ogt, %add3A_39, %gt3A_40 : vector<1000x256xf32>
    %min3A = arith.constant 0.000000e+00 : f32
    %min3A_42 = vector.broadcast %min3A : f32 to vector<1000x256xf32>
    %min3A_43 = arith.minimumf %add3A_39, %min3A_42 : vector<1000x256xf32>
    %exp3A = math.exp %min3A_43 : vector<1000x256xf32>
    %sub3A = arith.constant 1.000000e+00 : f32
    %sub3A_44 = vector.broadcast %sub3A : f32 to vector<1000x256xf32>
    %sub3A_45 = arith.subf %exp3A, %sub3A_44 : vector<1000x256xf32>
    %select_n3A = arith.select %gt3A_41, %add3A_39, %sub3A_45 : vector<1000x256xi1>, vector<1000x256xf32>
    %get3A_46 = arith.constant 0 : index
    %get3A_47 = arith.constant 0 : index
    %get3A_48 = vector.load %arg5[%get3A_46, %get3A_47] : memref<256x256xf32, #tpu.memory_space<vmem>>, vector<256x256xf32>
    %dot_general3A = arith.constant dense<0.000000e+00> : vector<1000x256xf32>
    %dot_general3A_49 = tpu.matmul %select_n3A, %get3A_48, %dot_general3A {dimension_numbers = #tpu.dot_dimension_numbers<[1], [0], [0], [1], [0, 0, 1, 1], [], []>, precision = #tpu.contract_precision<fp32>, transpose_lhs_hint = false} : vector<1000x256xf32>, vector<256x256xf32>, vector<1000x256xf32> -> vector<1000x256xf32>
    %mul3A_50 = vector.broadcast %rsqrt3A : vector<1000x1xf32> to vector<1000x256xf32>
    %mul3A_51 = arith.mulf %dot_general3A_49, %mul3A_50 : vector<1000x256xf32>
    %slice3A = vector.extract_strided_slice %mul3A_51 {offsets = [0, 0], sizes = [1000, 128], strides = [1, 1]} : vector<1000x256xf32> to vector<1000x128xf32>
    %swap3A = arith.constant 0 : index
    %swap3A_52 = arith.constant 0 : index
    %swap3A_53 = arith.constant 0 : index
    %swap3A_54 = vector.load %arg6[%swap3A, %swap3A_52, %swap3A_53] : memref<2x1000x128xf32, #tpu.memory_space<vmem>>, vector<1x1000x128xf32>
    %swap3A_55 = vector.shape_cast %swap3A_54 : vector<1x1000x128xf32> to vector<1000x128xf32>
    %swap3A_56 = vector.shape_cast %slice3A : vector<1000x128xf32> to vector<1x1000x128xf32>
    tpu.vector_store %arg6[%swap3A, %swap3A_52, %swap3A_53], %swap3A_56 {strides = array<i32>} : memref<2x1000x128xf32, #tpu.memory_space<vmem>>, vector<1x1000x128xf32>,
    %slice3A_57 = vector.extract_strided_slice %mul3A_51 {offsets = [0, 128], sizes = [1000, 128], strides = [1, 1]} : vector<1000x256xf32> to vector<1000x128xf32>
    %swap3A_58 = arith.constant 1 : index
    %swap3A_59 = arith.constant 0 : index
    %swap3A_60 = arith.constant 0 : index
    %swap3A_61 = vector.load %arg6[%swap3A_58, %swap3A_59, %swap3A_60] : memref<2x1000x128xf32, #tpu.memory_space<vmem>>, vector<1x1000x128xf32>
    %swap3A_62 = vector.shape_cast %swap3A_61 : vector<1x1000x128xf32> to vector<1000x128xf32>
    %swap3A_63 = vector.shape_cast %slice3A_57 : vector<1000x128xf32> to vector<1x1000x128xf32>
    tpu.vector_store %arg6[%swap3A_58, %swap3A_59, %swap3A_60], %swap3A_63 {strides = array<i32>} : memref<2x1000x128xf32, #tpu.memory_space<vmem>>, vector<1x1000x128xf32>,
    return
  }
  func.func @transform_0(%arg0: i32) -> (i32, i32, i32) {
    %c0_i32 = arith.constant 0 : i32
    %c0_i32_0 = arith.constant 0 : i32
    %c0_i32_1 = arith.constant 0 : i32
    return %c0_i32, %arg0, %c0_i32_0 : i32, i32, i32
  }
  func.func @transform_1(%arg0: i32) -> (i32, i32, i32) {
    %c0_i32 = arith.constant 0 : i32
    %c0_i32_0 = arith.constant 0 : i32
    %c0_i32_1 = arith.constant 0 : i32
    return %c0_i32, %arg0, %c0_i32_0 : i32, i32, i32
  }
  func.func @transform_2(%arg0: i32) -> (i32, i32, i32) {
    %c0_i32 = arith.constant 0 : i32
    %c0_i32_0 = arith.constant 0 : i32
    %c0_i32_1 = arith.constant 0 : i32
    return %c0_i32, %arg0, %c0_i32_0 : i32, i32, i32
  }
  func.func @transform_3(%arg0: i32) -> (i32, i32) {
    %c0_i32 = arith.constant 0 : i32
    %c0_i32_0 = arith.constant 0 : i32
    %c0_i32_1 = arith.constant 0 : i32
    return %c0_i32, %c0_i32_0 : i32, i32
  }
  func.func @transform_4(%arg0: i32) -> (i32, i32) {
    %c0_i32 = arith.constant 0 : i32
    %c0_i32_0 = arith.constant 0 : i32
    %c0_i32_1 = arith.constant 0 : i32
    return %c0_i32, %c0_i32_0 : i32, i32
  }
  func.func @transform_5(%arg0: i32) -> (i32, i32, i32) {
    %c0_i32 = arith.constant 0 : i32
    %c0_i32_0 = arith.constant 0 : i32
    %c0_i32_1 = arith.constant 0 : i32
    return %c0_i32, %arg0, %c0_i32_0 : i32, i32, i32
  }
}

module attributes {stable_mosaic.version = 14 : i64} {
  func.func @_mm_body(%arg0: i32, %arg1: memref<1000x128xf32, #tpu.memory_space<vmem>>, %arg2: memref<128x256xf32, #tpu.memory_space<vmem>>, %arg3: memref<1000x256xf32, #tpu.memory_space<vmem>>) attributes {dimension_semantics = [#tpu.dimension_semantics<arbitrary>], iteration_bounds = array<i64: 10>, scalar_prefetch = 0 : i64, scratch_operands = 0 : i64, tpu.core_type = #tpu.core_type<tc>, window_params = [{transform_indices = @transform_0, window_bounds = array<i64: 1000, 128>}, {pipeline_mode = #tpu.pipeline_mode<synchronous>, transform_indices = @transform_1, window_bounds = array<i64: 128, 256>}, {transform_indices = @transform_2, window_bounds = array<i64: 1000, 256>}]} {
    %get3A = arith.constant 0 : index
    %get3A_0 = arith.constant 0 : index
    %get3A_1 = vector.load %arg1[%get3A, %get3A_0] : memref<1000x128xf32, #tpu.memory_space<vmem>>, vector<1000x128xf32>
    %get3A_2 = arith.constant 0 : index
    %get3A_3 = arith.constant 0 : index
    %get3A_4 = vector.load %arg2[%get3A_2, %get3A_3] : memref<128x256xf32, #tpu.memory_space<vmem>>, vector<128x256xf32>
    %dot_general3A = arith.constant dense<0.000000e+00> : vector<1000x256xf32>
    %dot_general3A_5 = tpu.matmul %get3A_1, %get3A_4, %dot_general3A {dimension_numbers = #tpu.dot_dimension_numbers<[1], [0], [0], [1], [0, 0, 1, 1], [], []>, precision = #tpu.contract_precision<fp32>, transpose_lhs_hint = false} : vector<1000x128xf32>, vector<128x256xf32>, vector<1000x256xf32> -> vector<1000x256xf32>
    %swap3A = arith.constant 0 : index
    %swap3A_6 = arith.constant 0 : index
    %swap3A_7 = vector.load %arg3[%swap3A, %swap3A_6] : memref<1000x256xf32, #tpu.memory_space<vmem>>, vector<1000x256xf32>
    tpu.vector_store %arg3[%swap3A, %swap3A_6], %dot_general3A_5 {strides = array<i32>} : memref<1000x256xf32, #tpu.memory_space<vmem>>, vector<1000x256xf32>,
    return
  }
  func.func @transform_0(%arg0: i32) -> (i32, i32) {
    %c0_i32 = arith.constant 0 : i32
    %c0_i32_0 = arith.constant 0 : i32
    return %arg0, %c0_i32 : i32, i32
  }
  func.func @transform_1(%arg0: i32) -> (i32, i32) {
    %c0_i32 = arith.constant 0 : i32
    %c0_i32_0 = arith.constant 0 : i32
    %c0_i32_1 = arith.constant 0 : i32
    return %c0_i32, %c0_i32_0 : i32, i32
  }
  func.func @transform_2(%arg0: i32) -> (i32, i32) {
    %c0_i32 = arith.constant 0 : i32
    %c0_i32_0 = arith.constant 0 : i32
    return %arg0, %c0_i32 : i32, i32
  }
}

module attributes {stable_mosaic.version = 14 : i64} {
  func.func @_split_body(%arg0: i32, %arg1: memref<1000x256xf32, #tpu.memory_space<vmem>>, %arg2: memref<2x1000x16xf32, #tpu.memory_space<vmem>>, %arg3: memref<2x1000x128xf32, #tpu.memory_space<vmem>>) attributes {dimension_semantics = [#tpu.dimension_semantics<arbitrary>], iteration_bounds = array<i64: 10>, scalar_prefetch = 0 : i64, scratch_operands = 0 : i64, tpu.core_type = #tpu.core_type<tc>, window_params = [{transform_indices = @transform_0, window_bounds = array<i64: 1000, 256>}, {transform_indices = @transform_1, window_bounds = array<i64: 2, 1000, 16>}, {transform_indices = @transform_2, window_bounds = array<i64: 2, 1000, 128>}]} {
    %get3A = arith.constant 0 : index
    %get3A_0 = arith.constant 0 : index
    %get3A_1 = vector.load %arg1[%get3A, %get3A_0] : memref<1000x256xf32, #tpu.memory_space<vmem>>, vector<1000x256xf32>
    %get3A_2 = arith.constant 0 : index
    %get3A_3 = arith.constant 0 : index
    %get3A_4 = arith.constant 0 : index
    %get3A_5 = vector.load %arg2[%get3A_2, %get3A_3, %get3A_4] : memref<2x1000x16xf32, #tpu.memory_space<vmem>>, vector<1x1000x1xf32>
    %get3A_6 = vector.shape_cast %get3A_5 : vector<1x1000x1xf32> to vector<1000x1xf32>
    %get3A_7 = arith.constant 1 : index
    %get3A_8 = arith.constant 0 : index
    %get3A_9 = arith.constant 0 : index
    %get3A_10 = vector.load %arg2[%get3A_7, %get3A_8, %get3A_9] : memref<2x1000x16xf32, #tpu.memory_space<vmem>>, vector<1x1000x1xf32>
    %get3A_11 = vector.shape_cast %get3A_10 : vector<1x1000x1xf32> to vector<1000x1xf32>
    %add3A = arith.addf %get3A_6, %get3A_11 : vector<1000x1xf32>
    %add3A_12 = arith.constant 1.000000e+00 : f32
    %add3A_13 = vector.broadcast %add3A_12 : f32 to vector<1000x1xf32>
    %add3A_14 = arith.addf %add3A, %add3A_13 : vector<1000x1xf32>
    %rsqrt3A = math.rsqrt %add3A_14 : vector<1000x1xf32>
    %mul3A = vector.broadcast %rsqrt3A : vector<1000x1xf32> to vector<1000x256xf32>
    %mul3A_15 = arith.mulf %get3A_1, %mul3A : vector<1000x256xf32>
    %slice3A = vector.extract_strided_slice %mul3A_15 {offsets = [0, 0], sizes = [1000, 128], strides = [1, 1]} : vector<1000x256xf32> to vector<1000x128xf32>
    %swap3A = arith.constant 0 : index
    %swap3A_16 = arith.constant 0 : index
    %swap3A_17 = arith.constant 0 : index
    %swap3A_18 = vector.load %arg3[%swap3A, %swap3A_16, %swap3A_17] : memref<2x1000x128xf32, #tpu.memory_space<vmem>>, vector<1x1000x128xf32>
    %swap3A_19 = vector.shape_cast %swap3A_18 : vector<1x1000x128xf32> to vector<1000x128xf32>
    %swap3A_20 = vector.shape_cast %slice3A : vector<1000x128xf32> to vector<1x1000x128xf32>
    tpu.vector_store %arg3[%swap3A, %swap3A_16, %swap3A_17], %swap3A_20 {strides = array<i32>} : memref<2x1000x128xf32, #tpu.memory_space<vmem>>, vector<1x1000x128xf32>,
    %slice3A_21 = vector.extract_strided_slice %mul3A_15 {offsets = [0, 128], sizes = [1000, 128], strides = [1, 1]} : vector<1000x256xf32> to vector<1000x128xf32>
    %swap3A_22 = arith.constant 1 : index
    %swap3A_23 = arith.constant 0 : index
    %swap3A_24 = arith.constant 0 : index
    %swap3A_25 = vector.load %arg3[%swap3A_22, %swap3A_23, %swap3A_24] : memref<2x1000x128xf32, #tpu.memory_space<vmem>>, vector<1x1000x128xf32>
    %swap3A_26 = vector.shape_cast %swap3A_25 : vector<1x1000x128xf32> to vector<1000x128xf32>
    %swap3A_27 = vector.shape_cast %slice3A_21 : vector<1000x128xf32> to vector<1x1000x128xf32>
    tpu.vector_store %arg3[%swap3A_22, %swap3A_23, %swap3A_24], %swap3A_27 {strides = array<i32>} : memref<2x1000x128xf32, #tpu.memory_space<vmem>>, vector<1x1000x128xf32>,
    return
  }
  func.func @transform_0(%arg0: i32) -> (i32, i32) {
    %c0_i32 = arith.constant 0 : i32
    %c0_i32_0 = arith.constant 0 : i32
    return %arg0, %c0_i32 : i32, i32
  }
  func.func @transform_1(%arg0: i32) -> (i32, i32, i32) {
    %c0_i32 = arith.constant 0 : i32
    %c0_i32_0 = arith.constant 0 : i32
    %c0_i32_1 = arith.constant 0 : i32
    return %c0_i32, %arg0, %c0_i32_0 : i32, i32, i32
  }
  func.func @transform_2(%arg0: i32) -> (i32, i32, i32) {
    %c0_i32 = arith.constant 0 : i32
    %c0_i32_0 = arith.constant 0 : i32
    %c0_i32_1 = arith.constant 0 : i32
    return %c0_i32, %arg0, %c0_i32_0 : i32, i32, i32
  }
}

module attributes {stable_mosaic.version = 14 : i64} {
  func.func @_final_body(%arg0: i32, %arg1: memref<2x1000x128xf32, #tpu.memory_space<vmem>>, %arg2: memref<2x1000x128xf32, #tpu.memory_space<vmem>>, %arg3: memref<2x1000x16xf32, #tpu.memory_space<vmem>>, %arg4: memref<1x256xf32, #tpu.memory_space<vmem>>, %arg5: memref<1000x1xi32, #tpu.memory_space<vmem>>, %arg6: memref<256x128xf32, #tpu.memory_space<vmem>>, %arg7: memref<1x128xf32, #tpu.memory_space<vmem>>, %arg8: memref<64x128xf32, #tpu.memory_space<vmem>>, %arg9: memref<64x256xf32, #tpu.memory_space<vmem>>) attributes {dimension_semantics = [#tpu.dimension_semantics<arbitrary>], iteration_bounds = array<i64: 10>, scalar_prefetch = 0 : i64, scratch_operands = 1 : i64, tpu.core_type = #tpu.core_type<tc>, window_params = [{transform_indices = @transform_0, window_bounds = array<i64: 2, 1000, 128>}, {transform_indices = @transform_1, window_bounds = array<i64: 2, 1000, 128>}, {transform_indices = @transform_2, window_bounds = array<i64: 2, 1000, 16>}, {pipeline_mode = #tpu.pipeline_mode<synchronous>, transform_indices = @transform_3, window_bounds = array<i64: 1, 256>}, {transform_indices = @transform_4, window_bounds = array<i64: 1000, 1>}, {pipeline_mode = #tpu.pipeline_mode<synchronous>, transform_indices = @transform_5, window_bounds = array<i64: 256, 128>}, {pipeline_mode = #tpu.pipeline_mode<synchronous>, transform_indices = @transform_6, window_bounds = array<i64: 1, 128>}, {pipeline_mode = #tpu.pipeline_mode<synchronous>, transform_indices = @transform_7, window_bounds = array<i64: 64, 128>}]} {
    %eq3A = arith.constant 0 : i32
    %eq3A_0 = arith.cmpi eq, %arg0, %eq3A : i32
    %convert_element_type3A = arith.extui %eq3A_0 : i1 to i32
    %cond3A = arith.constant 0 : i32
    %cond3A_1 = arith.cmpi ne, %convert_element_type3A, %cond3A : i32
    scf.if %cond3A_1 {
      %broadcast_in_dim3A = arith.constant 0xFF800000 : f32
      %broadcast_in_dim3A_76 = vector.broadcast %broadcast_in_dim3A : f32 to vector<64x256xf32>
      %swap3A = arith.constant 0 : index
      %swap3A_77 = arith.constant 0 : index
      %swap3A_78 = vector.load %arg9[%swap3A, %swap3A_77] : memref<64x256xf32, #tpu.memory_space<vmem>>, vector<64x256xf32>
      tpu.vector_store %arg9[%swap3A, %swap3A_77], %broadcast_in_dim3A_76 {strides = array<i32>} : memref<64x256xf32, #tpu.memory_space<vmem>>, vector<64x256xf32>,
    } else {
    }
    %get3A = arith.constant 0 : index
    %get3A_2 = arith.constant 0 : index
    %get3A_3 = arith.constant 0 : index
    %get3A_4 = vector.load %arg3[%get3A, %get3A_2, %get3A_3] : memref<2x1000x16xf32, #tpu.memory_space<vmem>>, vector<1x1000x1xf32>
    %get3A_5 = vector.shape_cast %get3A_4 : vector<1x1000x1xf32> to vector<1000x1xf32>
    %get3A_6 = arith.constant 1 : index
    %get3A_7 = arith.constant 0 : index
    %get3A_8 = arith.constant 0 : index
    %get3A_9 = vector.load %arg3[%get3A_6, %get3A_7, %get3A_8] : memref<2x1000x16xf32, #tpu.memory_space<vmem>>, vector<1x1000x1xf32>
    %get3A_10 = vector.shape_cast %get3A_9 : vector<1x1000x1xf32> to vector<1000x1xf32>
    %add3A = arith.addf %get3A_5, %get3A_10 : vector<1000x1xf32>
    %add3A_11 = arith.constant 1.000000e+00 : f32
    %add3A_12 = vector.broadcast %add3A_11 : f32 to vector<1000x1xf32>
    %add3A_13 = arith.addf %add3A, %add3A_12 : vector<1000x1xf32>
    %rsqrt3A = math.rsqrt %add3A_13 : vector<1000x1xf32>
    %get3A_14 = arith.constant 0 : index
    %get3A_15 = arith.constant 0 : index
    %get3A_16 = arith.constant 0 : index
    %get3A_17 = vector.load %arg1[%get3A_14, %get3A_15, %get3A_16] : memref<2x1000x128xf32, #tpu.memory_space<vmem>>, vector<1x1000x128xf32>
    %get3A_18 = vector.shape_cast %get3A_17 : vector<1x1000x128xf32> to vector<1000x128xf32>
    %get3A_19 = arith.constant 0 : index
    %get3A_20 = arith.constant 0 : index
    %get3A_21 = arith.constant 0 : index
    %get3A_22 = vector.load %arg2[%get3A_19, %get3A_20, %get3A_21] : memref<2x1000x128xf32, #tpu.memory_space<vmem>>, vector<1x1000x128xf32>
    %get3A_23 = vector.shape_cast %get3A_22 : vector<1x1000x128xf32> to vector<1000x128xf32>
    %add3A_24 = arith.addf %get3A_18, %get3A_23 : vector<1000x128xf32>
    %get3A_25 = arith.constant 1 : index
    %get3A_26 = arith.constant 0 : index
    %get3A_27 = arith.constant 0 : index
    %get3A_28 = vector.load %arg1[%get3A_25, %get3A_26, %get3A_27] : memref<2x1000x128xf32, #tpu.memory_space<vmem>>, vector<1x1000x128xf32>
    %get3A_29 = vector.shape_cast %get3A_28 : vector<1x1000x128xf32> to vector<1000x128xf32>
    %get3A_30 = arith.constant 1 : index
    %get3A_31 = arith.constant 0 : index
    %get3A_32 = arith.constant 0 : index
    %get3A_33 = vector.load %arg2[%get3A_30, %get3A_31, %get3A_32] : memref<2x1000x128xf32, #tpu.memory_space<vmem>>, vector<1x1000x128xf32>
    %get3A_34 = vector.shape_cast %get3A_33 : vector<1x1000x128xf32> to vector<1000x128xf32>
    %add3A_35 = arith.addf %get3A_29, %get3A_34 : vector<1000x128xf32>
    %concatenate3A = tpu.concatenate %add3A_24, %add3A_35 in 1 : vector<1000x128xf32>, vector<1000x128xf32> -> vector<1000x256xf32>
    %mul3A = vector.broadcast %rsqrt3A : vector<1000x1xf32> to vector<1000x256xf32>
    %mul3A_36 = arith.mulf %mul3A, %concatenate3A : vector<1000x256xf32>
    %get3A_37 = arith.constant 0 : index
    %get3A_38 = arith.constant 0 : index
    %get3A_39 = vector.load %arg4[%get3A_37, %get3A_38] : memref<1x256xf32, #tpu.memory_space<vmem>>, vector<1x256xf32>
    %add3A_40 = vector.broadcast %get3A_39 : vector<1x256xf32> to vector<1000x256xf32>
    %add3A_41 = arith.addf %mul3A_36, %add3A_40 : vector<1000x256xf32>
    %gt3A = arith.constant 0.000000e+00 : f32
    %gt3A_42 = vector.broadcast %gt3A : f32 to vector<1000x256xf32>
    %gt3A_43 = arith.cmpf ogt, %add3A_41, %gt3A_42 : vector<1000x256xf32>
    %min3A = arith.constant 0.000000e+00 : f32
    %min3A_44 = vector.broadcast %min3A : f32 to vector<1000x256xf32>
    %min3A_45 = arith.minimumf %add3A_41, %min3A_44 : vector<1000x256xf32>
    %exp3A = math.exp %min3A_45 : vector<1000x256xf32>
    %sub3A = arith.constant 1.000000e+00 : f32
    %sub3A_46 = vector.broadcast %sub3A : f32 to vector<1000x256xf32>
    %sub3A_47 = arith.subf %exp3A, %sub3A_46 : vector<1000x256xf32>
    %select_n3A = arith.select %gt3A_43, %add3A_41, %sub3A_47 : vector<1000x256xi1>, vector<1000x256xf32>
    %get3A_48 = arith.constant 0 : index
    %get3A_49 = arith.constant 0 : index
    %get3A_50 = vector.load %arg5[%get3A_48, %get3A_49] : memref<1000x1xi32, #tpu.memory_space<vmem>>, vector<1000x1xi32>
    %get3A_51 = arith.constant 0 : index
    %get3A_52 = arith.constant 0 : index
    %get3A_53 = vector.load %arg5[%get3A_51, %get3A_52] : memref<1000x1xi32, #tpu.memory_space<vmem>>, vector<1x1xi32>
    %get3A_54 = vector.extract %get3A_53[0, 0] : i32 from vector<1x1xi32>
    %get3A_55 = arith.constant 999 : index
    %get3A_56 = arith.constant 0 : index
    %get3A_57 = vector.load %arg5[%get3A_55, %get3A_56] : memref<1000x1xi32, #tpu.memory_space<vmem>>, vector<1x1xi32>
    %get3A_58 = vector.extract %get3A_57[0, 0] : i32 from vector<1x1xi32>
    %add3A_59 = arith.constant 1 : i32
    %add3A_60 = arith.addi %get3A_58, %add3A_59 : i32
    %while3A = arith.constant 0 : i32
    %while3A_61 = arith.subi %add3A_60, %get3A_54 : i32
    %while3A_62 = arith.addi %get3A_54, %while3A_61 : i32
    %while3A_63 = arith.constant 1 : i32
    %while3A_64 = arith.divsi %while3A_61, %while3A_63 : i32
    %while3A_65 = arith.muli %while3A_64, %while3A_63 : i32
    %while3A_66 = arith.addi %get3A_54, %while3A_65 : i32
    %while3A_67 = arith.constant 1 : i32
    %while3A_68 = scf.for %while3A_76 = %get3A_54 to %while3A_66 step %while3A_67 iter_args(%while3A_77 = %while3A) -> (i32)  : i32 {
      %eq3A_78 = vector.broadcast %while3A_76 : i32 to vector<1000x1xi32>
      %eq3A_79 = arith.cmpi eq, %get3A_50, %eq3A_78 : vector<1000x1xi32>
      %jit3A = arith.constant 0xFF800000 : f32
      %broadcast_in_dim3A = vector.shape_cast %eq3A_79 : vector<1000x1xi1> to vector<1000x1xi1>
      %broadcast_in_dim3A_80 = vector.broadcast %broadcast_in_dim3A : vector<1000x1xi1> to vector<1000x256xi1>
      %broadcast_in_dim3A_81 = vector.broadcast %jit3A : f32 to vector<1000x256xf32>
      %select_n3A_82 = arith.select %broadcast_in_dim3A_80, %select_n3A, %broadcast_in_dim3A_81 : vector<1000x256xi1>, vector<1000x256xf32>
      %get3A_83 = arith.index_cast %while3A_76 : i32 to index
      %get3A_84 = arith.constant 0 : index
      %get3A_85 = vector.load %arg9[%get3A_83, %get3A_84] : memref<64x256xf32, #tpu.memory_space<vmem>>, vector<1x256xf32>
      %reduce_max3A = arith.constant dense<0xFF800000> : vector<256xf32>
      %reduce_max3A_86 = vector.multi_reduction <maximumf>, %select_n3A_82, %reduce_max3A [0] : vector<1000x256xf32> to vector<256xf32>
      %broadcast_in_dim3A_87 = vector.shape_cast %reduce_max3A_86 : vector<256xf32> to vector<1x256xf32>
      %max3A = arith.maximumf %get3A_85, %broadcast_in_dim3A_87 : vector<1x256xf32>
      %swap3A = arith.index_cast %while3A_76 : i32 to index
      %swap3A_88 = arith.constant 0 : index
      %swap3A_89 = vector.load %arg9[%swap3A, %swap3A_88] : memref<64x256xf32, #tpu.memory_space<vmem>>, vector<1x256xf32>
      tpu.vector_store %arg9[%swap3A, %swap3A_88], %max3A {strides = array<i32>} : memref<64x256xf32, #tpu.memory_space<vmem>>, vector<1x256xf32>,
      %while3A_90 = arith.constant 0 : i32
      scf.yield %while3A_90 : i32
    }
    %while3A_69 = arith.constant 1 : i32
    %while3A_70 = scf.for %while3A_76 = %while3A_66 to %while3A_62 step %while3A_69 iter_args(%while3A_77 = %while3A_68) -> (i32)  : i32 {
      %eq3A_78 = vector.broadcast %while3A_76 : i32 to vector<1000x1xi32>
      %eq3A_79 = arith.cmpi eq, %get3A_50, %eq3A_78 : vector<1000x1xi32>
      %jit3A = arith.constant 0xFF800000 : f32
      %broadcast_in_dim3A = vector.shape_cast %eq3A_79 : vector<1000x1xi1> to vector<1000x1xi1>
      %broadcast_in_dim3A_80 = vector.broadcast %broadcast_in_dim3A : vector<1000x1xi1> to vector<1000x256xi1>
      %broadcast_in_dim3A_81 = vector.broadcast %jit3A : f32 to vector<1000x256xf32>
      %select_n3A_82 = arith.select %broadcast_in_dim3A_80, %select_n3A, %broadcast_in_dim3A_81 : vector<1000x256xi1>, vector<1000x256xf32>
      %get3A_83 = arith.index_cast %while3A_76 : i32 to index
      %get3A_84 = arith.constant 0 : index
      %get3A_85 = vector.load %arg9[%get3A_83, %get3A_84] : memref<64x256xf32, #tpu.memory_space<vmem>>, vector<1x256xf32>
      %reduce_max3A = arith.constant dense<0xFF800000> : vector<256xf32>
      %reduce_max3A_86 = vector.multi_reduction <maximumf>, %select_n3A_82, %reduce_max3A [0] : vector<1000x256xf32> to vector<256xf32>
      %broadcast_in_dim3A_87 = vector.shape_cast %reduce_max3A_86 : vector<256xf32> to vector<1x256xf32>
      %max3A = arith.maximumf %get3A_85, %broadcast_in_dim3A_87 : vector<1x256xf32>
      %swap3A = arith.index_cast %while3A_76 : i32 to index
      %swap3A_88 = arith.constant 0 : index
      %swap3A_89 = vector.load %arg9[%swap3A, %swap3A_88] : memref<64x256xf32, #tpu.memory_space<vmem>>, vector<1x256xf32>
      tpu.vector_store %arg9[%swap3A, %swap3A_88], %max3A {strides = array<i32>} : memref<64x256xf32, #tpu.memory_space<vmem>>, vector<1x256xf32>,
      %while3A_90 = arith.constant 0 : i32
      scf.yield %while3A_90 : i32
    }
    %eq3A_71 = arith.constant 9 : i32
    %eq3A_72 = arith.cmpi eq, %arg0, %eq3A_71 : i32
    %convert_element_type3A_73 = arith.extui %eq3A_72 : i1 to i32
    %cond3A_74 = arith.constant 0 : i32
    %cond3A_75 = arith.cmpi ne, %convert_element_type3A_73, %cond3A_74 : i32
    scf.if %cond3A_75 {
      %get3A_76 = arith.constant 0 : index
      %get3A_77 = arith.constant 0 : index
      %get3A_78 = vector.load %arg9[%get3A_76, %get3A_77] : memref<64x256xf32, #tpu.memory_space<vmem>>, vector<64x256xf32>
      %get3A_79 = arith.constant 0 : index
      %get3A_80 = arith.constant 0 : index
      %get3A_81 = vector.load %arg6[%get3A_79, %get3A_80] : memref<256x128xf32, #tpu.memory_space<vmem>>, vector<256x128xf32>
      %dot_general3A = arith.constant dense<0.000000e+00> : vector<64x128xf32>
      %dot_general3A_82 = tpu.matmul %get3A_78, %get3A_81, %dot_general3A {dimension_numbers = #tpu.dot_dimension_numbers<[1], [0], [0], [1], [0, 0, 1, 1], [], []>, precision = #tpu.contract_precision<fp32>, transpose_lhs_hint = false} : vector<64x256xf32>, vector<256x128xf32>, vector<64x128xf32> -> vector<64x128xf32>
      %get3A_83 = arith.constant 0 : index
      %get3A_84 = arith.constant 0 : index
      %get3A_85 = vector.load %arg7[%get3A_83, %get3A_84] : memref<1x128xf32, #tpu.memory_space<vmem>>, vector<1x128xf32>
      %add3A_86 = vector.broadcast %get3A_85 : vector<1x128xf32> to vector<64x128xf32>
      %add3A_87 = arith.addf %dot_general3A_82, %add3A_86 : vector<64x128xf32>
      %iota3A = tpu.iota {dimensions = array<i32: 1>} : vector<64x128xi32>
      %lt3A = arith.constant 10 : i32
      %lt3A_88 = vector.broadcast %lt3A : i32 to vector<64x128xi32>
      %lt3A_89 = arith.cmpi slt, %iota3A, %lt3A_88 : vector<64x128xi32>
      %jit3A = arith.constant 0xFF800000 : f32
      %broadcast_in_dim3A = vector.broadcast %jit3A : f32 to vector<64x128xf32>
      %select_n3A_90 = arith.select %lt3A_89, %add3A_87, %broadcast_in_dim3A : vector<64x128xi1>, vector<64x128xf32>
      %reduce_max3A = arith.constant dense<0xFF800000> : vector<64xf32>
      %reduce_max3A_91 = vector.multi_reduction <maximumf>, %select_n3A_90, %reduce_max3A [1] : vector<64x128xf32> to vector<64xf32>
      %broadcast_in_dim3A_92 = vector.shape_cast %reduce_max3A_91 : vector<64xf32> to vector<64x1xf32>
      %sub3A_93 = vector.broadcast %broadcast_in_dim3A_92 : vector<64x1xf32> to vector<64x128xf32>
      %sub3A_94 = arith.subf %select_n3A_90, %sub3A_93 : vector<64x128xf32>
      %exp3A_95 = math.exp %sub3A_94 : vector<64x128xf32>
      %jit3A_96 = arith.constant 0.000000e+00 : f32
      %broadcast_in_dim3A_97 = vector.broadcast %jit3A_96 : f32 to vector<64x128xf32>
      %select_n3A_98 = arith.select %lt3A_89, %exp3A_95, %broadcast_in_dim3A_97 : vector<64x128xi1>, vector<64x128xf32>
      %reduce_sum3A = arith.constant dense<0.000000e+00> : vector<64xf32>
      %reduce_sum3A_99 = vector.multi_reduction <add>, %select_n3A_98, %reduce_sum3A [1] : vector<64x128xf32> to vector<64xf32>
      %broadcast_in_dim3A_100 = vector.shape_cast %reduce_sum3A_99 : vector<64xf32> to vector<64x1xf32>
      %log3A = math.log %broadcast_in_dim3A_100 : vector<64x1xf32>
      %add3A_101 = arith.addf %log3A, %broadcast_in_dim3A_92 : vector<64x1xf32>
      %sub3A_102 = vector.broadcast %add3A_101 : vector<64x1xf32> to vector<64x128xf32>
      %sub3A_103 = arith.subf %select_n3A_90, %sub3A_102 : vector<64x128xf32>
      %swap3A = arith.constant 0 : index
      %swap3A_104 = arith.constant 0 : index
      %swap3A_105 = vector.load %arg8[%swap3A, %swap3A_104] : memref<64x128xf32, #tpu.memory_space<vmem>>, vector<64x128xf32>
      tpu.vector_store %arg8[%swap3A, %swap3A_104], %sub3A_103 {strides = array<i32>} : memref<64x128xf32, #tpu.memory_space<vmem>>, vector<64x128xf32>,
    } else {
    }
    return
  }
  func.func @transform_0(%arg0: i32) -> (i32, i32, i32) {
    %c0_i32 = arith.constant 0 : i32
    %c0_i32_0 = arith.constant 0 : i32
    %c0_i32_1 = arith.constant 0 : i32
    return %c0_i32, %arg0, %c0_i32_0 : i32, i32, i32
  }
  func.func @transform_1(%arg0: i32) -> (i32, i32, i32) {
    %c0_i32 = arith.constant 0 : i32
    %c0_i32_0 = arith.constant 0 : i32
    %c0_i32_1 = arith.constant 0 : i32
    return %c0_i32, %arg0, %c0_i32_0 : i32, i32, i32
  }
  func.func @transform_2(%arg0: i32) -> (i32, i32, i32) {
    %c0_i32 = arith.constant 0 : i32
    %c0_i32_0 = arith.constant 0 : i32
    %c0_i32_1 = arith.constant 0 : i32
    return %c0_i32, %arg0, %c0_i32_0 : i32, i32, i32
  }
  func.func @transform_3(%arg0: i32) -> (i32, i32) {
    %c0_i32 = arith.constant 0 : i32
    %c0_i32_0 = arith.constant 0 : i32
    %c0_i32_1 = arith.constant 0 : i32
    return %c0_i32, %c0_i32_0 : i32, i32
  }
  func.func @transform_4(%arg0: i32) -> (i32, i32) {
    %c0_i32 = arith.constant 0 : i32
    %c0_i32_0 = arith.constant 0 : i32
    return %arg0, %c0_i32 : i32, i32
  }
  func.func @transform_5(%arg0: i32) -> (i32, i32) {
    %c0_i32 = arith.constant 0 : i32
    %c0_i32_0 = arith.constant 0 : i32
    %c0_i32_1 = arith.constant 0 : i32
    return %c0_i32, %c0_i32_0 : i32, i32
  }
  func.func @transform_6(%arg0: i32) -> (i32, i32) {
    %c0_i32 = arith.constant 0 : i32
    %c0_i32_0 = arith.constant 0 : i32
    %c0_i32_1 = arith.constant 0 : i32
    return %c0_i32, %c0_i32_0 : i32, i32
  }
  func.func @transform_7(%arg0: i32) -> (i32, i32) {
    %c0_i32 = arith.constant 0 : i32
    %c0_i32_0 = arith.constant 0 : i32
    %c0_i32_1 = arith.constant 0 : i32
    return %c0_i32, %c0_i32_0 : i32, i32
  }
}

</mosaic_0001>

<sc_bundles>
// kernel: kernel.11.cloned.1.call-start
scs
__scs_entry_jumppad:
0x0: {  	(pc) =	sbr.rel $0x88, $3  }
0x1: {  	(tag) =	ssettag $0x0;
	lr =	simm.s32 $0x1  }
0x2: {  	[smem:$0x3F96] =	sst lr;
	_ =	strace $0xD0000000  }
0x3: {  	_ = 	snop  }
0x4: {  	_ = 	snop  }
0x5: {  	_ = 	snop  }
0x6: {  	_ = 	snop  }
0x7: {  	_ = 	snop  }
__scs_overlays_trampoline_lowered:
0x8: {  	[smem:$0x3FA5] =	sst s0  }
0x9: {  	[smem:$0x3FA6] =	sst s1  }
0xa: {  	[smem:$0x3FA7] =	sst s2  }
0xb: {  	[smem:$0x3FA8] =	sst s3  }
0xc: {  	[smem:$0x3FA9] =	sst s4  }
0xd: {  	[smem:$0x3FAA] =	sst s5  }
0xe: {  	[smem:$0x3FAB] =	sst s6  }
0xf: {  	[smem:$0x3FAC] =	sst s7  }
0x10: {  	[smem:$0x3FAD] =	sst s8  }
0x11: {  	[smem:$0x3FAE] =	sst s9;
	s0 =	simm.s32 @!p0 $0x0  }
0x12: {  	s1 =	sld [smem:$0x3F94];
	s0 =	simm.s32 @p0 $0x1  }
0x13: {  	[smem:$0x3FAF] =	sst s0;
	s0 =	simm.s32 @!p1 $0x0  }
0x14: {  	s2 =	sld [smem:$0x3F93];
	s0 =	simm.s32 @p1 $0x1  }
0x15: {  	[smem:$0x3FB0] =	sst s0;
	s0 =	simm.s32 @!p2 $0x0  }
0x16: {  	s3 =	sld [smem:$0x3FDB];
	s0 =	simm.s32 @p2 $0x1  }
0x17: {  	s4 =	simm.s32 $0x1BF5;
	[smem:$0x3FB2] =	sst s0  }
0x18: {  	s0 =	sld [smem:$0x3F95];
	_ =	swait.ge [sflag:s4], $0x0  }
0x19: {  	s7 =	sld [smem:$0x3F96]  }
0x1a: {  	s8 =	sadd.s32 $0xFFFFE003, lr  }
0x1b: {  	s9 =	sadd.s32 $0xFFFFFEF7, lr;
	s5 =	simm.s32 $0xFFFFFFFF;
	p2 =	slt.u32 s8, $0xFFFFF086  }
0x1c: {  	p1 =	slt.u32 s9, $0xF7A;
	s5 =	simm.s32 @!p2 $0x0  }
0x1d: {  	s5 =	simm.s32 @p1 $0x1;
	p0 =	seq.s32 s7, s2  }
0x1e: {  	s7 =	smul.u32 @!p0 $0xF7A, s2;
	p2 =	seq.s32 @!p0 s5, $0x0  }
0x1f: {  	s9 =	smul.u32 $0xF7A, s1;
	s8 =	simm.s32 @!p0 $0x1BF5;
	p2 =	por !p2, p0  }
0x20: {  	[sflag:s8] =	ssyncset.s32 @!p0 $0xFFFFF086;
	s6 =	sadd.s32 @!p0 s3, s7;
	s7 =	simm.s32 @!p0 $0x108  }
0x21: {  	s3 =	sadd.s32 s3, s9;
	s6 =	sadd.s32 @!p0 $0x88, s6;
	s7 =	simm.s32 @p2 $0x1082  }
0x22: {  	[simem:s7], [sflag:s8] =	dma.local @!p0 [hbm:s6], $0xF7A  }
0x23: {  	s9 =	sor.u32 $0xD0000000, s2;
	s6 =	simm.s32 $0x108;
	_ =	swait.ge @!p0 [sflag:s8], $0x0  }
0x24: {  	s3 =	sadd.s32 $0x88, s3;
	s6 =	simm.s32 @!p1 $0x1082;
	[sflag:s4] =	ssyncset.s32 $0xFFFFF086  }
0x25: {  	[simem:s6], [sflag:s4] =	dma.local [hbm:s3], $0xF7A  }
0x26: {  	[smem:$0x3F96] =	sst s1;
	(tag) =	ssettag s2;
	_ =	strace s9  }
0x27: {  	s1 =	sld [smem:$0x3FA6]  }
0x28: {  	s2 =	sld [smem:$0x3FA7]  }
0x29: {  	s4 =	sld [smem:$0x3FA9]  }
0x2a: {  	p0 =	seq.s32 s5, $0x0;
	s5 =	sld [smem:$0x3FAA]  }
0x2b: {  	s6 =	sld [smem:$0x3FAB]  }
0x2c: {  	s7 =	sld [smem:$0x3FAC]  }
0x2d: {  	s3 =	simm.s32 $0x108;
	s8 =	sld [smem:$0x3FAD]  }
0x2e: {  	s3 =	simm.s32 @!p0 $0x1082;
	s9 =	sld [smem:$0x3FAE]  }
0x2f: {  	lr =	sadd.s32 s0, s3;
	s0 =	sld [smem:$0x3FA5]  }
0x30: {  	s3 =	sld [smem:$0x3FA8]  }
0x31: {  	[smem:$0x3FB1] =	sst s10  }
0x32: {  	s10 =	sld [smem:$0x3FAF];
	_ =	sdelay $0x3  }
0x33: {  	p0 =	seq.s32 s10, $0x1;
	s10 =	sld [smem:$0x3FB1];
	_ =	sdelay $0x3  }
0x34: {  	[smem:$0x3FB1] =	sst s10  }
0x35: {  	s10 =	sld [smem:$0x3FB0];
	_ =	sdelay $0x3  }
0x36: {  	p1 =	seq.s32 s10, $0x1;
	s10 =	sld [smem:$0x3FB1];
	_ =	sdelay $0x3  }
0x37: {  	[smem:$0x3FB1] =	sst s10  }
0x38: {  	s10 =	sld [smem:$0x3FB2]  }
0x39: {  	_ = 	snop;
	(pc) =	sbr.ind lr, $3  }
0x3a: {  	_ = 	snop  }
0x3b: {  	_ = 	snop  }
0x3c: {  	p2 =	seq.s32 s10, $0x1;
	s10 =	sld [smem:$0x3FB1]  }
0x3d: {  	_ =	shalt  }
0x3e: {  	_ =	shalt  }
0x3f: {  	_ =	shalt  }
0x40: {  	_ =	shalt  }
0x41: {  	_ =	shalt  }
0x42: {  	_ =	shalt  }
0x43: {  	_ =	shalt  }
0x44: {  	_ =	shalt  }
0x45: {  	_ =	shalt  }
0x46: {  	_ =	shalt  }
0x47: {  	_ =	shalt  }
0x48: {  	_ =	shalt  }
0x49: {  	_ =	shalt  }
0x4a: {  	_ =	shalt  }
0x4b: {  	_ =	shalt  }
0x4c: {  	_ =	shalt  }
0x4d: {  	_ =	shalt  }
0x4e: {  	_ =	shalt  }
0x4f: {  	_ =	shalt  }
0x50: {  	_ =	shalt  }
0x51: {  	_ =	shalt  }
0x52: {  	_ =	shalt  }
0x53: {  	_ =	shalt  }
0x54: {  	_ =	shalt  }
0x55: {  	_ =	shalt  }
0x56: {  	_ =	shalt  }
0x57: {  	_ =	shalt  }
0x58: {  	_ =	shalt  }
0x59: {  	_ =	shalt  }
0x5a: {  	_ =	shalt  }
0x5b: {  	_ =	shalt  }
0x5c: {  	_ =	shalt  }
0x5d: {  	_ =	shalt  }
0x5e: {  	_ =	shalt  }
0x5f: {  	_ =	shalt  }
0x60: {  	_ =	shalt  }
0x61: {  	_ =	shalt  }
0x62: {  	_ =	shalt  }
0x63: {  	_ =	shalt  }
0x64: {  	_ =	shalt  }
0x65: {  	_ =	shalt  }
0x66: {  	_ =	shalt  }
0x67: {  	_ =	shalt  }
0x68: {  	_ =	shalt  }
0x69: {  	_ =	shalt  }
0x6a: {  	_ =	shalt  }
0x6b: {  	_ =	shalt  }
0x6c: {  	_ =	shalt  }
0x6d: {  	_ =	shalt  }
0x6e: {  	_ =	shalt  }
0x6f: {  	_ =	shalt  }
0x70: {  	_ =	shalt  }
0x71: {  	_ =	shalt  }
0x72: {  	_ =	shalt  }
0x73: {  	_ =	shalt  }
0x74: {  	_ =	shalt  }
0x75: {  	_ =	shalt  }
0x76: {  	_ =	shalt  }
0x77: {  	_ =	shalt  }
0x78: {  	_ =	shalt  }
0x79: {  	_ =	shalt  }
0x7a: {  	_ =	shalt  }
0x7b: {  	_ =	shalt  }
0x7c: {  	_ =	shalt  }
0x7d: {  	_ =	shalt  }
0x7e: {  	_ =	shalt  }
0x7f: {  	_ =	shalt  }
0x80: {  	_ =	shalt  }
0x81: {  	_ =	shalt  }
0x82: {  	_ =	shalt  }
0x83: {  	_ =	shalt  }
0x84: {  	_ =	shalt  }
0x85: {  	_ =	shalt  }
0x86: {  	_ =	shalt  }
0x87: {  	_ =	shalt  }
.Lfunc_end0:
.L_simem_size_0:
called_computation_lowered:
.L_overlay_start_0:
0x88: {  	s2 =	sld [smem:$0x3FD9]  }
0x89: {  	s3 =	sld [smem:$0x3FFE];
	_ =	sdelay $0x1  }
0x8a: {  	s1 =	srdreg.scid  }
0x8b: {  	s0 =	sand.u32 $0x1, s1  }
0x8c: {  	s16 =	sshll.u32 s0, $0xA;
	s2 =	sadd.s32 s3, s2  }
0x8d: {  	s2 =	sadd.s32 s2, s16  }
0x8e: {  	[smem:$0x3FBD] =	sst s2  }
0x8f: {  	_ = 	snop  }
0x90: {  	(tm) =	ssettm $0x1  }
0x91: {  	s17 =	sld [smem:$0x3FFB];
	_ =	sdelay $0x3  }
0x92: {  	_ =	strace s17  }
0x93: {  	s2 =	sld [smem:$0x3FFC];
	_ =	sdelay $0x3  }
0x94: {  	_ =	strace s2  }
0x95: {  	s2 =	sld [smem:$0x3FFD];
	_ =	sdelay $0x3  }
0x96: {  	_ =	strace s2  }
0x97: {  	_ =	strace $0x8FFFFFFF  }
0x98: {  	s18 =	sld [smem:$0x3FDB];
	_ =	sdelay $0x1  }
0x99: {  	s19 =	simm.s32 $_scs_section_size  }
0x9a: {  	s4 =	simm.s32 $_size__tile_overlayer_lowered;
	s5 =	simm.s32 $_tile_overlayer_lowered  }
0x9b: {  	s22 =	simm.s32 $0x1BFF;
	s21 =	sshll.u32 s5, $0x1;
	s2 =	sadd.s32 s19, s18  }
0x9c: {  	s6 =	simm.s32 $0x0;
	s20 =	sshll.u32 s4, $0x1;
	s4 =	sadd.s32 s21, s2  }
0x9d: {  	[timem:s6], [sflag:s22] =	dma.local [hbm:s4], s20  }
0x9e: {  	_ =	swait.ge [sflag:s22], s20  }
0x9f: {  	s3 =	ssub.s32 $0x0, s20;
	[sflag:s22] =	ssyncset.done $0x0  }
0xa0: {  	[sflag:s22] =	ssyncadd.s32 s3;
	_ =	sdelay $0x1  }
0xa1: {  	s23 =	simm.s32 $0x1B8B  }
0xa2: {  	_ =	swait.ge [sflag:s23], $0x1  }
0xa3: {  	[sflag:s23] =	ssyncset.done $0x0  }
0xa4: {  	s25 =	simm.s32 $0x1B8E;
	s24 =	sld [smem:$0x3FFE];
	[sflag:s23] =	ssyncadd.s32 $0xFFFFFFFF  }
0xa5: {  	s26 =	simm.s32 $execute0_lowered;
	[smem:$0x3FD2] =	sst s25  }
0xa6: {  	s4 =	sshll.u32 s26, $0x1;
	_ =	strace $0x80000046;
	[dreg:$0x1] =	wrdreg $0xFFFFFFFF  }
0xa7: {  	s28 =	simm.s32 $_size_execute0_lowered;
	s2 =	sadd.s32 s2, s4;
	[dreg:$0x0] =	wrdreg $0x0  }
0xa8: {  	s4 =	sshll.u32 s28, $0x1;
	[dreg:$0x2] =	wrdreg s2  }
0xa9: {  	[dreg:$0x3] =	wrdreg s4  }
0xaa: {  	[dreg:$0x4] =	wrdreg $0xC0  }
0xab: {  	_ =	task [dreg:s6], $0x5FFFF  }
0xac: {  	[dreg:$0x1] =	wrdreg $0xFFFFFFFF  }
0xad: {  	[dreg:$0x0] =	wrdreg $0x60  }
0xae: {  	[dreg:$0x2] =	wrdreg s24  }
0xaf: {  	[dreg:$0x3] =	wrdreg $0x34800  }
0xb0: {  	[dreg:$0x4] =	wrdreg $0x9  }
0xb1: {  	_ =	task.clear_ibuf [dreg:s6], $0x5FFFF;
	_ =	strace $0x90000046  }
0xb2: {  	s29 =	simm.s32 $0x9;
	_ =	strace $0x80000048  }
0xb3: {  	_ =	swait.ge [sflag:s29], $0x1  }
0xb4: {  	[sflag:s29] =	ssyncadd.s32 $0xFFFFFFFF  }
0xb5: {  	_ =	strace $0x90000048  }
0xb6: {  	_ =	sfence  }
0xb7: {  	s30 =	sld [smem:$0x0];
	_ =	sdelay $0x2  }
0xb8: {  	s31 =	sshll.u32 s1, $0xD;
	s1 =	sshrl.u32 s1, $0x2  }
0xb9: {  	s3 =	sand.u32 $0x4000, s31;
	s1 =	sadd.s32 s1, s30  }
0xba: {  	s0 =	sor.u32 s3, s0;
	s1 =	sshll.u32 s1, $0x11  }
0xbb: {  	s0 =	sor.u32 s1, s0  }
0xbc: {  	s0 =	sadd.s32 $0x8F2B, s0  }
0xbd: {  	[sflag:s0] =	ssyncadd.remote.s32 $0x1  }
0xbe: {  	_ =	sfence.sel $0xFFFF  }
0xbf: {  	[dreg:$0x0] =	wrdreg $0xFFFFFFFF;
	(pc) =	sbr.abs _section_cstart, $3  }
0xc0: {  	[dreg:$0x1] =	wrdreg $0xFFFFFFFF  }
0xc1: {  	_ =	task.clear_ibuf [dreg:s6], $0x2FFFF;
	_ =	strace $0x9FFFFFFF  }
0xc2: {  	(tm) =	ssettm $0x7FFFFFFF  }
0xc3: {  	_ =	shalt  }
tec
execute0_lowered:
.L_overlay_start_1:
0x0: {  	(tag) =	ssettag $0x1  }
0x1: {  	s6 =	rddreg [dreg:$0x0]  }
0x2: {  	s0 =	srdreg.scid;
	s2 =	rddreg [dreg:$0x1]  }
0x3: {  	s1 =	rddreg [dreg:$0x2];
	s5 =	sand.u32 $0x1, s0  }
0x4: {  	s0 =	stileid.u32;
	s4 =	smul.u32 $0x27100, s5  }
0x5: {  	s3 =	simm.s32 $0x0;
	s12 =	simm.s32 $0x1480;
	s7 =	smul.u32 $0x2710, s0  }
0x6: {  	s13 =	simm.s32 $0x28;
	s14 =	simm.s32 $0x80;
	s8 =	smul.u32 $0x140000, s5  }
0x7: {  	s15 =	simm.s32 $0x0;
	[smem:$0x7FF] =	sst s3;
	s9 =	smul.u32 $0x14000, s0  }
0x8: {  	_ =	strace $0x80000047;
	s30 =	smul.u32 $0x50000, s0;
	s5 =	ssub.s32 $0x2, s5  }
0x9: {  	s10 =	sshll.u32 s0, $0x6;
	s31 =	sshrl.u32 s5, $0x1;
	s4 =	sadd.s32 s7, s4  }
0xa: {  	s28 =	sadd.s32 s9, s8;
	s8 =	sshrl.u32 s30, $0x2;
	s11 =	ssub.s32 s5, s31  }
0xb: {  	s4 =	sshrl.u32 s4, $0x3;
	s7 =	sshrl.u32 s28, $0x3;
	s5 =	sadd.s32 s8, s2  }
0xc: {  	s8 =	smax.u32 s11, $0x1;
	s11 =	simm.s32 $0x1;
	s29 =	sadd.s32 s4, s6  }
0xd: {  	s4 =	sadd.s32 $0x16E00, s6;
	s7 =	sadd.s32 s7, s6;
	s6 =	sor.u32 $0x1C01, s10  }
0xe: {  	v0 =	vimm.f32 $1.000000000e+00;
	s10 =	sshrl.u32 s5, $0x3;
	s7 =	sadd.s32 $0x19600, s7;
	s9 =	sadd.s32 $0xD000, s29  }
.LBB2_1:
0xf: {  	[tilespmem:$0x80] =	vst v0  }
0x10: {  	[tilespmem:$0x100] =	vst v0  }
0x11: {  	[tilespmem:$0x180] =	vst v0  }
0x12: {  	[tilespmem:$0x200] =	vst v0  }
0x13: {  	[tilespmem:$0x280] =	vst v0  }
0x14: {  	[tilespmem:$0x300] =	vst v0  }
0x15: {  	[tilespmem:$0x380] =	vst v0  }
0x16: {  	[tilespmem:$0x400] =	vst v0  }
0x17: {  	[tilespmem:$0x480] =	vst v0  }
0x18: {  	[tilespmem:$0x500] =	vst v0  }
0x19: {  	[tilespmem:$0x580] =	vst v0  }
0x1a: {  	[tilespmem:$0x600] =	vst v0  }
0x1b: {  	[tilespmem:$0x680] =	vst v0  }
0x1c: {  	[tilespmem:$0x700] =	vst v0  }
0x1d: {  	[tilespmem:$0x780] =	vst v0  }
0x1e: {  	[tilespmem:$0x800] =	vst v0  }
0x1f: {  	[tilespmem:$0x880] =	vst v0  }
0x20: {  	[tilespmem:$0x900] =	vst v0  }
0x21: {  	[tilespmem:$0x980] =	vst v0  }
0x22: {  	[tilespmem:$0xA00] =	vst v0  }
0x23: {  	[tilespmem:$0xA80] =	vst v0  }
0x24: {  	[tilespmem:$0xB00] =	vst v0  }
0x25: {  	[tilespmem:$0xB80] =	vst v0  }
0x26: {  	[tilespmem:$0xC00] =	vst v0  }
0x27: {  	[tilespmem:$0xC80] =	vst v0  }
0x28: {  	[tilespmem:$0xD00] =	vst v0  }
0x29: {  	[tilespmem:$0xD80] =	vst v0  }
0x2a: {  	[tilespmem:$0xE00] =	vst v0  }
0x2b: {  	[tilespmem:$0xE80] =	vst v0  }
0x2c: {  	[tilespmem:$0xF00] =	vst v0  }
0x2d: {  	[tilespmem:$0xF80] =	vst v0  }
0x2e: {  	[tilespmem:$0x1000] =	vst v0  }
0x2f: {  	[tilespmem:$0x1080] =	vst v0  }
0x30: {  	[tilespmem:$0x1100] =	vst v0  }
0x31: {  	[tilespmem:$0x1180] =	vst v0  }
0x32: {  	[tilespmem:$0x1200] =	vst v0  }
0x33: {  	[tilespmem:$0x1280] =	vst v0  }
0x34: {  	[tilespmem:$0x1300] =	vst v0  }
0x35: {  	[tilespmem:$0x1380] =	vst v0  }
0x36: {  	[tilespmem:$0x1400] =	vst v0  }
0x37: {  	[spmem:s10], [sflag:s6] =	dma.local [hbm:s4], $0x2800  }
0x38: {  	_ =	swait.ge [sflag:s11], $0x2800  }
0x39: {  	[sflag:s11] =	ssyncset.done $0x0  }
0x3a: {  	[sflag:s11] =	ssyncadd.s32 $0xFFFFD800  }
0x3b: {  	[tilespmem:s12], [sflag:$0x1] =	stream.linear.gather [spmem:s5], $0x400, $0x38;
	[tilespmem:$0x5C80] =	vst v63  }
0x3c: {  	_ =	swait.ge [sflag:s11], $0x400  }
0x3d: {  	[sflag:s11] =	ssyncset.done $0x0  }
0x3e: {  	[sflag:s11] =	ssyncadd.s32 $0xFFFFFC00  }
0x3f: {  	s16 =	sadd.s32 $0x0, s9;
	[bflag:$0x0] =	sbarrier.arrive $0xFFFF  }
0x40: {  	[tilespmem:s3], [sflag:$0x1] =	stream.linear.gather [hbm4b:s16+s3], $0x28, $0x38;
	[tilespmem:$0x5C80] =	vst v63  }
0x41: {  	_ =	swait.ge [sflag:s11], $0x28  }
0x42: {  	[sflag:s11] =	ssyncset.done $0x0  }
0x43: {  	[sflag:s11] =	ssyncadd.s32 $0xFFFFFFD8  }
0x44: {  	[spmem:s2] =	stream.indirect.scatter.add.f32 [tilespmem:s14], [sflag:$0x1], $0x10, s3, s13, $0xb8;
	[tilespmem:$0x5C80] =	vst v63  }
0x45: {  	_ =	swait.ge [sflag:s11], $0x280  }
0x46: {  	s17 =	simm.s32 $0xA;
	s16 =	simm.s32 $0x5;
	[sflag:s11] =	ssyncset.done $0x0  }
.LBB2_2:
0x47: {  	s18 =	sadd.s32 s16, s9  }
0x48: {  	[sflag:s11] =	ssyncadd.s32 $0xFFFFFD80;
	s16 =	smov.u32 s17;
	s19 =	sadd.s32 $0x5, s17  }
0x49: {  	[tilespmem:s3], [sflag:$0x1] =	stream.linear.gather [hbm4b:s18+s3], $0x28, $0x38;
	[tilespmem:$0x5C80] =	vst v63  }
0x4a: {  	p0 =	sne.s32 s17, $0x4DD;
	_ =	swait.ge [sflag:s11], $0x28  }
.Ltmp0:
0x4b: {  	[sflag:s11] =	ssyncset.done $0x0;
	(pc) =	sbr.rel @p0 .LBB2_2-.Ltmp0, $4  }
0x4c: {  	[sflag:s11] =	ssyncadd.s32 $0xFFFFFFD8  }
0x4d: {  	[spmem:s2] =	stream.indirect.scatter.add.f32 [tilespmem:s14], [sflag:$0x1], $0x10, s3, s13, $0xb8;
	[tilespmem:$0x5C80] =	vst v63  }
0x4e: {  	_ =	swait.ge [sflag:s11], $0x280  }
0x4f: {  	s17 =	smov.u32 s19;
	[sflag:s11] =	ssyncset.done $0x0  }
0x50: {  	s16 =	sadd.s32 s16, s9;
	[sflag:s11] =	ssyncadd.s32 $0xFFFFFD80  }
0x51: {  	[tilespmem:s3], [sflag:$0x1] =	stream.linear.gather [hbm4b:s16+s3], $0x28, $0x38;
	[tilespmem:$0x5C80] =	vst v63  }
0x52: {  	_ =	swait.ge [sflag:s11], $0x28  }
0x53: {  	[sflag:s11] =	ssyncset.done $0x0  }
0x54: {  	[sflag:s11] =	ssyncadd.s32 $0xFFFFFFD8  }
0x55: {  	[spmem:s2] =	stream.indirect.scatter.add.f32 [tilespmem:s14], [sflag:$0x1], $0x10, s3, s13, $0xb8;
	[tilespmem:$0x5C80] =	vst v63  }
0x56: {  	_ =	swait.ge [sflag:s11], $0x280  }
0x57: {  	[sflag:s11] =	ssyncset.done $0x0  }
0x58: {  	[sflag:s11] =	ssyncadd.s32 $0xFFFFFD80  }
0x59: {  	[tilespmem:s12], [sflag:$0x1] =	stream.linear.gather [spmem:s5], $0x400, $0x38;
	[tilespmem:$0x5C80] =	vst v63  }
0x5a: {  	_ =	swait.ge [sflag:s11], $0x400  }
0x5b: {  	[sflag:s11] =	ssyncset.done $0x0  }
0x5c: {  	s15 =	sadd.s32 $0x1, s15;
	[sflag:s11] =	ssyncadd.s32 $0xFFFFFC00  }
0x5d: {  	p0 =	sne.s32 s15, s8;
	[bflag:$0x0] =	sbarrier.arrive $0xFFFF  }
.Ltmp1:
0x5e: {  	[bflag:$0x0] =	sbarrier.arrive $0xFFFF;
	(pc) =	sbr.rel @p0 .LBB2_1-.Ltmp1, $4  }
0x5f: {  	[hbm:s7], [sflag:s6] =	dma.local [spmem:s10], $0x2800  }
0x60: {  	_ =	swait.ge [sflag:s11], $0x2800  }
0x61: {  	[sflag:s11] =	ssyncset.done $0x0  }
0x62: {  	[sflag:s11] =	ssyncadd.s32 $0xFFFFD800  }
0x63: {  	_ =	sfence.sel $0x180000  }
0x64: {  	[bflag:$0x0] =	sbarrier.arrive $0xFFFF  }
0x65: {  	p0 =	sne.s32 s0, $0x0;
	_ =	strace $0x90000047  }
0x66: {  	s0 =	sadd.s32 @!p0 $0x100000, s1;
	[bflag:$0x2] =	sbarrier.arrive $0xFFFF  }
0x67: {  	[sflag:s0] =	ssyncadd.tile.s32 @!p0 $0x1;
	_ =	shalt  }
.Lfunc_end2:
_tile_overlayer_lowered:
.L_overlay_start_2:
0x68: {  	(tag) =	ssettag $0x2  }
0x69: {  	s0 =	rddreg [dreg:$0x0];
	s2 =	stileid.u32  }
0x6a: {  	s1 =	rddreg [dreg:$0x1];
	p0 =	sne.s32 s2, $0x0  }
0x6b: {  	s3 =	rddreg [dreg:$0x2];
	[bflag:$0x3] =	sbarrier.arrive $0xFFFF;
	s2 =	simm.s32 @!p0 $0x1C01  }
0x6c: {  	[timem:s3], [sflag:s2] =	dma.local @!p0 [hbm:s0], s1  }
0x6d: {  	s0 =	simm.s32 @!p0 $0x1  }
0x6e: {  	_ =	swait.ge @!p0 [sflag:s0], s1  }
0x6f: {  	s1 =	ssub.s32 @!p0 $0x0, s1;
	[sflag:s0] =	ssyncset.done @!p0 $0x0  }
0x70: {  	[sflag:s0] =	ssyncadd.s32 @!p0 s1  }
0x71: {  	[bflag:$0x3] =	sbarrier.arrive $0xFFFF  }
0x72: {  	_ =	shalt  }

// kernel: kernel.14.cloned.1.call-start
scs
__scs_entry_jumppad:
0x0: {  	(pc) =	sbr.rel $0x88, $3  }
0x1: {  	(tag) =	ssettag $0x0;
	lr =	simm.s32 $0x1  }
0x2: {  	[smem:$0x3F96] =	sst lr;
	_ =	strace $0xD0000000  }
0x3: {  	_ = 	snop  }
0x4: {  	_ = 	snop  }
0x5: {  	_ = 	snop  }
0x6: {  	_ = 	snop  }
0x7: {  	_ = 	snop  }
__scs_overlays_trampoline_lowered:
0x8: {  	[smem:$0x3FA5] =	sst s0  }
0x9: {  	[smem:$0x3FA6] =	sst s1  }
0xa: {  	[smem:$0x3FA7] =	sst s2  }
0xb: {  	[smem:$0x3FA8] =	sst s3  }
0xc: {  	[smem:$0x3FA9] =	sst s4  }
0xd: {  	[smem:$0x3FAA] =	sst s5  }
0xe: {  	[smem:$0x3FAB] =	sst s6  }
0xf: {  	[smem:$0x3FAC] =	sst s7  }
0x10: {  	[smem:$0x3FAD] =	sst s8  }
0x11: {  	[smem:$0x3FAE] =	sst s9;
	s0 =	simm.s32 @!p0 $0x0  }
0x12: {  	s1 =	sld [smem:$0x3F94];
	s0 =	simm.s32 @p0 $0x1  }
0x13: {  	[smem:$0x3FAF] =	sst s0;
	s0 =	simm.s32 @!p1 $0x0  }
0x14: {  	s2 =	sld [smem:$0x3F93];
	s0 =	simm.s32 @p1 $0x1  }
0x15: {  	[smem:$0x3FB0] =	sst s0;
	s0 =	simm.s32 @!p2 $0x0  }
0x16: {  	s3 =	sld [smem:$0x3FDB];
	s0 =	simm.s32 @p2 $0x1  }
0x17: {  	s4 =	simm.s32 $0x1BF5;
	[smem:$0x3FB2] =	sst s0  }
0x18: {  	s0 =	sld [smem:$0x3F95];
	_ =	swait.ge [sflag:s4], $0x0  }
0x19: {  	s7 =	sld [smem:$0x3F96]  }
0x1a: {  	s8 =	sadd.s32 $0xFFFFE003, lr  }
0x1b: {  	s9 =	sadd.s32 $0xFFFFFEF7, lr;
	s5 =	simm.s32 $0xFFFFFFFF;
	p2 =	slt.u32 s8, $0xFFFFF086  }
0x1c: {  	p1 =	slt.u32 s9, $0xF7A;
	s5 =	simm.s32 @!p2 $0x0  }
0x1d: {  	s5 =	simm.s32 @p1 $0x1;
	p0 =	seq.s32 s7, s2  }
0x1e: {  	s7 =	smul.u32 @!p0 $0xF7A, s2;
	p2 =	seq.s32 @!p0 s5, $0x0  }
0x1f: {  	s9 =	smul.u32 $0xF7A, s1;
	s8 =	simm.s32 @!p0 $0x1BF5;
	p2 =	por !p2, p0  }
0x20: {  	[sflag:s8] =	ssyncset.s32 @!p0 $0xFFFFF086;
	s6 =	sadd.s32 @!p0 s3, s7;
	s7 =	simm.s32 @!p0 $0x108  }
0x21: {  	s3 =	sadd.s32 s3, s9;
	s6 =	sadd.s32 @!p0 $0x88, s6;
	s7 =	simm.s32 @p2 $0x1082  }
0x22: {  	[simem:s7], [sflag:s8] =	dma.local @!p0 [hbm:s6], $0xF7A  }
0x23: {  	s9 =	sor.u32 $0xD0000000, s2;
	s6 =	simm.s32 $0x108;
	_ =	swait.ge @!p0 [sflag:s8], $0x0  }
0x24: {  	s3 =	sadd.s32 $0x88, s3;
	s6 =	simm.s32 @!p1 $0x1082;
	[sflag:s4] =	ssyncset.s32 $0xFFFFF086  }
0x25: {  	[simem:s6], [sflag:s4] =	dma.local [hbm:s3], $0xF7A  }
0x26: {  	[smem:$0x3F96] =	sst s1;
	(tag) =	ssettag s2;
	_ =	strace s9  }
0x27: {  	s1 =	sld [smem:$0x3FA6]  }
0x28: {  	s2 =	sld [smem:$0x3FA7]  }
0x29: {  	s4 =	sld [smem:$0x3FA9]  }
0x2a: {  	p0 =	seq.s32 s5, $0x0;
	s5 =	sld [smem:$0x3FAA]  }
0x2b: {  	s6 =	sld [smem:$0x3FAB]  }
0x2c: {  	s7 =	sld [smem:$0x3FAC]  }
0x2d: {  	s3 =	simm.s32 $0x108;
	s8 =	sld [smem:$0x3FAD]  }
0x2e: {  	s3 =	simm.s32 @!p0 $0x1082;
	s9 =	sld [smem:$0x3FAE]  }
0x2f: {  	lr =	sadd.s32 s0, s3;
	s0 =	sld [smem:$0x3FA5]  }
0x30: {  	s3 =	sld [smem:$0x3FA8]  }
0x31: {  	[smem:$0x3FB1] =	sst s10  }
0x32: {  	s10 =	sld [smem:$0x3FAF];
	_ =	sdelay $0x3  }
0x33: {  	p0 =	seq.s32 s10, $0x1;
	s10 =	sld [smem:$0x3FB1];
	_ =	sdelay $0x3  }
0x34: {  	[smem:$0x3FB1] =	sst s10  }
0x35: {  	s10 =	sld [smem:$0x3FB0];
	_ =	sdelay $0x3  }
0x36: {  	p1 =	seq.s32 s10, $0x1;
	s10 =	sld [smem:$0x3FB1];
	_ =	sdelay $0x3  }
0x37: {  	[smem:$0x3FB1] =	sst s10  }
0x38: {  	s10 =	sld [smem:$0x3FB2]  }
0x39: {  	_ = 	snop;
	(pc) =	sbr.ind lr, $3  }
0x3a: {  	_ = 	snop  }
0x3b: {  	_ = 	snop  }
0x3c: {  	p2 =	seq.s32 s10, $0x1;
	s10 =	sld [smem:$0x3FB1]  }
0x3d: {  	_ =	shalt  }
0x3e: {  	_ =	shalt  }
0x3f: {  	_ =	shalt  }
0x40: {  	_ =	shalt  }
0x41: {  	_ =	shalt  }
0x42: {  	_ =	shalt  }
0x43: {  	_ =	shalt  }
0x44: {  	_ =	shalt  }
0x45: {  	_ =	shalt  }
0x46: {  	_ =	shalt  }
0x47: {  	_ =	shalt  }
0x48: {  	_ =	shalt  }
0x49: {  	_ =	shalt  }
0x4a: {  	_ =	shalt  }
0x4b: {  	_ =	shalt  }
0x4c: {  	_ =	shalt  }
0x4d: {  	_ =	shalt  }
0x4e: {  	_ =	shalt  }
0x4f: {  	_ =	shalt  }
0x50: {  	_ =	shalt  }
0x51: {  	_ =	shalt  }
0x52: {  	_ =	shalt  }
0x53: {  	_ =	shalt  }
0x54: {  	_ =	shalt  }
0x55: {  	_ =	shalt  }
0x56: {  	_ =	shalt  }
0x57: {  	_ =	shalt  }
0x58: {  	_ =	shalt  }
0x59: {  	_ =	shalt  }
0x5a: {  	_ =	shalt  }
0x5b: {  	_ =	shalt  }
0x5c: {  	_ =	shalt  }
0x5d: {  	_ =	shalt  }
0x5e: {  	_ =	shalt  }
0x5f: {  	_ =	shalt  }
0x60: {  	_ =	shalt  }
0x61: {  	_ =	shalt  }
0x62: {  	_ =	shalt  }
0x63: {  	_ =	shalt  }
0x64: {  	_ =	shalt  }
0x65: {  	_ =	shalt  }
0x66: {  	_ =	shalt  }
0x67: {  	_ =	shalt  }
0x68: {  	_ =	shalt  }
0x69: {  	_ =	shalt  }
0x6a: {  	_ =	shalt  }
0x6b: {  	_ =	shalt  }
0x6c: {  	_ =	shalt  }
0x6d: {  	_ =	shalt  }
0x6e: {  	_ =	shalt  }
0x6f: {  	_ =	shalt  }
0x70: {  	_ =	shalt  }
0x71: {  	_ =	shalt  }
0x72: {  	_ =	shalt  }
0x73: {  	_ =	shalt  }
0x74: {  	_ =	shalt  }
0x75: {  	_ =	shalt  }
0x76: {  	_ =	shalt  }
0x77: {  	_ =	shalt  }
0x78: {  	_ =	shalt  }
0x79: {  	_ =	shalt  }
0x7a: {  	_ =	shalt  }
0x7b: {  	_ =	shalt  }
0x7c: {  	_ =	shalt  }
0x7d: {  	_ =	shalt  }
0x7e: {  	_ =	shalt  }
0x7f: {  	_ =	shalt  }
0x80: {  	_ =	shalt  }
0x81: {  	_ =	shalt  }
0x82: {  	_ =	shalt  }
0x83: {  	_ =	shalt  }
0x84: {  	_ =	shalt  }
0x85: {  	_ =	shalt  }
0x86: {  	_ =	shalt  }
0x87: {  	_ =	shalt  }
.Lfunc_end0:
.L_simem_size_0:
called_computation.1_lowered:
.L_overlay_start_0:
0x88: {  	s2 =	sld [smem:$0x3FD9]  }
0x89: {  	s3 =	sld [smem:$0x3FFE];
	_ =	sdelay $0x1  }
0x8a: {  	s1 =	srdreg.scid  }
0x8b: {  	s0 =	sand.u32 $0x1, s1  }
0x8c: {  	s16 =	sshll.u32 s0, $0xA;
	s2 =	sadd.s32 s3, s2  }
0x8d: {  	s2 =	sadd.s32 s2, s16  }
0x8e: {  	[smem:$0x3FBD] =	sst s2  }
0x8f: {  	_ = 	snop  }
0x90: {  	(tm) =	ssettm $0x1  }
0x91: {  	s17 =	sld [smem:$0x3FFB];
	_ =	sdelay $0x3  }
0x92: {  	_ =	strace s17  }
0x93: {  	s2 =	sld [smem:$0x3FFC];
	_ =	sdelay $0x3  }
0x94: {  	_ =	strace s2  }
0x95: {  	s2 =	sld [smem:$0x3FFD];
	_ =	sdelay $0x3  }
0x96: {  	_ =	strace s2  }
0x97: {  	_ =	strace $0x8FFFFFFF  }
0x98: {  	s18 =	sld [smem:$0x3FDB];
	_ =	sdelay $0x1  }
0x99: {  	s19 =	simm.s32 $_scs_section_size  }
0x9a: {  	s4 =	simm.s32 $_size__tile_overlayer_lowered;
	s5 =	simm.s32 $_tile_overlayer_lowered  }
0x9b: {  	s22 =	simm.s32 $0x1BFF;
	s21 =	sshll.u32 s5, $0x1;
	s2 =	sadd.s32 s19, s18  }
0x9c: {  	s6 =	simm.s32 $0x0;
	s20 =	sshll.u32 s4, $0x1;
	s4 =	sadd.s32 s21, s2  }
0x9d: {  	[timem:s6], [sflag:s22] =	dma.local [hbm:s4], s20  }
0x9e: {  	_ =	swait.ge [sflag:s22], s20  }
0x9f: {  	s3 =	ssub.s32 $0x0, s20;
	[sflag:s22] =	ssyncset.done $0x0  }
0xa0: {  	[sflag:s22] =	ssyncadd.s32 s3;
	_ =	sdelay $0x1  }
0xa1: {  	s23 =	simm.s32 $0x1B8B  }
0xa2: {  	_ =	swait.ge [sflag:s23], $0x1  }
0xa3: {  	[sflag:s23] =	ssyncset.done $0x0  }
0xa4: {  	s25 =	simm.s32 $0x1B8E;
	s24 =	sld [smem:$0x3FFE];
	[sflag:s23] =	ssyncadd.s32 $0xFFFFFFFF  }
0xa5: {  	s26 =	simm.s32 $execute0_lowered;
	[smem:$0x3FD2] =	sst s25  }
0xa6: {  	s4 =	sshll.u32 s26, $0x1;
	_ =	strace $0x80000049;
	[dreg:$0x1] =	wrdreg $0xFFFFFFFF  }
0xa7: {  	s28 =	simm.s32 $_size_execute0_lowered;
	s2 =	sadd.s32 s2, s4;
	[dreg:$0x0] =	wrdreg $0x0  }
0xa8: {  	s4 =	sshll.u32 s28, $0x1;
	[dreg:$0x2] =	wrdreg s2  }
0xa9: {  	[dreg:$0x3] =	wrdreg s4  }
0xaa: {  	[dreg:$0x4] =	wrdreg $0xC0  }
0xab: {  	_ =	task [dreg:s6], $0x5FFFF  }
0xac: {  	[dreg:$0x1] =	wrdreg $0xFFFFFFFF  }
0xad: {  	[dreg:$0x0] =	wrdreg $0x60  }
0xae: {  	[dreg:$0x2] =	wrdreg s24  }
0xaf: {  	[dreg:$0x3] =	wrdreg $0x69000  }
0xb0: {  	[dreg:$0x4] =	wrdreg $0x9  }
0xb1: {  	_ =	task.clear_ibuf [dreg:s6], $0x5FFFF;
	_ =	strace $0x90000049  }
0xb2: {  	s29 =	simm.s32 $0x9;
	_ =	strace $0x8000004B  }
0xb3: {  	_ =	swait.ge [sflag:s29], $0x1  }
0xb4: {  	[sflag:s29] =	ssyncadd.s32 $0xFFFFFFFF  }
0xb5: {  	_ =	strace $0x9000004B  }
0xb6: {  	_ =	sfence  }
0xb7: {  	s30 =	sld [smem:$0x0];
	_ =	sdelay $0x2  }
0xb8: {  	s31 =	sshll.u32 s1, $0xD;
	s1 =	sshrl.u32 s1, $0x2  }
0xb9: {  	s3 =	sand.u32 $0x4000, s31;
	s1 =	sadd.s32 s1, s30  }
0xba: {  	s0 =	sor.u32 s3, s0;
	s1 =	sshll.u32 s1, $0x11  }
0xbb: {  	s0 =	sor.u32 s1, s0  }
0xbc: {  	s0 =	sadd.s32 $0x8F2B, s0  }
0xbd: {  	[sflag:s0] =	ssyncadd.remote.s32 $0x1  }
0xbe: {  	_ =	sfence.sel $0xFFFF  }
0xbf: {  	[dreg:$0x0] =	wrdreg $0xFFFFFFFF;
	(pc) =	sbr.abs _section_cstart, $3  }
0xc0: {  	[dreg:$0x1] =	wrdreg $0xFFFFFFFF  }
0xc1: {  	_ =	task.clear_ibuf [dreg:s6], $0x2FFFF;
	_ =	strace $0x9FFFFFFF  }
0xc2: {  	(tm) =	ssettm $0x7FFFFFFF  }
0xc3: {  	_ =	shalt  }
tec
execute0_lowered:
.L_overlay_start_1:
0x0: {  	(tag) =	ssettag $0x1  }
0x1: {  	s0 =	srdreg.scid;
	s1 =	rddreg [dreg:$0x0]  }
0x2: {  	s2 =	rddreg [dreg:$0x1];
	s9 =	stileid.u32  }
0x3: {  	s3 =	simm.s32 $0x0;
	s11 =	simm.s32 $0x3;
	s12 =	simm.s32 $0x500  }
0x4: {  	s13 =	simm.s32 $0x280;
	s14 =	simm.s32 $0x80;
	s15 =	simm.s32 $0x300  }
0x5: {  	s16 =	simm.s32 $0x100;
	s17 =	simm.s32 $0x380;
	s18 =	simm.s32 $0x180  }
0x6: {  	s19 =	simm.s32 $0x400;
	s20 =	simm.s32 $0x200;
	s6 =	smul.u32 $0x14000, s9  }
0x7: {  	s28 =	simm.s32 $0x5500;
	s29 =	simm.s32 $0x2;
	s7 =	smul.u32 $0x9C4, s9  }
0x8: {  	s30 =	simm.s32 $0x0;
	s0 =	sand.u32 $0x1, s0;
	s22 =	smul.u32 $0x50000, s9  }
0x9: {  	[smem:$0x7FF] =	sst s3;
	s23 =	sadd.s32 $0x16E00, s1;
	s4 =	smul.u32 $0x27100, s0  }
0xa: {  	s25 =	sshll.u32 s9, $0x6;
	s5 =	smul.u32 $0x140000, s0;
	_ =	strace $0x8000004A  }
0xb: {  	[dreg:$0x5] =	wrdreg s23;
	s0 =	ssub.s32 $0x2, s0;
	s23 =	simm.s32 $0x28  }
0xc: {  	s10 =	sadd.s32 s7, s1;
	s24 =	sshrl.u32 s0, $0x1;
	s8 =	sadd.s32 s4, s1  }
0xd: {  	s21 =	sadd.s32 s6, s5;
	s6 =	sshrl.u32 s22, $0x2;
	s0 =	ssub.s32 s0, s24  }
0xe: {  	s26 =	sadd.s32 $0xD000, s10;
	s31 =	sadd.s32 $0x3200, s10;
	s22 =	simm.s32 $0x1  }
0xf: {  	s24 =	simm.s32 $0x1900;
	s5 =	sshrl.u32 s21, $0x3;
	[dreg:$0x3] =	wrdreg s26  }
0x10: {  	s7 =	sadd.s32 $0x69600, s8;
	s9 =	smax.u32 s0, $0x1;
	[dreg:$0x4] =	wrdreg s31  }
0x11: {  	s21 =	simm.s32 $0x480;
	s26 =	simm.s32 $0x4100;
	s1 =	sadd.s32 s5, s1  }
0x12: {  	s5 =	sadd.s32 s6, s2;
	s6 =	sor.u32 $0x1C03, s25;
	s1 =	sadd.s32 $0xB7800, s1  }
0x13: {  	s25 =	simm.s32 $0x2D00;
	s10 =	sshrl.u32 s5, $0x3;
	[dreg:$0x6] =	wrdreg s1  }
.LBB2_1:
0x14: {  	s0 =	rddreg [dreg:$0x5]  }
0x15: {  	[spmem:s10], [sflag:s6] =	dma.local [hbm:s0], $0x2800  }
0x16: {  	_ =	swait.ge [sflag:s11], $0x2800  }
0x17: {  	[sflag:s11] =	ssyncset.done $0x0  }
0x18: {  	[sflag:s11] =	ssyncadd.s32 $0xFFFFD800  }
0x19: {  	[tilespmem:s12], [sflag:$0x3] =	stream.linear.gather [spmem:s5], $0x400, $0x38;
	[tilespmem:$0x1A900] =	vst v63  }
0x1a: {  	_ =	swait.ge [sflag:s11], $0x400  }
0x1b: {  	[sflag:s11] =	ssyncset.done $0x0  }
0x1c: {  	[sflag:s11] =	ssyncadd.s32 $0xFFFFFC00  }
0x1d: {  	[bflag:$0x0] =	sbarrier.arrive $0xFFFF  }
0x1e: {  	s4 =	rddreg [dreg:$0x4]  }
0x1f: {  	s1 =	rddreg [dreg:$0x3];
	s0 =	sadd.s32 $0x0, s4  }
0x20: {  	[tilespmem:s3], [sflag:$0x1] =	stream.linear.gather [hbm4b:s0+s3], $0x28, $0x38;
	[tilespmem:$0x1A900] =	vst v63  }
0x21: {  	s1 =	sadd.s32 $0x0, s1  }
0x22: {  	[tilespmem:s13], [sflag:$0x1] =	stream.linear.gather [hbm4b:s1+s3], $0x28, $0x38;
	[tilespmem:$0x1A900] =	vst v63  }
0x23: {  	s31 =	sadd.s32 $0x5, s0  }
0x24: {  	[tilespmem:s14], [sflag:$0x1] =	stream.linear.gather [hbm4b:s31+s3], $0x28, $0x38;
	[tilespmem:$0x1A900] =	vst v63  }
0x25: {  	s31 =	sadd.s32 $0x5, s1  }
0x26: {  	[tilespmem:s15], [sflag:$0x1] =	stream.linear.gather [hbm4b:s31+s3], $0x28, $0x38;
	[tilespmem:$0x1A900] =	vst v63  }
0x27: {  	s31 =	sadd.s32 $0xA, s0  }
0x28: {  	[tilespmem:s16], [sflag:$0x1] =	stream.linear.gather [hbm4b:s31+s3], $0x28, $0x38;
	[tilespmem:$0x1A900] =	vst v63  }
0x29: {  	s31 =	sadd.s32 $0xA, s1  }
0x2a: {  	[tilespmem:s17], [sflag:$0x1] =	stream.linear.gather [hbm4b:s31+s3], $0x28, $0x38;
	[tilespmem:$0x1A900] =	vst v63  }
0x2b: {  	s31 =	sadd.s32 $0xF, s0  }
0x2c: {  	[tilespmem:s18], [sflag:$0x1] =	stream.linear.gather [hbm4b:s31+s3], $0x28, $0x38;
	[tilespmem:$0x1A900] =	vst v63  }
0x2d: {  	s31 =	sadd.s32 $0xF, s1  }
0x2e: {  	[tilespmem:s19], [sflag:$0x1] =	stream.linear.gather [hbm4b:s31+s3], $0x28, $0x38;
	[tilespmem:$0x1A900] =	vst v63  }
0x2f: {  	s0 =	sadd.s32 $0x14, s0  }
0x30: {  	[tilespmem:s20], [sflag:$0x1] =	stream.linear.gather [hbm4b:s0+s3], $0x28, $0x38;
	[tilespmem:$0x1A900] =	vst v63  }
0x31: {  	s8 =	sadd.s32 $0x14, s1  }
0x32: {  	[tilespmem:s21], [sflag:$0x1] =	stream.linear.gather [hbm4b:s8+s3], $0x28, $0x38;
	[tilespmem:$0x1A900] =	vst v63  }
0x33: {  	_ =	swait.ge [sflag:s22], $0x28  }
0x34: {  	[sflag:s22] =	ssyncset.done $0x0  }
0x35: {  	[sflag:s22] =	ssyncadd.s32 $0xFFFFFFD8  }
0x36: {  	_ =	swait.ge [sflag:s22], $0x28  }
0x37: {  	[sflag:s22] =	ssyncset.done $0x0  }
0x38: {  	[sflag:s22] =	ssyncadd.s32 $0xFFFFFFD8  }
0x39: {  	_ =	swait.ge [sflag:s22], $0x28  }
0x3a: {  	[sflag:s22] =	ssyncset.done $0x0  }
0x3b: {  	[sflag:s22] =	ssyncadd.s32 $0xFFFFFFD8  }
0x3c: {  	_ =	swait.ge [sflag:s22], $0x28  }
0x3d: {  	[sflag:s22] =	ssyncset.done $0x0  }
0x3e: {  	[sflag:s22] =	ssyncadd.s32 $0xFFFFFFD8  }
0x3f: {  	_ =	swait.ge [sflag:s22], $0x28  }
0x40: {  	[sflag:s22] =	ssyncset.done $0x0  }
0x41: {  	[sflag:s22] =	ssyncadd.s32 $0xFFFFFFD8  }
0x42: {  	_ =	swait.ge [sflag:s22], $0x28  }
0x43: {  	[sflag:s22] =	ssyncset.done $0x0  }
0x44: {  	[sflag:s22] =	ssyncadd.s32 $0xFFFFFFD8  }
0x45: {  	_ =	swait.ge [sflag:s22], $0x28  }
0x46: {  	[sflag:s22] =	ssyncset.done $0x0  }
0x47: {  	[sflag:s22] =	ssyncadd.s32 $0xFFFFFFD8  }
0x48: {  	_ =	swait.ge [sflag:s22], $0x28  }
0x49: {  	[sflag:s22] =	ssyncset.done $0x0  }
0x4a: {  	[sflag:s22] =	ssyncadd.s32 $0xFFFFFFD8  }
0x4b: {  	_ =	swait.ge [sflag:s22], $0x28  }
0x4c: {  	[sflag:s22] =	ssyncset.done $0x0  }
0x4d: {  	[sflag:s22] =	ssyncadd.s32 $0xFFFFFFD8  }
0x4e: {  	_ =	swait.ge [sflag:s22], $0x28  }
0x4f: {  	[sflag:s22] =	ssyncset.done $0x0  }
0x50: {  	[sflag:s22] =	ssyncadd.s32 $0xFFFFFFD8  }
0x51: {  	[tilespmem:s12], [sflag:$0x2] =	stream.indirect.gather [hbm4b:s7+s23], $0x80, s3, s23, $0xb8;
	[tilespmem:$0x1A900] =	vst v63  }
0x52: {  	_ = 	snop  }
0x53: {  	[tilespmem:s24], [sflag:$0x2] =	stream.indirect.gather [hbm4b:s7+s23], $0x80, s14, s23, $0xb8;
	[tilespmem:$0x1A900] =	vst v63  }
0x54: {  	_ = 	snop  }
0x55: {  	[tilespmem:s25], [sflag:$0x2] =	stream.indirect.gather [hbm4b:s7+s23], $0x80, s16, s23, $0xb8;
	[tilespmem:$0x1A900] =	vst v63  }
0x56: {  	_ = 	snop  }
0x57: {  	[tilespmem:s26], [sflag:$0x2] =	stream.indirect.gather [hbm4b:s7+s23], $0x80, s18, s23, $0xb8;
	[tilespmem:$0x1A900] =	vst v63  }
0x58: {  	_ = 	snop  }
0x59: {  	[tilespmem:s28], [sflag:$0x2] =	stream.indirect.gather [hbm4b:s7+s23], $0x80, s20, s23, $0xb8;
	[tilespmem:$0x1A900] =	vst v63  }
0x5a: {  	_ =	swait.ge [sflag:s29], $0x1400  }
0x5b: {  	[sflag:s29] =	ssyncset.done $0x0  }
0x5c: {  	[sflag:s29] =	ssyncadd.s32 $0xFFFFEC00  }
0x5d: {  	_ =	swait.ge [sflag:s29], $0x1400  }
0x5e: {  	[sflag:s29] =	ssyncset.done $0x0  }
0x5f: {  	[sflag:s29] =	ssyncadd.s32 $0xFFFFEC00  }
0x60: {  	_ =	swait.ge [sflag:s29], $0x1400  }
0x61: {  	[sflag:s29] =	ssyncset.done $0x0  }
0x62: {  	[sflag:s29] =	ssyncadd.s32 $0xFFFFEC00  }
0x63: {  	_ =	swait.ge [sflag:s29], $0x1400  }
0x64: {  	[sflag:s29] =	ssyncset.done $0x0  }
0x65: {  	[sflag:s29] =	ssyncadd.s32 $0xFFFFEC00  }
0x66: {  	_ =	swait.ge [sflag:s29], $0x1400  }
0x67: {  	[sflag:s29] =	ssyncset.done $0x0  }
0x68: {  	[sflag:s29] =	ssyncadd.s32 $0xFFFFEC00  }
0x69: {  	[spmem:s2] =	stream.indirect.scatter.add.f32 [tilespmem:s12], [sflag:$0x3], $0x80, s13, s23, $0xb8;
	[tilespmem:$0x1A900] =	vst v63  }
0x6a: {  	_ =	swait.ge [sflag:s11], $0x1400  }
0x6b: {  	[sflag:s11] =	ssyncset.done $0x0  }
0x6c: {  	[sflag:s11] =	ssyncadd.s32 $0xFFFFEC00  }
0x6d: {  	[spmem:s2] =	stream.indirect.scatter.add.f32 [tilespmem:s24], [sflag:$0x3], $0x80, s15, s23, $0xb8;
	[tilespmem:$0x1A900] =	vst v63  }
0x6e: {  	_ =	swait.ge [sflag:s11], $0x1400  }
0x6f: {  	[sflag:s11] =	ssyncset.done $0x0  }
0x70: {  	[sflag:s11] =	ssyncadd.s32 $0xFFFFEC00  }
0x71: {  	[spmem:s2] =	stream.indirect.scatter.add.f32 [tilespmem:s25], [sflag:$0x3], $0x80, s17, s23, $0xb8;
	[tilespmem:$0x1A900] =	vst v63  }
0x72: {  	_ =	swait.ge [sflag:s11], $0x1400  }
0x73: {  	[sflag:s11] =	ssyncset.done $0x0  }
0x74: {  	[sflag:s11] =	ssyncadd.s32 $0xFFFFEC00  }
0x75: {  	[spmem:s2] =	stream.indirect.scatter.add.f32 [tilespmem:s26], [sflag:$0x3], $0x80, s19, s23, $0xb8;
	[tilespmem:$0x1A900] =	vst v63  }
0x76: {  	_ =	swait.ge [sflag:s11], $0x1400  }
0x77: {  	[sflag:s11] =	ssyncset.done $0x0  }
0x78: {  	[sflag:s11] =	ssyncadd.s32 $0xFFFFEC00  }
0x79: {  	[spmem:s2] =	stream.indirect.scatter.add.f32 [tilespmem:s28], [sflag:$0x3], $0x80, s21, s23, $0xb8;
	[tilespmem:$0x1A900] =	vst v63  }
0x7a: {  	s31 =	simm.s32 $0x19;
	_ =	swait.ge [sflag:s11], $0x1400  }
0x7b: {  	s0 =	simm.s32 $0x32;
	s1 =	rddreg [dreg:$0x4];
	[sflag:s11] =	ssyncset.done $0x0  }
.LBB2_2:
0x7c: {  	[sflag:s11] =	ssyncadd.s32 $0xFFFFEC00;
	s8 =	rddreg [dreg:$0x3];
	s1 =	sadd.s32 s31, s1  }
0x7d: {  	[tilespmem:s3], [sflag:$0x1] =	stream.linear.gather [hbm4b:s1+s3], $0x28, $0x38;
	[tilespmem:$0x1A900] =	vst v63  }
0x7e: {  	s4 =	smov.u32 s0;
	s8 =	sadd.s32 s31, s8  }
0x7f: {  	[tilespmem:s13], [sflag:$0x1] =	stream.linear.gather [hbm4b:s8+s3], $0x28, $0x38;
	[tilespmem:$0x1A900] =	vst v63  }
0x80: {  	s31 =	smov.u32 s4;
	s4 =	sadd.s32 $0x5, s1  }
0x81: {  	[tilespmem:s14], [sflag:$0x1] =	stream.linear.gather [hbm4b:s4+s3], $0x28, $0x38;
	[tilespmem:$0x1A900] =	vst v63  }
0x82: {  	s4 =	sadd.s32 $0x5, s8  }
0x83: {  	[tilespmem:s15], [sflag:$0x1] =	stream.linear.gather [hbm4b:s4+s3], $0x28, $0x38;
	[tilespmem:$0x1A900] =	vst v63  }
0x84: {  	s4 =	sadd.s32 $0xA, s1  }
0x85: {  	[tilespmem:s16], [sflag:$0x1] =	stream.linear.gather [hbm4b:s4+s3], $0x28, $0x38;
	[tilespmem:$0x1A900] =	vst v63  }
0x86: {  	s4 =	sadd.s32 $0xA, s8  }
0x87: {  	[tilespmem:s17], [sflag:$0x1] =	stream.linear.gather [hbm4b:s4+s3], $0x28, $0x38;
	[tilespmem:$0x1A900] =	vst v63  }
0x88: {  	s4 =	sadd.s32 $0xF, s1  }
0x89: {  	[tilespmem:s18], [sflag:$0x1] =	stream.linear.gather [hbm4b:s4+s3], $0x28, $0x38;
	[tilespmem:$0x1A900] =	vst v63  }
0x8a: {  	s4 =	sadd.s32 $0xF, s8  }
0x8b: {  	[tilespmem:s19], [sflag:$0x1] =	stream.linear.gather [hbm4b:s4+s3], $0x28, $0x38;
	[tilespmem:$0x1A900] =	vst v63  }
0x8c: {  	s1 =	sadd.s32 $0x14, s1  }
0x8d: {  	[tilespmem:s20], [sflag:$0x1] =	stream.linear.gather [hbm4b:s1+s3], $0x28, $0x38;
	[tilespmem:$0x1A900] =	vst v63  }
0x8e: {  	s8 =	sadd.s32 $0x14, s8  }
0x8f: {  	[tilespmem:s21], [sflag:$0x1] =	stream.linear.gather [hbm4b:s8+s3], $0x28, $0x38;
	[tilespmem:$0x1A900] =	vst v63  }
0x90: {  	_ =	swait.ge [sflag:s22], $0x28  }
0x91: {  	[sflag:s22] =	ssyncset.done $0x0  }
0x92: {  	[sflag:s22] =	ssyncadd.s32 $0xFFFFFFD8  }
0x93: {  	_ =	swait.ge [sflag:s22], $0x28  }
0x94: {  	[sflag:s22] =	ssyncset.done $0x0  }
0x95: {  	[sflag:s22] =	ssyncadd.s32 $0xFFFFFFD8  }
0x96: {  	_ =	swait.ge [sflag:s22], $0x28  }
0x97: {  	[sflag:s22] =	ssyncset.done $0x0  }
0x98: {  	[sflag:s22] =	ssyncadd.s32 $0xFFFFFFD8  }
0x99: {  	_ =	swait.ge [sflag:s22], $0x28  }
0x9a: {  	[sflag:s22] =	ssyncset.done $0x0  }
0x9b: {  	[sflag:s22] =	ssyncadd.s32 $0xFFFFFFD8  }
0x9c: {  	_ =	swait.ge [sflag:s22], $0x28  }
0x9d: {  	[sflag:s22] =	ssyncset.done $0x0  }
0x9e: {  	[sflag:s22] =	ssyncadd.s32 $0xFFFFFFD8  }
0x9f: {  	_ =	swait.ge [sflag:s22], $0x28  }
0xa0: {  	[sflag:s22] =	ssyncset.done $0x0  }
0xa1: {  	[sflag:s22] =	ssyncadd.s32 $0xFFFFFFD8  }
0xa2: {  	_ =	swait.ge [sflag:s22], $0x28  }
0xa3: {  	[sflag:s22] =	ssyncset.done $0x0  }
0xa4: {  	[sflag:s22] =	ssyncadd.s32 $0xFFFFFFD8  }
0xa5: {  	_ =	swait.ge [sflag:s22], $0x28  }
0xa6: {  	[sflag:s22] =	ssyncset.done $0x0  }
0xa7: {  	[sflag:s22] =	ssyncadd.s32 $0xFFFFFFD8  }
0xa8: {  	_ =	swait.ge [sflag:s22], $0x28  }
0xa9: {  	[sflag:s22] =	ssyncset.done $0x0  }
0xaa: {  	[sflag:s22] =	ssyncadd.s32 $0xFFFFFFD8  }
0xab: {  	_ =	swait.ge [sflag:s22], $0x28  }
0xac: {  	[sflag:s22] =	ssyncset.done $0x0  }
0xad: {  	[sflag:s22] =	ssyncadd.s32 $0xFFFFFFD8  }
0xae: {  	[tilespmem:s12], [sflag:$0x2] =	stream.indirect.gather [hbm4b:s7+s23], $0x80, s3, s23, $0xb8;
	[tilespmem:$0x1A900] =	vst v63  }
0xaf: {  	_ = 	snop  }
0xb0: {  	[tilespmem:s24], [sflag:$0x2] =	stream.indirect.gather [hbm4b:s7+s23], $0x80, s14, s23, $0xb8;
	[tilespmem:$0x1A900] =	vst v63  }
0xb1: {  	_ = 	snop  }
0xb2: {  	[tilespmem:s25], [sflag:$0x2] =	stream.indirect.gather [hbm4b:s7+s23], $0x80, s16, s23, $0xb8;
	[tilespmem:$0x1A900] =	vst v63  }
0xb3: {  	_ = 	snop  }
0xb4: {  	[tilespmem:s26], [sflag:$0x2] =	stream.indirect.gather [hbm4b:s7+s23], $0x80, s18, s23, $0xb8;
	[tilespmem:$0x1A900] =	vst v63  }
0xb5: {  	_ = 	snop  }
0xb6: {  	[tilespmem:s28], [sflag:$0x2] =	stream.indirect.gather [hbm4b:s7+s23], $0x80, s20, s23, $0xb8;
	[tilespmem:$0x1A900] =	vst v63  }
0xb7: {  	_ =	swait.ge [sflag:s29], $0x1400  }
0xb8: {  	[sflag:s29] =	ssyncset.done $0x0  }
0xb9: {  	[sflag:s29] =	ssyncadd.s32 $0xFFFFEC00  }
0xba: {  	_ =	swait.ge [sflag:s29], $0x1400  }
0xbb: {  	[sflag:s29] =	ssyncset.done $0x0  }
0xbc: {  	[sflag:s29] =	ssyncadd.s32 $0xFFFFEC00  }
0xbd: {  	_ =	swait.ge [sflag:s29], $0x1400  }
0xbe: {  	[sflag:s29] =	ssyncset.done $0x0  }
0xbf: {  	[sflag:s29] =	ssyncadd.s32 $0xFFFFEC00  }
0xc0: {  	_ =	swait.ge [sflag:s29], $0x1400  }
0xc1: {  	[sflag:s29] =	ssyncset.done $0x0  }
0xc2: {  	[sflag:s29] =	ssyncadd.s32 $0xFFFFEC00  }
0xc3: {  	_ =	swait.ge [sflag:s29], $0x1400  }
0xc4: {  	[sflag:s29] =	ssyncset.done $0x0  }
0xc5: {  	[sflag:s29] =	ssyncadd.s32 $0xFFFFEC00  }
0xc6: {  	[spmem:s2] =	stream.indirect.scatter.add.f32 [tilespmem:s12], [sflag:$0x3], $0x80, s13, s23, $0xb8;
	[tilespmem:$0x1A900] =	vst v63  }
0xc7: {  	_ =	swait.ge [sflag:s11], $0x1400  }
0xc8: {  	[sflag:s11] =	ssyncset.done $0x0  }
0xc9: {  	[sflag:s11] =	ssyncadd.s32 $0xFFFFEC00  }
0xca: {  	[spmem:s2] =	stream.indirect.scatter.add.f32 [tilespmem:s24], [sflag:$0x3], $0x80, s15, s23, $0xb8;
	[tilespmem:$0x1A900] =	vst v63  }
0xcb: {  	_ =	swait.ge [sflag:s11], $0x1400  }
0xcc: {  	[sflag:s11] =	ssyncset.done $0x0  }
0xcd: {  	[sflag:s11] =	ssyncadd.s32 $0xFFFFEC00  }
0xce: {  	[spmem:s2] =	stream.indirect.scatter.add.f32 [tilespmem:s25], [sflag:$0x3], $0x80, s17, s23, $0xb8;
	[tilespmem:$0x1A900] =	vst v63  }
0xcf: {  	_ =	swait.ge [sflag:s11], $0x1400  }
0xd0: {  	[sflag:s11] =	ssyncset.done $0x0  }
0xd1: {  	[sflag:s11] =	ssyncadd.s32 $0xFFFFEC00  }
0xd2: {  	[spmem:s2] =	stream.indirect.scatter.add.f32 [tilespmem:s26], [sflag:$0x3], $0x80, s19, s23, $0xb8;
	[tilespmem:$0x1A900] =	vst v63  }
0xd3: {  	p0 =	sne.s32 s0, $0x9AB;
	_ =	swait.ge [sflag:s11], $0x1400  }
.Ltmp0:
0xd4: {  	[sflag:s11] =	ssyncset.done $0x0;
	(pc) =	sbr.rel @p0 .LBB2_2-.Ltmp0, $4  }
0xd5: {  	[sflag:s11] =	ssyncadd.s32 $0xFFFFEC00  }
0xd6: {  	[spmem:s2] =	stream.indirect.scatter.add.f32 [tilespmem:s28], [sflag:$0x3], $0x80, s21, s23, $0xb8;
	[tilespmem:$0x1A900] =	vst v63  }
0xd7: {  	_ =	swait.ge [sflag:s11], $0x1400  }
0xd8: {  	s0 =	sadd.s32 $0x19, s0;
	s1 =	rddreg [dreg:$0x4];
	[sflag:s11] =	ssyncset.done $0x0  }
0xd9: {  	s0 =	rddreg [dreg:$0x3];
	[sflag:s11] =	ssyncadd.s32 $0xFFFFEC00;
	s1 =	sadd.s32 s31, s1  }
0xda: {  	[tilespmem:s3], [sflag:$0x1] =	stream.linear.gather [hbm4b:s1+s3], $0x28, $0x38;
	[tilespmem:$0x1A900] =	vst v63  }
0xdb: {  	s0 =	sadd.s32 s31, s0  }
0xdc: {  	[tilespmem:s13], [sflag:$0x1] =	stream.linear.gather [hbm4b:s0+s3], $0x28, $0x38;
	[tilespmem:$0x1A900] =	vst v63  }
0xdd: {  	s4 =	sadd.s32 $0x5, s1  }
0xde: {  	[tilespmem:s14], [sflag:$0x1] =	stream.linear.gather [hbm4b:s4+s3], $0x28, $0x38;
	[tilespmem:$0x1A900] =	vst v63  }
0xdf: {  	s8 =	sadd.s32 $0x5, s0  }
0xe0: {  	[tilespmem:s15], [sflag:$0x1] =	stream.linear.gather [hbm4b:s8+s3], $0x28, $0x38;
	[tilespmem:$0x1A900] =	vst v63  }
0xe1: {  	s31 =	sadd.s32 $0xA, s1  }
0xe2: {  	[tilespmem:s16], [sflag:$0x1] =	stream.linear.gather [hbm4b:s31+s3], $0x28, $0x38;
	[tilespmem:$0x1A900] =	vst v63  }
0xe3: {  	s8 =	sadd.s32 $0xA, s0  }
0xe4: {  	[tilespmem:s17], [sflag:$0x1] =	stream.linear.gather [hbm4b:s8+s3], $0x28, $0x38;
	[tilespmem:$0x1A900] =	vst v63  }
0xe5: {  	s31 =	sadd.s32 $0xF, s1  }
0xe6: {  	[tilespmem:s18], [sflag:$0x1] =	stream.linear.gather [hbm4b:s31+s3], $0x28, $0x38;
	[tilespmem:$0x1A900] =	vst v63  }
0xe7: {  	s8 =	sadd.s32 $0xF, s0  }
0xe8: {  	[tilespmem:s19], [sflag:$0x1] =	stream.linear.gather [hbm4b:s8+s3], $0x28, $0x38;
	[tilespmem:$0x1A900] =	vst v63  }
0xe9: {  	s1 =	sadd.s32 $0x14, s1  }
0xea: {  	[tilespmem:s20], [sflag:$0x1] =	stream.linear.gather [hbm4b:s1+s3], $0x28, $0x38;
	[tilespmem:$0x1A900] =	vst v63  }
0xeb: {  	s0 =	sadd.s32 $0x14, s0  }
0xec: {  	[tilespmem:s21], [sflag:$0x1] =	stream.linear.gather [hbm4b:s0+s3], $0x28, $0x38;
	[tilespmem:$0x1A900] =	vst v63  }
0xed: {  	_ =	swait.ge [sflag:s22], $0x28  }
0xee: {  	[sflag:s22] =	ssyncset.done $0x0  }
0xef: {  	[sflag:s22] =	ssyncadd.s32 $0xFFFFFFD8  }
0xf0: {  	_ =	swait.ge [sflag:s22], $0x28  }
0xf1: {  	[sflag:s22] =	ssyncset.done $0x0  }
0xf2: {  	[sflag:s22] =	ssyncadd.s32 $0xFFFFFFD8  }
0xf3: {  	_ =	swait.ge [sflag:s22], $0x28  }
0xf4: {  	[sflag:s22] =	ssyncset.done $0x0  }
0xf5: {  	[sflag:s22] =	ssyncadd.s32 $0xFFFFFFD8  }
0xf6: {  	_ =	swait.ge [sflag:s22], $0x28  }
0xf7: {  	[sflag:s22] =	ssyncset.done $0x0  }
0xf8: {  	[sflag:s22] =	ssyncadd.s32 $0xFFFFFFD8  }
0xf9: {  	_ =	swait.ge [sflag:s22], $0x28  }
0xfa: {  	[sflag:s22] =	ssyncset.done $0x0  }
0xfb: {  	[sflag:s22] =	ssyncadd.s32 $0xFFFFFFD8  }
0xfc: {  	_ =	swait.ge [sflag:s22], $0x28  }
0xfd: {  	[sflag:s22] =	ssyncset.done $0x0  }
0xfe: {  	[sflag:s22] =	ssyncadd.s32 $0xFFFFFFD8  }
0xff: {  	_ =	swait.ge [sflag:s22], $0x28  }
0x100: {  	[sflag:s22] =	ssyncset.done $0x0  }
0x101: {  	[sflag:s22] =	ssyncadd.s32 $0xFFFFFFD8  }
0x102: {  	_ =	swait.ge [sflag:s22], $0x28  }
0x103: {  	[sflag:s22] =	ssyncset.done $0x0  }
0x104: {  	[sflag:s22] =	ssyncadd.s32 $0xFFFFFFD8  }
0x105: {  	_ =	swait.ge [sflag:s22], $0x28  }
0x106: {  	[sflag:s22] =	ssyncset.done $0x0  }
0x107: {  	[sflag:s22] =	ssyncadd.s32 $0xFFFFFFD8  }
0x108: {  	_ =	swait.ge [sflag:s22], $0x28  }
0x109: {  	[sflag:s22] =	ssyncset.done $0x0  }
0x10a: {  	[sflag:s22] =	ssyncadd.s32 $0xFFFFFFD8  }
0x10b: {  	[tilespmem:s12], [sflag:$0x2] =	stream.indirect.gather [hbm4b:s7+s23], $0x80, s3, s23, $0xb8;
	[tilespmem:$0x1A900] =	vst v63  }
0x10c: {  	_ = 	snop  }
0x10d: {  	[tilespmem:s24], [sflag:$0x2] =	stream.indirect.gather [hbm4b:s7+s23], $0x80, s14, s23, $0xb8;
	[tilespmem:$0x1A900] =	vst v63  }
0x10e: {  	_ = 	snop  }
0x10f: {  	[tilespmem:s25], [sflag:$0x2] =	stream.indirect.gather [hbm4b:s7+s23], $0x80, s16, s23, $0xb8;
	[tilespmem:$0x1A900] =	vst v63  }
0x110: {  	_ = 	snop  }
0x111: {  	[tilespmem:s26], [sflag:$0x2] =	stream.indirect.gather [hbm4b:s7+s23], $0x80, s18, s23, $0xb8;
	[tilespmem:$0x1A900] =	vst v63  }
0x112: {  	_ = 	snop  }
0x113: {  	[tilespmem:s28], [sflag:$0x2] =	stream.indirect.gather [hbm4b:s7+s23], $0x80, s20, s23, $0xb8;
	[tilespmem:$0x1A900] =	vst v63  }
0x114: {  	_ =	swait.ge [sflag:s29], $0x1400  }
0x115: {  	[sflag:s29] =	ssyncset.done $0x0  }
0x116: {  	[sflag:s29] =	ssyncadd.s32 $0xFFFFEC00  }
0x117: {  	_ =	swait.ge [sflag:s29], $0x1400  }
0x118: {  	[sflag:s29] =	ssyncset.done $0x0  }
0x119: {  	[sflag:s29] =	ssyncadd.s32 $0xFFFFEC00  }
0x11a: {  	_ =	swait.ge [sflag:s29], $0x1400  }
0x11b: {  	[sflag:s29] =	ssyncset.done $0x0  }
0x11c: {  	[sflag:s29] =	ssyncadd.s32 $0xFFFFEC00  }
0x11d: {  	_ =	swait.ge [sflag:s29], $0x1400  }
0x11e: {  	[sflag:s29] =	ssyncset.done $0x0  }
0x11f: {  	[sflag:s29] =	ssyncadd.s32 $0xFFFFEC00  }
0x120: {  	_ =	swait.ge [sflag:s29], $0x1400  }
0x121: {  	[sflag:s29] =	ssyncset.done $0x0  }
0x122: {  	[sflag:s29] =	ssyncadd.s32 $0xFFFFEC00  }
0x123: {  	[spmem:s2] =	stream.indirect.scatter.add.f32 [tilespmem:s12], [sflag:$0x3], $0x80, s13, s23, $0xb8;
	[tilespmem:$0x1A900] =	vst v63  }
0x124: {  	_ =	swait.ge [sflag:s11], $0x1400  }
0x125: {  	[sflag:s11] =	ssyncset.done $0x0  }
0x126: {  	[sflag:s11] =	ssyncadd.s32 $0xFFFFEC00  }
0x127: {  	[spmem:s2] =	stream.indirect.scatter.add.f32 [tilespmem:s24], [sflag:$0x3], $0x80, s15, s23, $0xb8;
	[tilespmem:$0x1A900] =	vst v63  }
0x128: {  	_ =	swait.ge [sflag:s11], $0x1400  }
0x129: {  	[sflag:s11] =	ssyncset.done $0x0  }
0x12a: {  	[sflag:s11] =	ssyncadd.s32 $0xFFFFEC00  }
0x12b: {  	[spmem:s2] =	stream.indirect.scatter.add.f32 [tilespmem:s25], [sflag:$0x3], $0x80, s17, s23, $0xb8;
	[tilespmem:$0x1A900] =	vst v63  }
0x12c: {  	_ =	swait.ge [sflag:s11], $0x1400  }
0x12d: {  	[sflag:s11] =	ssyncset.done $0x0  }
0x12e: {  	[sflag:s11] =	ssyncadd.s32 $0xFFFFEC00  }
0x12f: {  	[spmem:s2] =	stream.indirect.scatter.add.f32 [tilespmem:s26], [sflag:$0x3], $0x80, s19, s23, $0xb8;
	[tilespmem:$0x1A900] =	vst v63  }
0x130: {  	_ =	swait.ge [sflag:s11], $0x1400  }
0x131: {  	[sflag:s11] =	ssyncset.done $0x0  }
0x132: {  	[sflag:s11] =	ssyncadd.s32 $0xFFFFEC00  }
0x133: {  	[spmem:s2] =	stream.indirect.scatter.add.f32 [tilespmem:s28], [sflag:$0x3], $0x80, s21, s23, $0xb8;
	[tilespmem:$0x1A900] =	vst v63  }
0x134: {  	_ =	swait.ge [sflag:s11], $0x1400  }
0x135: {  	[sflag:s11] =	ssyncset.done $0x0  }
0x136: {  	[sflag:s11] =	ssyncadd.s32 $0xFFFFEC00  }
0x137: {  	[tilespmem:s12], [sflag:$0x3] =	stream.linear.gather [spmem:s5], $0x400, $0x38;
	[tilespmem:$0x1A900] =	vst v63  }
0x138: {  	_ =	swait.ge [sflag:s11], $0x400  }
0x139: {  	[sflag:s11] =	ssyncset.done $0x0  }
0x13a: {  	[sflag:s11] =	ssyncadd.s32 $0xFFFFFC00  }
0x13b: {  	s30 =	sadd.s32 $0x1, s30;
	[bflag:$0x0] =	sbarrier.arrive $0xFFFF  }
0x13c: {  	p0 =	sne.s32 s30, s9;
	[bflag:$0x0] =	sbarrier.arrive $0xFFFF  }
.Ltmp1:
0x13d: {  	s31 =	rddreg [dreg:$0x6];
	(pc) =	sbr.rel @p0 .LBB2_1-.Ltmp1, $4  }
0x13e: {  	[hbm:s31], [sflag:s6] =	dma.local [spmem:s10], $0x2800  }
0x13f: {  	_ =	swait.ge [sflag:s11], $0x2800  }
0x140: {  	[sflag:s11] =	ssyncset.done $0x0  }
0x141: {  	[sflag:s11] =	ssyncadd.s32 $0xFFFFD800  }
0x142: {  	_ =	sfence.sel $0x180000  }
0x143: {  	[bflag:$0x0] =	sbarrier.arrive $0xFFFF  }
0x144: {  	_ =	strace $0x9000004A  }
0x145: {  	s0 =	stileid.u32;
	[bflag:$0x2] =	sbarrier.arrive $0xFFFF  }
0x146: {  	p0 =	sne.s32 s0, $0x0;
	s0 =	rddreg [dreg:$0x2]  }
0x147: {  	s0 =	sadd.s32 @!p0 $0x100000, s0  }
0x148: {  	[sflag:s0] =	ssyncadd.tile.s32 @!p0 $0x1;
	_ =	shalt  }
.Lfunc_end2:
_tile_overlayer_lowered:
.L_overlay_start_2:
0x149: {  	(tag) =	ssettag $0x2  }
0x14a: {  	s0 =	rddreg [dreg:$0x0];
	s2 =	stileid.u32  }
0x14b: {  	s1 =	rddreg [dreg:$0x1];
	p0 =	sne.s32 s2, $0x0  }
0x14c: {  	s3 =	rddreg [dreg:$0x2];
	[bflag:$0x3] =	sbarrier.arrive $0xFFFF;
	s2 =	simm.s32 @!p0 $0x1C03  }
0x14d: {  	[timem:s3], [sflag:s2] =	dma.local @!p0 [hbm:s0], s1  }
0x14e: {  	s0 =	simm.s32 @!p0 $0x3  }
0x14f: {  	_ =	swait.ge @!p0 [sflag:s0], s1  }
0x150: {  	s1 =	ssub.s32 @!p0 $0x0, s1;
	[sflag:s0] =	ssyncset.done @!p0 $0x0  }
0x151: {  	[sflag:s0] =	ssyncadd.s32 @!p0 s1  }
0x152: {  	[bflag:$0x3] =	sbarrier.arrive $0xFFFF  }
0x153: {  	_ =	shalt  }

// kernel: kernel.17.cloned.1.call-start
scs
__scs_entry_jumppad:
0x0: {  	(pc) =	sbr.rel $0x88, $3  }
0x1: {  	(tag) =	ssettag $0x0;
	lr =	simm.s32 $0x1  }
0x2: {  	[smem:$0x3F96] =	sst lr;
	_ =	strace $0xD0000000  }
0x3: {  	_ = 	snop  }
0x4: {  	_ = 	snop  }
0x5: {  	_ = 	snop  }
0x6: {  	_ = 	snop  }
0x7: {  	_ = 	snop  }
__scs_overlays_trampoline_lowered:
0x8: {  	[smem:$0x3FA5] =	sst s0  }
0x9: {  	[smem:$0x3FA6] =	sst s1  }
0xa: {  	[smem:$0x3FA7] =	sst s2  }
0xb: {  	[smem:$0x3FA8] =	sst s3  }
0xc: {  	[smem:$0x3FA9] =	sst s4  }
0xd: {  	[smem:$0x3FAA] =	sst s5  }
0xe: {  	[smem:$0x3FAB] =	sst s6  }
0xf: {  	[smem:$0x3FAC] =	sst s7  }
0x10: {  	[smem:$0x3FAD] =	sst s8  }
0x11: {  	[smem:$0x3FAE] =	sst s9;
	s0 =	simm.s32 @!p0 $0x0  }
0x12: {  	s1 =	sld [smem:$0x3F94];
	s0 =	simm.s32 @p0 $0x1  }
0x13: {  	[smem:$0x3FAF] =	sst s0;
	s0 =	simm.s32 @!p1 $0x0  }
0x14: {  	s2 =	sld [smem:$0x3F93];
	s0 =	simm.s32 @p1 $0x1  }
0x15: {  	[smem:$0x3FB0] =	sst s0;
	s0 =	simm.s32 @!p2 $0x0  }
0x16: {  	s3 =	sld [smem:$0x3FDB];
	s0 =	simm.s32 @p2 $0x1  }
0x17: {  	s4 =	simm.s32 $0x1BF5;
	[smem:$0x3FB2] =	sst s0  }
0x18: {  	s0 =	sld [smem:$0x3F95];
	_ =	swait.ge [sflag:s4], $0x0  }
0x19: {  	s7 =	sld [smem:$0x3F96]  }
0x1a: {  	s8 =	sadd.s32 $0xFFFFE003, lr  }
0x1b: {  	s9 =	sadd.s32 $0xFFFFFEF7, lr;
	s5 =	simm.s32 $0xFFFFFFFF;
	p2 =	slt.u32 s8, $0xFFFFF086  }
0x1c: {  	p1 =	slt.u32 s9, $0xF7A;
	s5 =	simm.s32 @!p2 $0x0  }
0x1d: {  	s5 =	simm.s32 @p1 $0x1;
	p0 =	seq.s32 s7, s2  }
0x1e: {  	s7 =	smul.u32 @!p0 $0xF7A, s2;
	p2 =	seq.s32 @!p0 s5, $0x0  }
0x1f: {  	s9 =	smul.u32 $0xF7A, s1;
	s8 =	simm.s32 @!p0 $0x1BF5;
	p2 =	por !p2, p0  }
0x20: {  	[sflag:s8] =	ssyncset.s32 @!p0 $0xFFFFF086;
	s6 =	sadd.s32 @!p0 s3, s7;
	s7 =	simm.s32 @!p0 $0x108  }
0x21: {  	s3 =	sadd.s32 s3, s9;
	s6 =	sadd.s32 @!p0 $0x88, s6;
	s7 =	simm.s32 @p2 $0x1082  }
0x22: {  	[simem:s7], [sflag:s8] =	dma.local @!p0 [hbm:s6], $0xF7A  }
0x23: {  	s9 =	sor.u32 $0xD0000000, s2;
	s6 =	simm.s32 $0x108;
	_ =	swait.ge @!p0 [sflag:s8], $0x0  }
0x24: {  	s3 =	sadd.s32 $0x88, s3;
	s6 =	simm.s32 @!p1 $0x1082;
	[sflag:s4] =	ssyncset.s32 $0xFFFFF086  }
0x25: {  	[simem:s6], [sflag:s4] =	dma.local [hbm:s3], $0xF7A  }
0x26: {  	[smem:$0x3F96] =	sst s1;
	(tag) =	ssettag s2;
	_ =	strace s9  }
0x27: {  	s1 =	sld [smem:$0x3FA6]  }
0x28: {  	s2 =	sld [smem:$0x3FA7]  }
0x29: {  	s4 =	sld [smem:$0x3FA9]  }
0x2a: {  	p0 =	seq.s32 s5, $0x0;
	s5 =	sld [smem:$0x3FAA]  }
0x2b: {  	s6 =	sld [smem:$0x3FAB]  }
0x2c: {  	s7 =	sld [smem:$0x3FAC]  }
0x2d: {  	s3 =	simm.s32 $0x108;
	s8 =	sld [smem:$0x3FAD]  }
0x2e: {  	s3 =	simm.s32 @!p0 $0x1082;
	s9 =	sld [smem:$0x3FAE]  }
0x2f: {  	lr =	sadd.s32 s0, s3;
	s0 =	sld [smem:$0x3FA5]  }
0x30: {  	s3 =	sld [smem:$0x3FA8]  }
0x31: {  	[smem:$0x3FB1] =	sst s10  }
0x32: {  	s10 =	sld [smem:$0x3FAF];
	_ =	sdelay $0x3  }
0x33: {  	p0 =	seq.s32 s10, $0x1;
	s10 =	sld [smem:$0x3FB1];
	_ =	sdelay $0x3  }
0x34: {  	[smem:$0x3FB1] =	sst s10  }
0x35: {  	s10 =	sld [smem:$0x3FB0];
	_ =	sdelay $0x3  }
0x36: {  	p1 =	seq.s32 s10, $0x1;
	s10 =	sld [smem:$0x3FB1];
	_ =	sdelay $0x3  }
0x37: {  	[smem:$0x3FB1] =	sst s10  }
0x38: {  	s10 =	sld [smem:$0x3FB2]  }
0x39: {  	_ = 	snop;
	(pc) =	sbr.ind lr, $3  }
0x3a: {  	_ = 	snop  }
0x3b: {  	_ = 	snop  }
0x3c: {  	p2 =	seq.s32 s10, $0x1;
	s10 =	sld [smem:$0x3FB1]  }
0x3d: {  	_ =	shalt  }
0x3e: {  	_ =	shalt  }
0x3f: {  	_ =	shalt  }
0x40: {  	_ =	shalt  }
0x41: {  	_ =	shalt  }
0x42: {  	_ =	shalt  }
0x43: {  	_ =	shalt  }
0x44: {  	_ =	shalt  }
0x45: {  	_ =	shalt  }
0x46: {  	_ =	shalt  }
0x47: {  	_ =	shalt  }
0x48: {  	_ =	shalt  }
0x49: {  	_ =	shalt  }
0x4a: {  	_ =	shalt  }
0x4b: {  	_ =	shalt  }
0x4c: {  	_ =	shalt  }
0x4d: {  	_ =	shalt  }
0x4e: {  	_ =	shalt  }
0x4f: {  	_ =	shalt  }
0x50: {  	_ =	shalt  }
0x51: {  	_ =	shalt  }
0x52: {  	_ =	shalt  }
0x53: {  	_ =	shalt  }
0x54: {  	_ =	shalt  }
0x55: {  	_ =	shalt  }
0x56: {  	_ =	shalt  }
0x57: {  	_ =	shalt  }
0x58: {  	_ =	shalt  }
0x59: {  	_ =	shalt  }
0x5a: {  	_ =	shalt  }
0x5b: {  	_ =	shalt  }
0x5c: {  	_ =	shalt  }
0x5d: {  	_ =	shalt  }
0x5e: {  	_ =	shalt  }
0x5f: {  	_ =	shalt  }
0x60: {  	_ =	shalt  }
0x61: {  	_ =	shalt  }
0x62: {  	_ =	shalt  }
0x63: {  	_ =	shalt  }
0x64: {  	_ =	shalt  }
0x65: {  	_ =	shalt  }
0x66: {  	_ =	shalt  }
0x67: {  	_ =	shalt  }
0x68: {  	_ =	shalt  }
0x69: {  	_ =	shalt  }
0x6a: {  	_ =	shalt  }
0x6b: {  	_ =	shalt  }
0x6c: {  	_ =	shalt  }
0x6d: {  	_ =	shalt  }
0x6e: {  	_ =	shalt  }
0x6f: {  	_ =	shalt  }
0x70: {  	_ =	shalt  }
0x71: {  	_ =	shalt  }
0x72: {  	_ =	shalt  }
0x73: {  	_ =	shalt  }
0x74: {  	_ =	shalt  }
0x75: {  	_ =	shalt  }
0x76: {  	_ =	shalt  }
0x77: {  	_ =	shalt  }
0x78: {  	_ =	shalt  }
0x79: {  	_ =	shalt  }
0x7a: {  	_ =	shalt  }
0x7b: {  	_ =	shalt  }
0x7c: {  	_ =	shalt  }
0x7d: {  	_ =	shalt  }
0x7e: {  	_ =	shalt  }
0x7f: {  	_ =	shalt  }
0x80: {  	_ =	shalt  }
0x81: {  	_ =	shalt  }
0x82: {  	_ =	shalt  }
0x83: {  	_ =	shalt  }
0x84: {  	_ =	shalt  }
0x85: {  	_ =	shalt  }
0x86: {  	_ =	shalt  }
0x87: {  	_ =	shalt  }
.Lfunc_end0:
.L_simem_size_0:
called_computation.2_lowered:
.L_overlay_start_0:
0x88: {  	s2 =	sld [smem:$0x3FD9]  }
0x89: {  	s3 =	sld [smem:$0x3FFE];
	_ =	sdelay $0x1  }
0x8a: {  	s1 =	srdreg.scid  }
0x8b: {  	s0 =	sand.u32 $0x1, s1  }
0x8c: {  	s16 =	sshll.u32 s0, $0xA;
	s2 =	sadd.s32 s3, s2  }
0x8d: {  	s2 =	sadd.s32 s2, s16  }
0x8e: {  	[smem:$0x3FBD] =	sst s2  }
0x8f: {  	_ = 	snop  }
0x90: {  	(tm) =	ssettm $0x1  }
0x91: {  	s17 =	sld [smem:$0x3FFB];
	_ =	sdelay $0x3  }
0x92: {  	_ =	strace s17  }
0x93: {  	s2 =	sld [smem:$0x3FFC];
	_ =	sdelay $0x3  }
0x94: {  	_ =	strace s2  }
0x95: {  	s2 =	sld [smem:$0x3FFD];
	_ =	sdelay $0x3  }
0x96: {  	_ =	strace s2  }
0x97: {  	_ =	strace $0x8FFFFFFF  }
0x98: {  	s18 =	sld [smem:$0x3FDB];
	_ =	sdelay $0x1  }
0x99: {  	s19 =	simm.s32 $_scs_section_size  }
0x9a: {  	s4 =	simm.s32 $_size__tile_overlayer_lowered;
	s5 =	simm.s32 $_tile_overlayer_lowered  }
0x9b: {  	s22 =	simm.s32 $0x1BFF;
	s21 =	sshll.u32 s5, $0x1;
	s2 =	sadd.s32 s19, s18  }
0x9c: {  	s6 =	simm.s32 $0x0;
	s20 =	sshll.u32 s4, $0x1;
	s4 =	sadd.s32 s21, s2  }
0x9d: {  	[timem:s6], [sflag:s22] =	dma.local [hbm:s4], s20  }
0x9e: {  	_ =	swait.ge [sflag:s22], s20  }
0x9f: {  	s3 =	ssub.s32 $0x0, s20;
	[sflag:s22] =	ssyncset.done $0x0  }
0xa0: {  	[sflag:s22] =	ssyncadd.s32 s3;
	_ =	sdelay $0x1  }
0xa1: {  	s23 =	simm.s32 $0x1B8B  }
0xa2: {  	_ =	swait.ge [sflag:s23], $0x1  }
0xa3: {  	[sflag:s23] =	ssyncset.done $0x0  }
0xa4: {  	s25 =	simm.s32 $0x1B8E;
	s24 =	sld [smem:$0x3FFE];
	[sflag:s23] =	ssyncadd.s32 $0xFFFFFFFF  }
0xa5: {  	s26 =	simm.s32 $execute0_lowered;
	[smem:$0x3FD2] =	sst s25  }
0xa6: {  	s4 =	sshll.u32 s26, $0x1;
	_ =	strace $0x8000004C;
	[dreg:$0x1] =	wrdreg $0xFFFFFFFF  }
0xa7: {  	s28 =	simm.s32 $_size_execute0_lowered;
	s2 =	sadd.s32 s2, s4;
	[dreg:$0x0] =	wrdreg $0x0  }
0xa8: {  	s4 =	sshll.u32 s28, $0x1;
	[dreg:$0x2] =	wrdreg s2  }
0xa9: {  	[dreg:$0x3] =	wrdreg s4  }
0xaa: {  	[dreg:$0x4] =	wrdreg $0xC0  }
0xab: {  	_ =	task [dreg:s6], $0x5FFFF  }
0xac: {  	[dreg:$0x1] =	wrdreg $0xFFFFFFFF  }
0xad: {  	[dreg:$0x0] =	wrdreg $0x60  }
0xae: {  	[dreg:$0x2] =	wrdreg s24  }
0xaf: {  	[dreg:$0x3] =	wrdreg $0x69000  }
0xb0: {  	[dreg:$0x4] =	wrdreg $0x9  }
0xb1: {  	_ =	task.clear_ibuf [dreg:s6], $0x5FFFF;
	_ =	strace $0x9000004C  }
0xb2: {  	s29 =	simm.s32 $0x9;
	_ =	strace $0x8000004E  }
0xb3: {  	_ =	swait.ge [sflag:s29], $0x1  }
0xb4: {  	[sflag:s29] =	ssyncadd.s32 $0xFFFFFFFF  }
0xb5: {  	_ =	strace $0x9000004E  }
0xb6: {  	_ =	sfence  }
0xb7: {  	s30 =	sld [smem:$0x0];
	_ =	sdelay $0x2  }
0xb8: {  	s31 =	sshll.u32 s1, $0xD;
	s1 =	sshrl.u32 s1, $0x2  }
0xb9: {  	s3 =	sand.u32 $0x4000, s31;
	s1 =	sadd.s32 s1, s30  }
0xba: {  	s0 =	sor.u32 s3, s0;
	s1 =	sshll.u32 s1, $0x11  }
0xbb: {  	s0 =	sor.u32 s1, s0  }
0xbc: {  	s0 =	sadd.s32 $0x8F2B, s0  }
0xbd: {  	[sflag:s0] =	ssyncadd.remote.s32 $0x1  }
0xbe: {  	_ =	sfence.sel $0xFFFF  }
0xbf: {  	[dreg:$0x0] =	wrdreg $0xFFFFFFFF;
	(pc) =	sbr.abs _section_cstart, $3  }
0xc0: {  	[dreg:$0x1] =	wrdreg $0xFFFFFFFF  }
0xc1: {  	_ =	task.clear_ibuf [dreg:s6], $0x2FFFF;
	_ =	strace $0x9FFFFFFF  }
0xc2: {  	(tm) =	ssettm $0x7FFFFFFF  }
0xc3: {  	_ =	shalt  }
tec
execute0_lowered:
.L_overlay_start_1:
0x0: {  	(tag) =	ssettag $0x1  }
0x1: {  	s0 =	srdreg.scid;
	s1 =	rddreg [dreg:$0x0]  }
0x2: {  	s2 =	rddreg [dreg:$0x1];
	s9 =	stileid.u32  }
0x3: {  	s3 =	simm.s32 $0x0;
	s11 =	simm.s32 $0x3;
	s12 =	simm.s32 $0x500  }
0x4: {  	s13 =	simm.s32 $0x280;
	s14 =	simm.s32 $0x80;
	s15 =	simm.s32 $0x300  }
0x5: {  	s16 =	simm.s32 $0x100;
	s17 =	simm.s32 $0x380;
	s18 =	simm.s32 $0x180  }
0x6: {  	s19 =	simm.s32 $0x400;
	s20 =	simm.s32 $0x200;
	s6 =	smul.u32 $0x14000, s9  }
0x7: {  	s28 =	simm.s32 $0x5500;
	s29 =	simm.s32 $0x2;
	s7 =	smul.u32 $0x9C4, s9  }
0x8: {  	s30 =	simm.s32 $0x0;
	s0 =	sand.u32 $0x1, s0;
	s22 =	smul.u32 $0x50000, s9  }
0x9: {  	[smem:$0x7FF] =	sst s3;
	s23 =	sadd.s32 $0x16E00, s1;
	s4 =	smul.u32 $0x27100, s0  }
0xa: {  	s25 =	sshll.u32 s9, $0x6;
	s5 =	smul.u32 $0x140000, s0;
	_ =	strace $0x8000004D  }
0xb: {  	[dreg:$0x5] =	wrdreg s23;
	s0 =	ssub.s32 $0x2, s0;
	s23 =	simm.s32 $0x28  }
0xc: {  	s10 =	sadd.s32 s7, s1;
	s24 =	sshrl.u32 s0, $0x1;
	s8 =	sadd.s32 s4, s1  }
0xd: {  	s21 =	sadd.s32 s6, s5;
	s6 =	sshrl.u32 s22, $0x2;
	s0 =	ssub.s32 s0, s24  }
0xe: {  	s26 =	sadd.s32 $0xD000, s10;
	s31 =	sadd.s32 $0x3200, s10;
	s22 =	simm.s32 $0x1  }
0xf: {  	s24 =	simm.s32 $0x1900;
	s5 =	sshrl.u32 s21, $0x3;
	[dreg:$0x3] =	wrdreg s26  }
0x10: {  	s7 =	sadd.s32 $0x69600, s8;
	s9 =	smax.u32 s0, $0x1;
	[dreg:$0x4] =	wrdreg s31  }
0x11: {  	s21 =	simm.s32 $0x480;
	s26 =	simm.s32 $0x4100;
	s1 =	sadd.s32 s5, s1  }
0x12: {  	s5 =	sadd.s32 s6, s2;
	s6 =	sor.u32 $0x1C03, s25;
	s1 =	sadd.s32 $0xB7800, s1  }
0x13: {  	s25 =	simm.s32 $0x2D00;
	s10 =	sshrl.u32 s5, $0x3;
	[dreg:$0x6] =	wrdreg s1  }
.LBB2_1:
0x14: {  	s0 =	rddreg [dreg:$0x5]  }
0x15: {  	[spmem:s10], [sflag:s6] =	dma.local [hbm:s0], $0x2800  }
0x16: {  	_ =	swait.ge [sflag:s11], $0x2800  }
0x17: {  	[sflag:s11] =	ssyncset.done $0x0  }
0x18: {  	[sflag:s11] =	ssyncadd.s32 $0xFFFFD800  }
0x19: {  	[tilespmem:s12], [sflag:$0x3] =	stream.linear.gather [spmem:s5], $0x400, $0x38;
	[tilespmem:$0x1A900] =	vst v63  }
0x1a: {  	_ =	swait.ge [sflag:s11], $0x400  }
0x1b: {  	[sflag:s11] =	ssyncset.done $0x0  }
0x1c: {  	[sflag:s11] =	ssyncadd.s32 $0xFFFFFC00  }
0x1d: {  	[bflag:$0x0] =	sbarrier.arrive $0xFFFF  }
0x1e: {  	s4 =	rddreg [dreg:$0x4]  }
0x1f: {  	s1 =	rddreg [dreg:$0x3];
	s0 =	sadd.s32 $0x0, s4  }
0x20: {  	[tilespmem:s3], [sflag:$0x1] =	stream.linear.gather [hbm4b:s0+s3], $0x28, $0x38;
	[tilespmem:$0x1A900] =	vst v63  }
0x21: {  	s1 =	sadd.s32 $0x0, s1  }
0x22: {  	[tilespmem:s13], [sflag:$0x1] =	stream.linear.gather [hbm4b:s1+s3], $0x28, $0x38;
	[tilespmem:$0x1A900] =	vst v63  }
0x23: {  	s31 =	sadd.s32 $0x5, s0  }
0x24: {  	[tilespmem:s14], [sflag:$0x1] =	stream.linear.gather [hbm4b:s31+s3], $0x28, $0x38;
	[tilespmem:$0x1A900] =	vst v63  }
0x25: {  	s31 =	sadd.s32 $0x5, s1  }
0x26: {  	[tilespmem:s15], [sflag:$0x1] =	stream.linear.gather [hbm4b:s31+s3], $0x28, $0x38;
	[tilespmem:$0x1A900] =	vst v63  }
0x27: {  	s31 =	sadd.s32 $0xA, s0  }
0x28: {  	[tilespmem:s16], [sflag:$0x1] =	stream.linear.gather [hbm4b:s31+s3], $0x28, $0x38;
	[tilespmem:$0x1A900] =	vst v63  }
0x29: {  	s31 =	sadd.s32 $0xA, s1  }
0x2a: {  	[tilespmem:s17], [sflag:$0x1] =	stream.linear.gather [hbm4b:s31+s3], $0x28, $0x38;
	[tilespmem:$0x1A900] =	vst v63  }
0x2b: {  	s31 =	sadd.s32 $0xF, s0  }
0x2c: {  	[tilespmem:s18], [sflag:$0x1] =	stream.linear.gather [hbm4b:s31+s3], $0x28, $0x38;
	[tilespmem:$0x1A900] =	vst v63  }
0x2d: {  	s31 =	sadd.s32 $0xF, s1  }
0x2e: {  	[tilespmem:s19], [sflag:$0x1] =	stream.linear.gather [hbm4b:s31+s3], $0x28, $0x38;
	[tilespmem:$0x1A900] =	vst v63  }
0x2f: {  	s0 =	sadd.s32 $0x14, s0  }
0x30: {  	[tilespmem:s20], [sflag:$0x1] =	stream.linear.gather [hbm4b:s0+s3], $0x28, $0x38;
	[tilespmem:$0x1A900] =	vst v63  }
0x31: {  	s8 =	sadd.s32 $0x14, s1  }
0x32: {  	[tilespmem:s21], [sflag:$0x1] =	stream.linear.gather [hbm4b:s8+s3], $0x28, $0x38;
	[tilespmem:$0x1A900] =	vst v63  }
0x33: {  	_ =	swait.ge [sflag:s22], $0x28  }
0x34: {  	[sflag:s22] =	ssyncset.done $0x0  }
0x35: {  	[sflag:s22] =	ssyncadd.s32 $0xFFFFFFD8  }
0x36: {  	_ =	swait.ge [sflag:s22], $0x28  }
0x37: {  	[sflag:s22] =	ssyncset.done $0x0  }
0x38: {  	[sflag:s22] =	ssyncadd.s32 $0xFFFFFFD8  }
0x39: {  	_ =	swait.ge [sflag:s22], $0x28  }
0x3a: {  	[sflag:s22] =	ssyncset.done $0x0  }
0x3b: {  	[sflag:s22] =	ssyncadd.s32 $0xFFFFFFD8  }
0x3c: {  	_ =	swait.ge [sflag:s22], $0x28  }
0x3d: {  	[sflag:s22] =	ssyncset.done $0x0  }
0x3e: {  	[sflag:s22] =	ssyncadd.s32 $0xFFFFFFD8  }
0x3f: {  	_ =	swait.ge [sflag:s22], $0x28  }
0x40: {  	[sflag:s22] =	ssyncset.done $0x0  }
0x41: {  	[sflag:s22] =	ssyncadd.s32 $0xFFFFFFD8  }
0x42: {  	_ =	swait.ge [sflag:s22], $0x28  }
0x43: {  	[sflag:s22] =	ssyncset.done $0x0  }
0x44: {  	[sflag:s22] =	ssyncadd.s32 $0xFFFFFFD8  }
0x45: {  	_ =	swait.ge [sflag:s22], $0x28  }
0x46: {  	[sflag:s22] =	ssyncset.done $0x0  }
0x47: {  	[sflag:s22] =	ssyncadd.s32 $0xFFFFFFD8  }
0x48: {  	_ =	swait.ge [sflag:s22], $0x28  }
0x49: {  	[sflag:s22] =	ssyncset.done $0x0  }
0x4a: {  	[sflag:s22] =	ssyncadd.s32 $0xFFFFFFD8  }
0x4b: {  	_ =	swait.ge [sflag:s22], $0x28  }
0x4c: {  	[sflag:s22] =	ssyncset.done $0x0  }
0x4d: {  	[sflag:s22] =	ssyncadd.s32 $0xFFFFFFD8  }
0x4e: {  	_ =	swait.ge [sflag:s22], $0x28  }
0x4f: {  	[sflag:s22] =	ssyncset.done $0x0  }
0x50: {  	[sflag:s22] =	ssyncadd.s32 $0xFFFFFFD8  }
0x51: {  	[tilespmem:s12], [sflag:$0x2] =	stream.indirect.gather [hbm4b:s7+s23], $0x80, s3, s23, $0xb8;
	[tilespmem:$0x1A900] =	vst v63  }
0x52: {  	_ = 	snop  }
0x53: {  	[tilespmem:s24], [sflag:$0x2] =	stream.indirect.gather [hbm4b:s7+s23], $0x80, s14, s23, $0xb8;
	[tilespmem:$0x1A900] =	vst v63  }
0x54: {  	_ = 	snop  }
0x55: {  	[tilespmem:s25], [sflag:$0x2] =	stream.indirect.gather [hbm4b:s7+s23], $0x80, s16, s23, $0xb8;
	[tilespmem:$0x1A900] =	vst v63  }
0x56: {  	_ = 	snop  }
0x57: {  	[tilespmem:s26], [sflag:$0x2] =	stream.indirect.gather [hbm4b:s7+s23], $0x80, s18, s23, $0xb8;
	[tilespmem:$0x1A900] =	vst v63  }
0x58: {  	_ = 	snop  }
0x59: {  	[tilespmem:s28], [sflag:$0x2] =	stream.indirect.gather [hbm4b:s7+s23], $0x80, s20, s23, $0xb8;
	[tilespmem:$0x1A900] =	vst v63  }
0x5a: {  	_ =	swait.ge [sflag:s29], $0x1400  }
0x5b: {  	[sflag:s29] =	ssyncset.done $0x0  }
0x5c: {  	[sflag:s29] =	ssyncadd.s32 $0xFFFFEC00  }
0x5d: {  	_ =	swait.ge [sflag:s29], $0x1400  }
0x5e: {  	[sflag:s29] =	ssyncset.done $0x0  }
0x5f: {  	[sflag:s29] =	ssyncadd.s32 $0xFFFFEC00  }
0x60: {  	_ =	swait.ge [sflag:s29], $0x1400  }
0x61: {  	[sflag:s29] =	ssyncset.done $0x0  }
0x62: {  	[sflag:s29] =	ssyncadd.s32 $0xFFFFEC00  }
0x63: {  	_ =	swait.ge [sflag:s29], $0x1400  }
0x64: {  	[sflag:s29] =	ssyncset.done $0x0  }
0x65: {  	[sflag:s29] =	ssyncadd.s32 $0xFFFFEC00  }
0x66: {  	_ =	swait.ge [sflag:s29], $0x1400  }
0x67: {  	[sflag:s29] =	ssyncset.done $0x0  }
0x68: {  	[sflag:s29] =	ssyncadd.s32 $0xFFFFEC00  }
0x69: {  	[spmem:s2] =	stream.indirect.scatter.add.f32 [tilespmem:s12], [sflag:$0x3], $0x80, s13, s23, $0xb8;
	[tilespmem:$0x1A900] =	vst v63  }
0x6a: {  	_ =	swait.ge [sflag:s11], $0x1400  }
0x6b: {  	[sflag:s11] =	ssyncset.done $0x0  }
0x6c: {  	[sflag:s11] =	ssyncadd.s32 $0xFFFFEC00  }
0x6d: {  	[spmem:s2] =	stream.indirect.scatter.add.f32 [tilespmem:s24], [sflag:$0x3], $0x80, s15, s23, $0xb8;
	[tilespmem:$0x1A900] =	vst v63  }
0x6e: {  	_ =	swait.ge [sflag:s11], $0x1400  }
0x6f: {  	[sflag:s11] =	ssyncset.done $0x0  }
0x70: {  	[sflag:s11] =	ssyncadd.s32 $0xFFFFEC00  }
0x71: {  	[spmem:s2] =	stream.indirect.scatter.add.f32 [tilespmem:s25], [sflag:$0x3], $0x80, s17, s23, $0xb8;
	[tilespmem:$0x1A900] =	vst v63  }
0x72: {  	_ =	swait.ge [sflag:s11], $0x1400  }
0x73: {  	[sflag:s11] =	ssyncset.done $0x0  }
0x74: {  	[sflag:s11] =	ssyncadd.s32 $0xFFFFEC00  }
0x75: {  	[spmem:s2] =	stream.indirect.scatter.add.f32 [tilespmem:s26], [sflag:$0x3], $0x80, s19, s23, $0xb8;
	[tilespmem:$0x1A900] =	vst v63  }
0x76: {  	_ =	swait.ge [sflag:s11], $0x1400  }
0x77: {  	[sflag:s11] =	ssyncset.done $0x0  }
0x78: {  	[sflag:s11] =	ssyncadd.s32 $0xFFFFEC00  }
0x79: {  	[spmem:s2] =	stream.indirect.scatter.add.f32 [tilespmem:s28], [sflag:$0x3], $0x80, s21, s23, $0xb8;
	[tilespmem:$0x1A900] =	vst v63  }
0x7a: {  	s31 =	simm.s32 $0x19;
	_ =	swait.ge [sflag:s11], $0x1400  }
0x7b: {  	s0 =	simm.s32 $0x32;
	s1 =	rddreg [dreg:$0x4];
	[sflag:s11] =	ssyncset.done $0x0  }
.LBB2_2:
0x7c: {  	[sflag:s11] =	ssyncadd.s32 $0xFFFFEC00;
	s8 =	rddreg [dreg:$0x3];
	s1 =	sadd.s32 s31, s1  }
0x7d: {  	[tilespmem:s3], [sflag:$0x1] =	stream.linear.gather [hbm4b:s1+s3], $0x28, $0x38;
	[tilespmem:$0x1A900] =	vst v63  }
0x7e: {  	s4 =	smov.u32 s0;
	s8 =	sadd.s32 s31, s8  }
0x7f: {  	[tilespmem:s13], [sflag:$0x1] =	stream.linear.gather [hbm4b:s8+s3], $0x28, $0x38;
	[tilespmem:$0x1A900] =	vst v63  }
0x80: {  	s31 =	smov.u32 s4;
	s4 =	sadd.s32 $0x5, s1  }
0x81: {  	[tilespmem:s14], [sflag:$0x1] =	stream.linear.gather [hbm4b:s4+s3], $0x28, $0x38;
	[tilespmem:$0x1A900] =	vst v63  }
0x82: {  	s4 =	sadd.s32 $0x5, s8  }
0x83: {  	[tilespmem:s15], [sflag:$0x1] =	stream.linear.gather [hbm4b:s4+s3], $0x28, $0x38;
	[tilespmem:$0x1A900] =	vst v63  }
0x84: {  	s4 =	sadd.s32 $0xA, s1  }
0x85: {  	[tilespmem:s16], [sflag:$0x1] =	stream.linear.gather [hbm4b:s4+s3], $0x28, $0x38;
	[tilespmem:$0x1A900] =	vst v63  }
0x86: {  	s4 =	sadd.s32 $0xA, s8  }
0x87: {  	[tilespmem:s17], [sflag:$0x1] =	stream.linear.gather [hbm4b:s4+s3], $0x28, $0x38;
	[tilespmem:$0x1A900] =	vst v63  }
0x88: {  	s4 =	sadd.s32 $0xF, s1  }
0x89: {  	[tilespmem:s18], [sflag:$0x1] =	stream.linear.gather [hbm4b:s4+s3], $0x28, $0x38;
	[tilespmem:$0x1A900] =	vst v63  }
0x8a: {  	s4 =	sadd.s32 $0xF, s8  }
0x8b: {  	[tilespmem:s19], [sflag:$0x1] =	stream.linear.gather [hbm4b:s4+s3], $0x28, $0x38;
	[tilespmem:$0x1A900] =	vst v63  }
0x8c: {  	s1 =	sadd.s32 $0x14, s1  }
0x8d: {  	[tilespmem:s20], [sflag:$0x1] =	stream.linear.gather [hbm4b:s1+s3], $0x28, $0x38;
	[tilespmem:$0x1A900] =	vst v63  }
0x8e: {  	s8 =	sadd.s32 $0x14, s8  }
0x8f: {  	[tilespmem:s21], [sflag:$0x1] =	stream.linear.gather [hbm4b:s8+s3], $0x28, $0x38;
	[tilespmem:$0x1A900] =	vst v63  }
0x90: {  	_ =	swait.ge [sflag:s22], $0x28  }
0x91: {  	[sflag:s22] =	ssyncset.done $0x0  }
0x92: {  	[sflag:s22] =	ssyncadd.s32 $0xFFFFFFD8  }
0x93: {  	_ =	swait.ge [sflag:s22], $0x28  }
0x94: {  	[sflag:s22] =	ssyncset.done $0x0  }
0x95: {  	[sflag:s22] =	ssyncadd.s32 $0xFFFFFFD8  }
0x96: {  	_ =	swait.ge [sflag:s22], $0x28  }
0x97: {  	[sflag:s22] =	ssyncset.done $0x0  }
0x98: {  	[sflag:s22] =	ssyncadd.s32 $0xFFFFFFD8  }
0x99: {  	_ =	swait.ge [sflag:s22], $0x28  }
0x9a: {  	[sflag:s22] =	ssyncset.done $0x0  }
0x9b: {  	[sflag:s22] =	ssyncadd.s32 $0xFFFFFFD8  }
0x9c: {  	_ =	swait.ge [sflag:s22], $0x28  }
0x9d: {  	[sflag:s22] =	ssyncset.done $0x0  }
0x9e: {  	[sflag:s22] =	ssyncadd.s32 $0xFFFFFFD8  }
0x9f: {  	_ =	swait.ge [sflag:s22], $0x28  }
0xa0: {  	[sflag:s22] =	ssyncset.done $0x0  }
0xa1: {  	[sflag:s22] =	ssyncadd.s32 $0xFFFFFFD8  }
0xa2: {  	_ =	swait.ge [sflag:s22], $0x28  }
0xa3: {  	[sflag:s22] =	ssyncset.done $0x0  }
0xa4: {  	[sflag:s22] =	ssyncadd.s32 $0xFFFFFFD8  }
0xa5: {  	_ =	swait.ge [sflag:s22], $0x28  }
0xa6: {  	[sflag:s22] =	ssyncset.done $0x0  }
0xa7: {  	[sflag:s22] =	ssyncadd.s32 $0xFFFFFFD8  }
0xa8: {  	_ =	swait.ge [sflag:s22], $0x28  }
0xa9: {  	[sflag:s22] =	ssyncset.done $0x0  }
0xaa: {  	[sflag:s22] =	ssyncadd.s32 $0xFFFFFFD8  }
0xab: {  	_ =	swait.ge [sflag:s22], $0x28  }
0xac: {  	[sflag:s22] =	ssyncset.done $0x0  }
0xad: {  	[sflag:s22] =	ssyncadd.s32 $0xFFFFFFD8  }
0xae: {  	[tilespmem:s12], [sflag:$0x2] =	stream.indirect.gather [hbm4b:s7+s23], $0x80, s3, s23, $0xb8;
	[tilespmem:$0x1A900] =	vst v63  }
0xaf: {  	_ = 	snop  }
0xb0: {  	[tilespmem:s24], [sflag:$0x2] =	stream.indirect.gather [hbm4b:s7+s23], $0x80, s14, s23, $0xb8;
	[tilespmem:$0x1A900] =	vst v63  }
0xb1: {  	_ = 	snop  }
0xb2: {  	[tilespmem:s25], [sflag:$0x2] =	stream.indirect.gather [hbm4b:s7+s23], $0x80, s16, s23, $0xb8;
	[tilespmem:$0x1A900] =	vst v63  }
0xb3: {  	_ = 	snop  }
0xb4: {  	[tilespmem:s26], [sflag:$0x2] =	stream.indirect.gather [hbm4b:s7+s23], $0x80, s18, s23, $0xb8;
	[tilespmem:$0x1A900] =	vst v63  }
0xb5: {  	_ = 	snop  }
0xb6: {  	[tilespmem:s28], [sflag:$0x2] =	stream.indirect.gather [hbm4b:s7+s23], $0x80, s20, s23, $0xb8;
	[tilespmem:$0x1A900] =	vst v63  }
0xb7: {  	_ =	swait.ge [sflag:s29], $0x1400  }
0xb8: {  	[sflag:s29] =	ssyncset.done $0x0  }
0xb9: {  	[sflag:s29] =	ssyncadd.s32 $0xFFFFEC00  }
0xba: {  	_ =	swait.ge [sflag:s29], $0x1400  }
0xbb: {  	[sflag:s29] =	ssyncset.done $0x0  }
0xbc: {  	[sflag:s29] =	ssyncadd.s32 $0xFFFFEC00  }
0xbd: {  	_ =	swait.ge [sflag:s29], $0x1400  }
0xbe: {  	[sflag:s29] =	ssyncset.done $0x0  }
0xbf: {  	[sflag:s29] =	ssyncadd.s32 $0xFFFFEC00  }
0xc0: {  	_ =	swait.ge [sflag:s29], $0x1400  }
0xc1: {  	[sflag:s29] =	ssyncset.done $0x0  }
0xc2: {  	[sflag:s29] =	ssyncadd.s32 $0xFFFFEC00  }
0xc3: {  	_ =	swait.ge [sflag:s29], $0x1400  }
0xc4: {  	[sflag:s29] =	ssyncset.done $0x0  }
0xc5: {  	[sflag:s29] =	ssyncadd.s32 $0xFFFFEC00  }
0xc6: {  	[spmem:s2] =	stream.indirect.scatter.add.f32 [tilespmem:s12], [sflag:$0x3], $0x80, s13, s23, $0xb8;
	[tilespmem:$0x1A900] =	vst v63  }
0xc7: {  	_ =	swait.ge [sflag:s11], $0x1400  }
0xc8: {  	[sflag:s11] =	ssyncset.done $0x0  }
0xc9: {  	[sflag:s11] =	ssyncadd.s32 $0xFFFFEC00  }
0xca: {  	[spmem:s2] =	stream.indirect.scatter.add.f32 [tilespmem:s24], [sflag:$0x3], $0x80, s15, s23, $0xb8;
	[tilespmem:$0x1A900] =	vst v63  }
0xcb: {  	_ =	swait.ge [sflag:s11], $0x1400  }
0xcc: {  	[sflag:s11] =	ssyncset.done $0x0  }
0xcd: {  	[sflag:s11] =	ssyncadd.s32 $0xFFFFEC00  }
0xce: {  	[spmem:s2] =	stream.indirect.scatter.add.f32 [tilespmem:s25], [sflag:$0x3], $0x80, s17, s23, $0xb8;
	[tilespmem:$0x1A900] =	vst v63  }
0xcf: {  	_ =	swait.ge [sflag:s11], $0x1400  }
0xd0: {  	[sflag:s11] =	ssyncset.done $0x0  }
0xd1: {  	[sflag:s11] =	ssyncadd.s32 $0xFFFFEC00  }
0xd2: {  	[spmem:s2] =	stream.indirect.scatter.add.f32 [tilespmem:s26], [sflag:$0x3], $0x80, s19, s23, $0xb8;
	[tilespmem:$0x1A900] =	vst v63  }
0xd3: {  	p0 =	sne.s32 s0, $0x9AB;
	_ =	swait.ge [sflag:s11], $0x1400  }
.Ltmp0:
0xd4: {  	[sflag:s11] =	ssyncset.done $0x0;
	(pc) =	sbr.rel @p0 .LBB2_2-.Ltmp0, $4  }
0xd5: {  	[sflag:s11] =	ssyncadd.s32 $0xFFFFEC00  }
0xd6: {  	[spmem:s2] =	stream.indirect.scatter.add.f32 [tilespmem:s28], [sflag:$0x3], $0x80, s21, s23, $0xb8;
	[tilespmem:$0x1A900] =	vst v63  }
0xd7: {  	_ =	swait.ge [sflag:s11], $0x1400  }
0xd8: {  	s0 =	sadd.s32 $0x19, s0;
	s1 =	rddreg [dreg:$0x4];
	[sflag:s11] =	ssyncset.done $0x0  }
0xd9: {  	s0 =	rddreg [dreg:$0x3];
	[sflag:s11] =	ssyncadd.s32 $0xFFFFEC00;
	s1 =	sadd.s32 s31, s1  }
0xda: {  	[tilespmem:s3], [sflag:$0x1] =	stream.linear.gather [hbm4b:s1+s3], $0x28, $0x38;
	[tilespmem:$0x1A900] =	vst v63  }
0xdb: {  	s0 =	sadd.s32 s31, s0  }
0xdc: {  	[tilespmem:s13], [sflag:$0x1] =	stream.linear.gather [hbm4b:s0+s3], $0x28, $0x38;
	[tilespmem:$0x1A900] =	vst v63  }
0xdd: {  	s4 =	sadd.s32 $0x5, s1  }
0xde: {  	[tilespmem:s14], [sflag:$0x1] =	stream.linear.gather [hbm4b:s4+s3], $0x28, $0x38;
	[tilespmem:$0x1A900] =	vst v63  }
0xdf: {  	s8 =	sadd.s32 $0x5, s0  }
0xe0: {  	[tilespmem:s15], [sflag:$0x1] =	stream.linear.gather [hbm4b:s8+s3], $0x28, $0x38;
	[tilespmem:$0x1A900] =	vst v63  }
0xe1: {  	s31 =	sadd.s32 $0xA, s1  }
0xe2: {  	[tilespmem:s16], [sflag:$0x1] =	stream.linear.gather [hbm4b:s31+s3], $0x28, $0x38;
	[tilespmem:$0x1A900] =	vst v63  }
0xe3: {  	s8 =	sadd.s32 $0xA, s0  }
0xe4: {  	[tilespmem:s17], [sflag:$0x1] =	stream.linear.gather [hbm4b:s8+s3], $0x28, $0x38;
	[tilespmem:$0x1A900] =	vst v63  }
0xe5: {  	s31 =	sadd.s32 $0xF, s1  }
0xe6: {  	[tilespmem:s18], [sflag:$0x1] =	stream.linear.gather [hbm4b:s31+s3], $0x28, $0x38;
	[tilespmem:$0x1A900] =	vst v63  }
0xe7: {  	s8 =	sadd.s32 $0xF, s0  }
0xe8: {  	[tilespmem:s19], [sflag:$0x1] =	stream.linear.gather [hbm4b:s8+s3], $0x28, $0x38;
	[tilespmem:$0x1A900] =	vst v63  }
0xe9: {  	s1 =	sadd.s32 $0x14, s1  }
0xea: {  	[tilespmem:s20], [sflag:$0x1] =	stream.linear.gather [hbm4b:s1+s3], $0x28, $0x38;
	[tilespmem:$0x1A900] =	vst v63  }
0xeb: {  	s0 =	sadd.s32 $0x14, s0  }
0xec: {  	[tilespmem:s21], [sflag:$0x1] =	stream.linear.gather [hbm4b:s0+s3], $0x28, $0x38;
	[tilespmem:$0x1A900] =	vst v63  }
0xed: {  	_ =	swait.ge [sflag:s22], $0x28  }
0xee: {  	[sflag:s22] =	ssyncset.done $0x0  }
0xef: {  	[sflag:s22] =	ssyncadd.s32 $0xFFFFFFD8  }
0xf0: {  	_ =	swait.ge [sflag:s22], $0x28  }
0xf1: {  	[sflag:s22] =	ssyncset.done $0x0  }
0xf2: {  	[sflag:s22] =	ssyncadd.s32 $0xFFFFFFD8  }
0xf3: {  	_ =	swait.ge [sflag:s22], $0x28  }
0xf4: {  	[sflag:s22] =	ssyncset.done $0x0  }
0xf5: {  	[sflag:s22] =	ssyncadd.s32 $0xFFFFFFD8  }
0xf6: {  	_ =	swait.ge [sflag:s22], $0x28  }
0xf7: {  	[sflag:s22] =	ssyncset.done $0x0  }
0xf8: {  	[sflag:s22] =	ssyncadd.s32 $0xFFFFFFD8  }
0xf9: {  	_ =	swait.ge [sflag:s22], $0x28  }
0xfa: {  	[sflag:s22] =	ssyncset.done $0x0  }
0xfb: {  	[sflag:s22] =	ssyncadd.s32 $0xFFFFFFD8  }
0xfc: {  	_ =	swait.ge [sflag:s22], $0x28  }
0xfd: {  	[sflag:s22] =	ssyncset.done $0x0  }
0xfe: {  	[sflag:s22] =	ssyncadd.s32 $0xFFFFFFD8  }
0xff: {  	_ =	swait.ge [sflag:s22], $0x28  }
0x100: {  	[sflag:s22] =	ssyncset.done $0x0  }
0x101: {  	[sflag:s22] =	ssyncadd.s32 $0xFFFFFFD8  }
0x102: {  	_ =	swait.ge [sflag:s22], $0x28  }
0x103: {  	[sflag:s22] =	ssyncset.done $0x0  }
0x104: {  	[sflag:s22] =	ssyncadd.s32 $0xFFFFFFD8  }
0x105: {  	_ =	swait.ge [sflag:s22], $0x28  }
0x106: {  	[sflag:s22] =	ssyncset.done $0x0  }
0x107: {  	[sflag:s22] =	ssyncadd.s32 $0xFFFFFFD8  }
0x108: {  	_ =	swait.ge [sflag:s22], $0x28  }
0x109: {  	[sflag:s22] =	ssyncset.done $0x0  }
0x10a: {  	[sflag:s22] =	ssyncadd.s32 $0xFFFFFFD8  }
0x10b: {  	[tilespmem:s12], [sflag:$0x2] =	stream.indirect.gather [hbm4b:s7+s23], $0x80, s3, s23, $0xb8;
	[tilespmem:$0x1A900] =	vst v63  }
0x10c: {  	_ = 	snop  }
0x10d: {  	[tilespmem:s24], [sflag:$0x2] =	stream.indirect.gather [hbm4b:s7+s23], $0x80, s14, s23, $0xb8;
	[tilespmem:$0x1A900] =	vst v63  }
0x10e: {  	_ = 	snop  }
0x10f: {  	[tilespmem:s25], [sflag:$0x2] =	stream.indirect.gather [hbm4b:s7+s23], $0x80, s16, s23, $0xb8;
	[tilespmem:$0x1A900] =	vst v63  }
0x110: {  	_ = 	snop  }
0x111: {  	[tilespmem:s26], [sflag:$0x2] =	stream.indirect.gather [hbm4b:s7+s23], $0x80, s18, s23, $0xb8;
	[tilespmem:$0x1A900] =	vst v63  }
0x112: {  	_ = 	snop  }
0x113: {  	[tilespmem:s28], [sflag:$0x2] =	stream.indirect.gather [hbm4b:s7+s23], $0x80, s20, s23, $0xb8;
	[tilespmem:$0x1A900] =	vst v63  }
0x114: {  	_ =	swait.ge [sflag:s29], $0x1400  }
0x115: {  	[sflag:s29] =	ssyncset.done $0x0  }
0x116: {  	[sflag:s29] =	ssyncadd.s32 $0xFFFFEC00  }
0x117: {  	_ =	swait.ge [sflag:s29], $0x1400  }
0x118: {  	[sflag:s29] =	ssyncset.done $0x0  }
0x119: {  	[sflag:s29] =	ssyncadd.s32 $0xFFFFEC00  }
0x11a: {  	_ =	swait.ge [sflag:s29], $0x1400  }
0x11b: {  	[sflag:s29] =	ssyncset.done $0x0  }
0x11c: {  	[sflag:s29] =	ssyncadd.s32 $0xFFFFEC00  }
0x11d: {  	_ =	swait.ge [sflag:s29], $0x1400  }
0x11e: {  	[sflag:s29] =	ssyncset.done $0x0  }
0x11f: {  	[sflag:s29] =	ssyncadd.s32 $0xFFFFEC00  }
0x120: {  	_ =	swait.ge [sflag:s29], $0x1400  }
0x121: {  	[sflag:s29] =	ssyncset.done $0x0  }
0x122: {  	[sflag:s29] =	ssyncadd.s32 $0xFFFFEC00  }
0x123: {  	[spmem:s2] =	stream.indirect.scatter.add.f32 [tilespmem:s12], [sflag:$0x3], $0x80, s13, s23, $0xb8;
	[tilespmem:$0x1A900] =	vst v63  }
0x124: {  	_ =	swait.ge [sflag:s11], $0x1400  }
0x125: {  	[sflag:s11] =	ssyncset.done $0x0  }
0x126: {  	[sflag:s11] =	ssyncadd.s32 $0xFFFFEC00  }
0x127: {  	[spmem:s2] =	stream.indirect.scatter.add.f32 [tilespmem:s24], [sflag:$0x3], $0x80, s15, s23, $0xb8;
	[tilespmem:$0x1A900] =	vst v63  }
0x128: {  	_ =	swait.ge [sflag:s11], $0x1400  }
0x129: {  	[sflag:s11] =	ssyncset.done $0x0  }
0x12a: {  	[sflag:s11] =	ssyncadd.s32 $0xFFFFEC00  }
0x12b: {  	[spmem:s2] =	stream.indirect.scatter.add.f32 [tilespmem:s25], [sflag:$0x3], $0x80, s17, s23, $0xb8;
	[tilespmem:$0x1A900] =	vst v63  }
0x12c: {  	_ =	swait.ge [sflag:s11], $0x1400  }
0x12d: {  	[sflag:s11] =	ssyncset.done $0x0  }
0x12e: {  	[sflag:s11] =	ssyncadd.s32 $0xFFFFEC00  }
0x12f: {  	[spmem:s2] =	stream.indirect.scatter.add.f32 [tilespmem:s26], [sflag:$0x3], $0x80, s19, s23, $0xb8;
	[tilespmem:$0x1A900] =	vst v63  }
0x130: {  	_ =	swait.ge [sflag:s11], $0x1400  }
0x131: {  	[sflag:s11] =	ssyncset.done $0x0  }
0x132: {  	[sflag:s11] =	ssyncadd.s32 $0xFFFFEC00  }
0x133: {  	[spmem:s2] =	stream.indirect.scatter.add.f32 [tilespmem:s28], [sflag:$0x3], $0x80, s21, s23, $0xb8;
	[tilespmem:$0x1A900] =	vst v63  }
0x134: {  	_ =	swait.ge [sflag:s11], $0x1400  }
0x135: {  	[sflag:s11] =	ssyncset.done $0x0  }
0x136: {  	[sflag:s11] =	ssyncadd.s32 $0xFFFFEC00  }
0x137: {  	[tilespmem:s12], [sflag:$0x3] =	stream.linear.gather [spmem:s5], $0x400, $0x38;
	[tilespmem:$0x1A900] =	vst v63  }
0x138: {  	_ =	swait.ge [sflag:s11], $0x400  }
0x139: {  	[sflag:s11] =	ssyncset.done $0x0  }
0x13a: {  	[sflag:s11] =	ssyncadd.s32 $0xFFFFFC00  }
0x13b: {  	s30 =	sadd.s32 $0x1, s30;
	[bflag:$0x0] =	sbarrier.arrive $0xFFFF  }
0x13c: {  	p0 =	sne.s32 s30, s9;
	[bflag:$0x0] =	sbarrier.arrive $0xFFFF  }
.Ltmp1:
0x13d: {  	s31 =	rddreg [dreg:$0x6];
	(pc) =	sbr.rel @p0 .LBB2_1-.Ltmp1, $4  }
0x13e: {  	[hbm:s31], [sflag:s6] =	dma.local [spmem:s10], $0x2800  }
0x13f: {  	_ =	swait.ge [sflag:s11], $0x2800  }
0x140: {  	[sflag:s11] =	ssyncset.done $0x0  }
0x141: {  	[sflag:s11] =	ssyncadd.s32 $0xFFFFD800  }
0x142: {  	_ =	sfence.sel $0x180000  }
0x143: {  	[bflag:$0x0] =	sbarrier.arrive $0xFFFF  }
0x144: {  	_ =	strace $0x9000004D  }
0x145: {  	s0 =	stileid.u32;
	[bflag:$0x2] =	sbarrier.arrive $0xFFFF  }
0x146: {  	p0 =	sne.s32 s0, $0x0;
	s0 =	rddreg [dreg:$0x2]  }
0x147: {  	s0 =	sadd.s32 @!p0 $0x100000, s0  }
0x148: {  	[sflag:s0] =	ssyncadd.tile.s32 @!p0 $0x1;
	_ =	shalt  }
.Lfunc_end2:
_tile_overlayer_lowered:
.L_overlay_start_2:
0x149: {  	(tag) =	ssettag $0x2  }
0x14a: {  	s0 =	rddreg [dreg:$0x0];
	s2 =	stileid.u32  }
0x14b: {  	s1 =	rddreg [dreg:$0x1];
	p0 =	sne.s32 s2, $0x0  }
0x14c: {  	s3 =	rddreg [dreg:$0x2];
	[bflag:$0x3] =	sbarrier.arrive $0xFFFF;
	s2 =	simm.s32 @!p0 $0x1C03  }
0x14d: {  	[timem:s3], [sflag:s2] =	dma.local @!p0 [hbm:s0], s1  }
0x14e: {  	s0 =	simm.s32 @!p0 $0x3  }
0x14f: {  	_ =	swait.ge @!p0 [sflag:s0], s1  }
0x150: {  	s1 =	ssub.s32 @!p0 $0x0, s1;
	[sflag:s0] =	ssyncset.done @!p0 $0x0  }
0x151: {  	[sflag:s0] =	ssyncadd.s32 @!p0 s1  }
0x152: {  	[bflag:$0x3] =	sbarrier.arrive $0xFFFF  }
0x153: {  	_ =	shalt  }

// kernel: kernel.20.cloned.1.call-start
scs
__scs_entry_jumppad:
0x0: {  	(pc) =	sbr.rel $0x88, $3  }
0x1: {  	(tag) =	ssettag $0x0;
	lr =	simm.s32 $0x1  }
0x2: {  	[smem:$0x3F96] =	sst lr;
	_ =	strace $0xD0000000  }
0x3: {  	_ = 	snop  }
0x4: {  	_ = 	snop  }
0x5: {  	_ = 	snop  }
0x6: {  	_ = 	snop  }
0x7: {  	_ = 	snop  }
__scs_overlays_trampoline_lowered:
0x8: {  	[smem:$0x3FA5] =	sst s0  }
0x9: {  	[smem:$0x3FA6] =	sst s1  }
0xa: {  	[smem:$0x3FA7] =	sst s2  }
0xb: {  	[smem:$0x3FA8] =	sst s3  }
0xc: {  	[smem:$0x3FA9] =	sst s4  }
0xd: {  	[smem:$0x3FAA] =	sst s5  }
0xe: {  	[smem:$0x3FAB] =	sst s6  }
0xf: {  	[smem:$0x3FAC] =	sst s7  }
0x10: {  	[smem:$0x3FAD] =	sst s8  }
0x11: {  	[smem:$0x3FAE] =	sst s9;
	s0 =	simm.s32 @!p0 $0x0  }
0x12: {  	s1 =	sld [smem:$0x3F94];
	s0 =	simm.s32 @p0 $0x1  }
0x13: {  	[smem:$0x3FAF] =	sst s0;
	s0 =	simm.s32 @!p1 $0x0  }
0x14: {  	s2 =	sld [smem:$0x3F93];
	s0 =	simm.s32 @p1 $0x1  }
0x15: {  	[smem:$0x3FB0] =	sst s0;
	s0 =	simm.s32 @!p2 $0x0  }
0x16: {  	s3 =	sld [smem:$0x3FDB];
	s0 =	simm.s32 @p2 $0x1  }
0x17: {  	s4 =	simm.s32 $0x1BF5;
	[smem:$0x3FB2] =	sst s0  }
0x18: {  	s0 =	sld [smem:$0x3F95];
	_ =	swait.ge [sflag:s4], $0x0  }
0x19: {  	s7 =	sld [smem:$0x3F96]  }
0x1a: {  	s8 =	sadd.s32 $0xFFFFE003, lr  }
0x1b: {  	s9 =	sadd.s32 $0xFFFFFEF7, lr;
	s5 =	simm.s32 $0xFFFFFFFF;
	p2 =	slt.u32 s8, $0xFFFFF086  }
0x1c: {  	p1 =	slt.u32 s9, $0xF7A;
	s5 =	simm.s32 @!p2 $0x0  }
0x1d: {  	s5 =	simm.s32 @p1 $0x1;
	p0 =	seq.s32 s7, s2  }
0x1e: {  	s7 =	smul.u32 @!p0 $0xF7A, s2;
	p2 =	seq.s32 @!p0 s5, $0x0  }
0x1f: {  	s9 =	smul.u32 $0xF7A, s1;
	s8 =	simm.s32 @!p0 $0x1BF5;
	p2 =	por !p2, p0  }
0x20: {  	[sflag:s8] =	ssyncset.s32 @!p0 $0xFFFFF086;
	s6 =	sadd.s32 @!p0 s3, s7;
	s7 =	simm.s32 @!p0 $0x108  }
0x21: {  	s3 =	sadd.s32 s3, s9;
	s6 =	sadd.s32 @!p0 $0x88, s6;
	s7 =	simm.s32 @p2 $0x1082  }
0x22: {  	[simem:s7], [sflag:s8] =	dma.local @!p0 [hbm:s6], $0xF7A  }
0x23: {  	s9 =	sor.u32 $0xD0000000, s2;
	s6 =	simm.s32 $0x108;
	_ =	swait.ge @!p0 [sflag:s8], $0x0  }
0x24: {  	s3 =	sadd.s32 $0x88, s3;
	s6 =	simm.s32 @!p1 $0x1082;
	[sflag:s4] =	ssyncset.s32 $0xFFFFF086  }
0x25: {  	[simem:s6], [sflag:s4] =	dma.local [hbm:s3], $0xF7A  }
0x26: {  	[smem:$0x3F96] =	sst s1;
	(tag) =	ssettag s2;
	_ =	strace s9  }
0x27: {  	s1 =	sld [smem:$0x3FA6]  }
0x28: {  	s2 =	sld [smem:$0x3FA7]  }
0x29: {  	s4 =	sld [smem:$0x3FA9]  }
0x2a: {  	p0 =	seq.s32 s5, $0x0;
	s5 =	sld [smem:$0x3FAA]  }
0x2b: {  	s6 =	sld [smem:$0x3FAB]  }
0x2c: {  	s7 =	sld [smem:$0x3FAC]  }
0x2d: {  	s3 =	simm.s32 $0x108;
	s8 =	sld [smem:$0x3FAD]  }
0x2e: {  	s3 =	simm.s32 @!p0 $0x1082;
	s9 =	sld [smem:$0x3FAE]  }
0x2f: {  	lr =	sadd.s32 s0, s3;
	s0 =	sld [smem:$0x3FA5]  }
0x30: {  	s3 =	sld [smem:$0x3FA8]  }
0x31: {  	[smem:$0x3FB1] =	sst s10  }
0x32: {  	s10 =	sld [smem:$0x3FAF];
	_ =	sdelay $0x3  }
0x33: {  	p0 =	seq.s32 s10, $0x1;
	s10 =	sld [smem:$0x3FB1];
	_ =	sdelay $0x3  }
0x34: {  	[smem:$0x3FB1] =	sst s10  }
0x35: {  	s10 =	sld [smem:$0x3FB0];
	_ =	sdelay $0x3  }
0x36: {  	p1 =	seq.s32 s10, $0x1;
	s10 =	sld [smem:$0x3FB1];
	_ =	sdelay $0x3  }
0x37: {  	[smem:$0x3FB1] =	sst s10  }
0x38: {  	s10 =	sld [smem:$0x3FB2]  }
0x39: {  	_ = 	snop;
	(pc) =	sbr.ind lr, $3  }
0x3a: {  	_ = 	snop  }
0x3b: {  	_ = 	snop  }
0x3c: {  	p2 =	seq.s32 s10, $0x1;
	s10 =	sld [smem:$0x3FB1]  }
0x3d: {  	_ =	shalt  }
0x3e: {  	_ =	shalt  }
0x3f: {  	_ =	shalt  }
0x40: {  	_ =	shalt  }
0x41: {  	_ =	shalt  }
0x42: {  	_ =	shalt  }
0x43: {  	_ =	shalt  }
0x44: {  	_ =	shalt  }
0x45: {  	_ =	shalt  }
0x46: {  	_ =	shalt  }
0x47: {  	_ =	shalt  }
0x48: {  	_ =	shalt  }
0x49: {  	_ =	shalt  }
0x4a: {  	_ =	shalt  }
0x4b: {  	_ =	shalt  }
0x4c: {  	_ =	shalt  }
0x4d: {  	_ =	shalt  }
0x4e: {  	_ =	shalt  }
0x4f: {  	_ =	shalt  }
0x50: {  	_ =	shalt  }
0x51: {  	_ =	shalt  }
0x52: {  	_ =	shalt  }
0x53: {  	_ =	shalt  }
0x54: {  	_ =	shalt  }
0x55: {  	_ =	shalt  }
0x56: {  	_ =	shalt  }
0x57: {  	_ =	shalt  }
0x58: {  	_ =	shalt  }
0x59: {  	_ =	shalt  }
0x5a: {  	_ =	shalt  }
0x5b: {  	_ =	shalt  }
0x5c: {  	_ =	shalt  }
0x5d: {  	_ =	shalt  }
0x5e: {  	_ =	shalt  }
0x5f: {  	_ =	shalt  }
0x60: {  	_ =	shalt  }
0x61: {  	_ =	shalt  }
0x62: {  	_ =	shalt  }
0x63: {  	_ =	shalt  }
0x64: {  	_ =	shalt  }
0x65: {  	_ =	shalt  }
0x66: {  	_ =	shalt  }
0x67: {  	_ =	shalt  }
0x68: {  	_ =	shalt  }
0x69: {  	_ =	shalt  }
0x6a: {  	_ =	shalt  }
0x6b: {  	_ =	shalt  }
0x6c: {  	_ =	shalt  }
0x6d: {  	_ =	shalt  }
0x6e: {  	_ =	shalt  }
0x6f: {  	_ =	shalt  }
0x70: {  	_ =	shalt  }
0x71: {  	_ =	shalt  }
0x72: {  	_ =	shalt  }
0x73: {  	_ =	shalt  }
0x74: {  	_ =	shalt  }
0x75: {  	_ =	shalt  }
0x76: {  	_ =	shalt  }
0x77: {  	_ =	shalt  }
0x78: {  	_ =	shalt  }
0x79: {  	_ =	shalt  }
0x7a: {  	_ =	shalt  }
0x7b: {  	_ =	shalt  }
0x7c: {  	_ =	shalt  }
0x7d: {  	_ =	shalt  }
0x7e: {  	_ =	shalt  }
0x7f: {  	_ =	shalt  }
0x80: {  	_ =	shalt  }
0x81: {  	_ =	shalt  }
0x82: {  	_ =	shalt  }
0x83: {  	_ =	shalt  }
0x84: {  	_ =	shalt  }
0x85: {  	_ =	shalt  }
0x86: {  	_ =	shalt  }
0x87: {  	_ =	shalt  }
.Lfunc_end0:
.L_simem_size_0:
called_computation.3_lowered:
.L_overlay_start_0:
0x88: {  	s2 =	sld [smem:$0x3FD9]  }
0x89: {  	s3 =	sld [smem:$0x3FFE];
	_ =	sdelay $0x1  }
0x8a: {  	s1 =	srdreg.scid  }
0x8b: {  	s0 =	sand.u32 $0x1, s1  }
0x8c: {  	s16 =	sshll.u32 s0, $0xA;
	s2 =	sadd.s32 s3, s2  }
0x8d: {  	s2 =	sadd.s32 s2, s16  }
0x8e: {  	[smem:$0x3FBD] =	sst s2  }
0x8f: {  	_ = 	snop  }
0x90: {  	(tm) =	ssettm $0x1  }
0x91: {  	s17 =	sld [smem:$0x3FFB];
	_ =	sdelay $0x3  }
0x92: {  	_ =	strace s17  }
0x93: {  	s2 =	sld [smem:$0x3FFC];
	_ =	sdelay $0x3  }
0x94: {  	_ =	strace s2  }
0x95: {  	s2 =	sld [smem:$0x3FFD];
	_ =	sdelay $0x3  }
0x96: {  	_ =	strace s2  }
0x97: {  	_ =	strace $0x8FFFFFFF  }
0x98: {  	s18 =	sld [smem:$0x3FDB];
	_ =	sdelay $0x1  }
0x99: {  	s19 =	simm.s32 $_scs_section_size  }
0x9a: {  	s4 =	simm.s32 $_size__tile_overlayer_lowered;
	s5 =	simm.s32 $_tile_overlayer_lowered  }
0x9b: {  	s22 =	simm.s32 $0x1BFF;
	s21 =	sshll.u32 s5, $0x1;
	s2 =	sadd.s32 s19, s18  }
0x9c: {  	s6 =	simm.s32 $0x0;
	s20 =	sshll.u32 s4, $0x1;
	s4 =	sadd.s32 s21, s2  }
0x9d: {  	[timem:s6], [sflag:s22] =	dma.local [hbm:s4], s20  }
0x9e: {  	_ =	swait.ge [sflag:s22], s20  }
0x9f: {  	s3 =	ssub.s32 $0x0, s20;
	[sflag:s22] =	ssyncset.done $0x0  }
0xa0: {  	[sflag:s22] =	ssyncadd.s32 s3;
	_ =	sdelay $0x1  }
0xa1: {  	s23 =	simm.s32 $0x1B8B  }
0xa2: {  	_ =	swait.ge [sflag:s23], $0x1  }
0xa3: {  	[sflag:s23] =	ssyncset.done $0x0  }
0xa4: {  	s25 =	simm.s32 $0x1B8E;
	s24 =	sld [smem:$0x3FFE];
	[sflag:s23] =	ssyncadd.s32 $0xFFFFFFFF  }
0xa5: {  	s26 =	simm.s32 $execute0_lowered;
	[smem:$0x3FD2] =	sst s25  }
0xa6: {  	s4 =	sshll.u32 s26, $0x1;
	_ =	strace $0x8000004F;
	[dreg:$0x1] =	wrdreg $0xFFFFFFFF  }
0xa7: {  	s28 =	simm.s32 $_size_execute0_lowered;
	s2 =	sadd.s32 s2, s4;
	[dreg:$0x0] =	wrdreg $0x0  }
0xa8: {  	s4 =	sshll.u32 s28, $0x1;
	[dreg:$0x2] =	wrdreg s2  }
0xa9: {  	[dreg:$0x3] =	wrdreg s4  }
0xaa: {  	[dreg:$0x4] =	wrdreg $0xC0  }
0xab: {  	_ =	task [dreg:s6], $0x5FFFF  }
0xac: {  	[dreg:$0x1] =	wrdreg $0xFFFFFFFF  }
0xad: {  	[dreg:$0x0] =	wrdreg $0x60  }
0xae: {  	[dreg:$0x2] =	wrdreg s24  }
0xaf: {  	[dreg:$0x3] =	wrdreg $0x69000  }
0xb0: {  	[dreg:$0x4] =	wrdreg $0x9  }
0xb1: {  	_ =	task.clear_ibuf [dreg:s6], $0x5FFFF;
	_ =	strace $0x9000004F  }
0xb2: {  	s29 =	simm.s32 $0x9;
	_ =	strace $0x80000051  }
0xb3: {  	_ =	swait.ge [sflag:s29], $0x1  }
0xb4: {  	[sflag:s29] =	ssyncadd.s32 $0xFFFFFFFF  }
0xb5: {  	_ =	strace $0x90000051  }
0xb6: {  	_ =	sfence  }
0xb7: {  	s30 =	sld [smem:$0x0];
	_ =	sdelay $0x2  }
0xb8: {  	s31 =	sshll.u32 s1, $0xD;
	s1 =	sshrl.u32 s1, $0x2  }
0xb9: {  	s3 =	sand.u32 $0x4000, s31;
	s1 =	sadd.s32 s1, s30  }
0xba: {  	s0 =	sor.u32 s3, s0;
	s1 =	sshll.u32 s1, $0x11  }
0xbb: {  	s0 =	sor.u32 s1, s0  }
0xbc: {  	s0 =	sadd.s32 $0x8F2B, s0  }
0xbd: {  	[sflag:s0] =	ssyncadd.remote.s32 $0x1  }
0xbe: {  	_ =	sfence.sel $0xFFFF  }
0xbf: {  	[dreg:$0x0] =	wrdreg $0xFFFFFFFF;
	(pc) =	sbr.abs _section_cstart, $3  }
0xc0: {  	[dreg:$0x1] =	wrdreg $0xFFFFFFFF  }
0xc1: {  	_ =	task.clear_ibuf [dreg:s6], $0x2FFFF;
	_ =	strace $0x9FFFFFFF  }
0xc2: {  	(tm) =	ssettm $0x7FFFFFFF  }
0xc3: {  	_ =	shalt  }
tec
execute0_lowered:
.L_overlay_start_1:
0x0: {  	(tag) =	ssettag $0x1  }
0x1: {  	s0 =	srdreg.scid;
	s1 =	rddreg [dreg:$0x0]  }
0x2: {  	s2 =	rddreg [dreg:$0x1];
	s9 =	stileid.u32  }
0x3: {  	s3 =	simm.s32 $0x0;
	s11 =	simm.s32 $0x3;
	s12 =	simm.s32 $0x500  }
0x4: {  	s13 =	simm.s32 $0x280;
	s14 =	simm.s32 $0x80;
	s15 =	simm.s32 $0x300  }
0x5: {  	s16 =	simm.s32 $0x100;
	s17 =	simm.s32 $0x380;
	s18 =	simm.s32 $0x180  }
0x6: {  	s19 =	simm.s32 $0x400;
	s20 =	simm.s32 $0x200;
	s6 =	smul.u32 $0x14000, s9  }
0x7: {  	s28 =	simm.s32 $0x5500;
	s29 =	simm.s32 $0x2;
	s7 =	smul.u32 $0x9C4, s9  }
0x8: {  	s30 =	simm.s32 $0x0;
	s0 =	sand.u32 $0x1, s0;
	s22 =	smul.u32 $0x50000, s9  }
0x9: {  	[smem:$0x7FF] =	sst s3;
	s23 =	sadd.s32 $0x16E00, s1;
	s4 =	smul.u32 $0x27100, s0  }
0xa: {  	s25 =	sshll.u32 s9, $0x6;
	s5 =	smul.u32 $0x140000, s0;
	_ =	strace $0x80000050  }
0xb: {  	[dreg:$0x5] =	wrdreg s23;
	s0 =	ssub.s32 $0x2, s0;
	s23 =	simm.s32 $0x28  }
0xc: {  	s10 =	sadd.s32 s7, s1;
	s24 =	sshrl.u32 s0, $0x1;
	s8 =	sadd.s32 s4, s1  }
0xd: {  	s21 =	sadd.s32 s6, s5;
	s6 =	sshrl.u32 s22, $0x2;
	s0 =	ssub.s32 s0, s24  }
0xe: {  	s26 =	sadd.s32 $0xD000, s10;
	s31 =	sadd.s32 $0x3200, s10;
	s22 =	simm.s32 $0x1  }
0xf: {  	s24 =	simm.s32 $0x1900;
	s5 =	sshrl.u32 s21, $0x3;
	[dreg:$0x3] =	wrdreg s26  }
0x10: {  	s7 =	sadd.s32 $0x69600, s8;
	s9 =	smax.u32 s0, $0x1;
	[dreg:$0x4] =	wrdreg s31  }
0x11: {  	s21 =	simm.s32 $0x480;
	s26 =	simm.s32 $0x4100;
	s1 =	sadd.s32 s5, s1  }
0x12: {  	s5 =	sadd.s32 s6, s2;
	s6 =	sor.u32 $0x1C03, s25;
	s1 =	sadd.s32 $0xB7800, s1  }
0x13: {  	s25 =	simm.s32 $0x2D00;
	s10 =	sshrl.u32 s5, $0x3;
	[dreg:$0x6] =	wrdreg s1  }
.LBB2_1:
0x14: {  	s0 =	rddreg [dreg:$0x5]  }
0x15: {  	[spmem:s10], [sflag:s6] =	dma.local [hbm:s0], $0x2800  }
0x16: {  	_ =	swait.ge [sflag:s11], $0x2800  }
0x17: {  	[sflag:s11] =	ssyncset.done $0x0  }
0x18: {  	[sflag:s11] =	ssyncadd.s32 $0xFFFFD800  }
0x19: {  	[tilespmem:s12], [sflag:$0x3] =	stream.linear.gather [spmem:s5], $0x400, $0x38;
	[tilespmem:$0x1A900] =	vst v63  }
0x1a: {  	_ =	swait.ge [sflag:s11], $0x400  }
0x1b: {  	[sflag:s11] =	ssyncset.done $0x0  }
0x1c: {  	[sflag:s11] =	ssyncadd.s32 $0xFFFFFC00  }
0x1d: {  	[bflag:$0x0] =	sbarrier.arrive $0xFFFF  }
0x1e: {  	s4 =	rddreg [dreg:$0x4]  }
0x1f: {  	s1 =	rddreg [dreg:$0x3];
	s0 =	sadd.s32 $0x0, s4  }
0x20: {  	[tilespmem:s3], [sflag:$0x1] =	stream.linear.gather [hbm4b:s0+s3], $0x28, $0x38;
	[tilespmem:$0x1A900] =	vst v63  }
0x21: {  	s1 =	sadd.s32 $0x0, s1  }
0x22: {  	[tilespmem:s13], [sflag:$0x1] =	stream.linear.gather [hbm4b:s1+s3], $0x28, $0x38;
	[tilespmem:$0x1A900] =	vst v63  }
0x23: {  	s31 =	sadd.s32 $0x5, s0  }
0x24: {  	[tilespmem:s14], [sflag:$0x1] =	stream.linear.gather [hbm4b:s31+s3], $0x28, $0x38;
	[tilespmem:$0x1A900] =	vst v63  }
0x25: {  	s31 =	sadd.s32 $0x5, s1  }
0x26: {  	[tilespmem:s15], [sflag:$0x1] =	stream.linear.gather [hbm4b:s31+s3], $0x28, $0x38;
	[tilespmem:$0x1A900] =	vst v63  }
0x27: {  	s31 =	sadd.s32 $0xA, s0  }
0x28: {  	[tilespmem:s16], [sflag:$0x1] =	stream.linear.gather [hbm4b:s31+s3], $0x28, $0x38;
	[tilespmem:$0x1A900] =	vst v63  }
0x29: {  	s31 =	sadd.s32 $0xA, s1  }
0x2a: {  	[tilespmem:s17], [sflag:$0x1] =	stream.linear.gather [hbm4b:s31+s3], $0x28, $0x38;
	[tilespmem:$0x1A900] =	vst v63  }
0x2b: {  	s31 =	sadd.s32 $0xF, s0  }
0x2c: {  	[tilespmem:s18], [sflag:$0x1] =	stream.linear.gather [hbm4b:s31+s3], $0x28, $0x38;
	[tilespmem:$0x1A900] =	vst v63  }
0x2d: {  	s31 =	sadd.s32 $0xF, s1  }
0x2e: {  	[tilespmem:s19], [sflag:$0x1] =	stream.linear.gather [hbm4b:s31+s3], $0x28, $0x38;
	[tilespmem:$0x1A900] =	vst v63  }
0x2f: {  	s0 =	sadd.s32 $0x14, s0  }
0x30: {  	[tilespmem:s20], [sflag:$0x1] =	stream.linear.gather [hbm4b:s0+s3], $0x28, $0x38;
	[tilespmem:$0x1A900] =	vst v63  }
0x31: {  	s8 =	sadd.s32 $0x14, s1  }
0x32: {  	[tilespmem:s21], [sflag:$0x1] =	stream.linear.gather [hbm4b:s8+s3], $0x28, $0x38;
	[tilespmem:$0x1A900] =	vst v63  }
0x33: {  	_ =	swait.ge [sflag:s22], $0x28  }
0x34: {  	[sflag:s22] =	ssyncset.done $0x0  }
0x35: {  	[sflag:s22] =	ssyncadd.s32 $0xFFFFFFD8  }
0x36: {  	_ =	swait.ge [sflag:s22], $0x28  }
0x37: {  	[sflag:s22] =	ssyncset.done $0x0  }
0x38: {  	[sflag:s22] =	ssyncadd.s32 $0xFFFFFFD8  }
0x39: {  	_ =	swait.ge [sflag:s22], $0x28  }
0x3a: {  	[sflag:s22] =	ssyncset.done $0x0  }
0x3b: {  	[sflag:s22] =	ssyncadd.s32 $0xFFFFFFD8  }
0x3c: {  	_ =	swait.ge [sflag:s22], $0x28  }
0x3d: {  	[sflag:s22] =	ssyncset.done $0x0  }
0x3e: {  	[sflag:s22] =	ssyncadd.s32 $0xFFFFFFD8  }
0x3f: {  	_ =	swait.ge [sflag:s22], $0x28  }
0x40: {  	[sflag:s22] =	ssyncset.done $0x0  }
0x41: {  	[sflag:s22] =	ssyncadd.s32 $0xFFFFFFD8  }
0x42: {  	_ =	swait.ge [sflag:s22], $0x28  }
0x43: {  	[sflag:s22] =	ssyncset.done $0x0  }
0x44: {  	[sflag:s22] =	ssyncadd.s32 $0xFFFFFFD8  }
0x45: {  	_ =	swait.ge [sflag:s22], $0x28  }
0x46: {  	[sflag:s22] =	ssyncset.done $0x0  }
0x47: {  	[sflag:s22] =	ssyncadd.s32 $0xFFFFFFD8  }
0x48: {  	_ =	swait.ge [sflag:s22], $0x28  }
0x49: {  	[sflag:s22] =	ssyncset.done $0x0  }
0x4a: {  	[sflag:s22] =	ssyncadd.s32 $0xFFFFFFD8  }
0x4b: {  	_ =	swait.ge [sflag:s22], $0x28  }
0x4c: {  	[sflag:s22] =	ssyncset.done $0x0  }
0x4d: {  	[sflag:s22] =	ssyncadd.s32 $0xFFFFFFD8  }
0x4e: {  	_ =	swait.ge [sflag:s22], $0x28  }
0x4f: {  	[sflag:s22] =	ssyncset.done $0x0  }
0x50: {  	[sflag:s22] =	ssyncadd.s32 $0xFFFFFFD8  }
0x51: {  	[tilespmem:s12], [sflag:$0x2] =	stream.indirect.gather [hbm4b:s7+s23], $0x80, s3, s23, $0xb8;
	[tilespmem:$0x1A900] =	vst v63  }
0x52: {  	_ = 	snop  }
0x53: {  	[tilespmem:s24], [sflag:$0x2] =	stream.indirect.gather [hbm4b:s7+s23], $0x80, s14, s23, $0xb8;
	[tilespmem:$0x1A900] =	vst v63  }
0x54: {  	_ = 	snop  }
0x55: {  	[tilespmem:s25], [sflag:$0x2] =	stream.indirect.gather [hbm4b:s7+s23], $0x80, s16, s23, $0xb8;
	[tilespmem:$0x1A900] =	vst v63  }
0x56: {  	_ = 	snop  }
0x57: {  	[tilespmem:s26], [sflag:$0x2] =	stream.indirect.gather [hbm4b:s7+s23], $0x80, s18, s23, $0xb8;
	[tilespmem:$0x1A900] =	vst v63  }
0x58: {  	_ = 	snop  }
0x59: {  	[tilespmem:s28], [sflag:$0x2] =	stream.indirect.gather [hbm4b:s7+s23], $0x80, s20, s23, $0xb8;
	[tilespmem:$0x1A900] =	vst v63  }
0x5a: {  	_ =	swait.ge [sflag:s29], $0x1400  }
0x5b: {  	[sflag:s29] =	ssyncset.done $0x0  }
0x5c: {  	[sflag:s29] =	ssyncadd.s32 $0xFFFFEC00  }
0x5d: {  	_ =	swait.ge [sflag:s29], $0x1400  }
0x5e: {  	[sflag:s29] =	ssyncset.done $0x0  }
0x5f: {  	[sflag:s29] =	ssyncadd.s32 $0xFFFFEC00  }
0x60: {  	_ =	swait.ge [sflag:s29], $0x1400  }
0x61: {  	[sflag:s29] =	ssyncset.done $0x0  }
0x62: {  	[sflag:s29] =	ssyncadd.s32 $0xFFFFEC00  }
0x63: {  	_ =	swait.ge [sflag:s29], $0x1400  }
0x64: {  	[sflag:s29] =	ssyncset.done $0x0  }
0x65: {  	[sflag:s29] =	ssyncadd.s32 $0xFFFFEC00  }
0x66: {  	_ =	swait.ge [sflag:s29], $0x1400  }
0x67: {  	[sflag:s29] =	ssyncset.done $0x0  }
0x68: {  	[sflag:s29] =	ssyncadd.s32 $0xFFFFEC00  }
0x69: {  	[spmem:s2] =	stream.indirect.scatter.add.f32 [tilespmem:s12], [sflag:$0x3], $0x80, s13, s23, $0xb8;
	[tilespmem:$0x1A900] =	vst v63  }
0x6a: {  	_ =	swait.ge [sflag:s11], $0x1400  }
0x6b: {  	[sflag:s11] =	ssyncset.done $0x0  }
0x6c: {  	[sflag:s11] =	ssyncadd.s32 $0xFFFFEC00  }
0x6d: {  	[spmem:s2] =	stream.indirect.scatter.add.f32 [tilespmem:s24], [sflag:$0x3], $0x80, s15, s23, $0xb8;
	[tilespmem:$0x1A900] =	vst v63  }
0x6e: {  	_ =	swait.ge [sflag:s11], $0x1400  }
0x6f: {  	[sflag:s11] =	ssyncset.done $0x0  }
0x70: {  	[sflag:s11] =	ssyncadd.s32 $0xFFFFEC00  }
0x71: {  	[spmem:s2] =	stream.indirect.scatter.add.f32 [tilespmem:s25], [sflag:$0x3], $0x80, s17, s23, $0xb8;
	[tilespmem:$0x1A900] =	vst v63  }
0x72: {  	_ =	swait.ge [sflag:s11], $0x1400  }
0x73: {  	[sflag:s11] =	ssyncset.done $0x0  }
0x74: {  	[sflag:s11] =	ssyncadd.s32 $0xFFFFEC00  }
0x75: {  	[spmem:s2] =	stream.indirect.scatter.add.f32 [tilespmem:s26], [sflag:$0x3], $0x80, s19, s23, $0xb8;
	[tilespmem:$0x1A900] =	vst v63  }
0x76: {  	_ =	swait.ge [sflag:s11], $0x1400  }
0x77: {  	[sflag:s11] =	ssyncset.done $0x0  }
0x78: {  	[sflag:s11] =	ssyncadd.s32 $0xFFFFEC00  }
0x79: {  	[spmem:s2] =	stream.indirect.scatter.add.f32 [tilespmem:s28], [sflag:$0x3], $0x80, s21, s23, $0xb8;
	[tilespmem:$0x1A900] =	vst v63  }
0x7a: {  	s31 =	simm.s32 $0x19;
	_ =	swait.ge [sflag:s11], $0x1400  }
0x7b: {  	s0 =	simm.s32 $0x32;
	s1 =	rddreg [dreg:$0x4];
	[sflag:s11] =	ssyncset.done $0x0  }
.LBB2_2:
0x7c: {  	[sflag:s11] =	ssyncadd.s32 $0xFFFFEC00;
	s8 =	rddreg [dreg:$0x3];
	s1 =	sadd.s32 s31, s1  }
0x7d: {  	[tilespmem:s3], [sflag:$0x1] =	stream.linear.gather [hbm4b:s1+s3], $0x28, $0x38;
	[tilespmem:$0x1A900] =	vst v63  }
0x7e: {  	s4 =	smov.u32 s0;
	s8 =	sadd.s32 s31, s8  }
0x7f: {  	[tilespmem:s13], [sflag:$0x1] =	stream.linear.gather [hbm4b:s8+s3], $0x28, $0x38;
	[tilespmem:$0x1A900] =	vst v63  }
0x80: {  	s31 =	smov.u32 s4;
	s4 =	sadd.s32 $0x5, s1  }
0x81: {  	[tilespmem:s14], [sflag:$0x1] =	stream.linear.gather [hbm4b:s4+s3], $0x28, $0x38;
	[tilespmem:$0x1A900] =	vst v63  }
0x82: {  	s4 =	sadd.s32 $0x5, s8  }
0x83: {  	[tilespmem:s15], [sflag:$0x1] =	stream.linear.gather [hbm4b:s4+s3], $0x28, $0x38;
	[tilespmem:$0x1A900] =	vst v63  }
0x84: {  	s4 =	sadd.s32 $0xA, s1  }
0x85: {  	[tilespmem:s16], [sflag:$0x1] =	stream.linear.gather [hbm4b:s4+s3], $0x28, $0x38;
	[tilespmem:$0x1A900] =	vst v63  }
0x86: {  	s4 =	sadd.s32 $0xA, s8  }
0x87: {  	[tilespmem:s17], [sflag:$0x1] =	stream.linear.gather [hbm4b:s4+s3], $0x28, $0x38;
	[tilespmem:$0x1A900] =	vst v63  }
0x88: {  	s4 =	sadd.s32 $0xF, s1  }
0x89: {  	[tilespmem:s18], [sflag:$0x1] =	stream.linear.gather [hbm4b:s4+s3], $0x28, $0x38;
	[tilespmem:$0x1A900] =	vst v63  }
0x8a: {  	s4 =	sadd.s32 $0xF, s8  }
0x8b: {  	[tilespmem:s19], [sflag:$0x1] =	stream.linear.gather [hbm4b:s4+s3], $0x28, $0x38;
	[tilespmem:$0x1A900] =	vst v63  }
0x8c: {  	s1 =	sadd.s32 $0x14, s1  }
0x8d: {  	[tilespmem:s20], [sflag:$0x1] =	stream.linear.gather [hbm4b:s1+s3], $0x28, $0x38;
	[tilespmem:$0x1A900] =	vst v63  }
0x8e: {  	s8 =	sadd.s32 $0x14, s8  }
0x8f: {  	[tilespmem:s21], [sflag:$0x1] =	stream.linear.gather [hbm4b:s8+s3], $0x28, $0x38;
	[tilespmem:$0x1A900] =	vst v63  }
0x90: {  	_ =	swait.ge [sflag:s22], $0x28  }
0x91: {  	[sflag:s22] =	ssyncset.done $0x0  }
0x92: {  	[sflag:s22] =	ssyncadd.s32 $0xFFFFFFD8  }
0x93: {  	_ =	swait.ge [sflag:s22], $0x28  }
0x94: {  	[sflag:s22] =	ssyncset.done $0x0  }
0x95: {  	[sflag:s22] =	ssyncadd.s32 $0xFFFFFFD8  }
0x96: {  	_ =	swait.ge [sflag:s22], $0x28  }
0x97: {  	[sflag:s22] =	ssyncset.done $0x0  }
0x98: {  	[sflag:s22] =	ssyncadd.s32 $0xFFFFFFD8  }
0x99: {  	_ =	swait.ge [sflag:s22], $0x28  }
0x9a: {  	[sflag:s22] =	ssyncset.done $0x0  }
0x9b: {  	[sflag:s22] =	ssyncadd.s32 $0xFFFFFFD8  }
0x9c: {  	_ =	swait.ge [sflag:s22], $0x28  }
0x9d: {  	[sflag:s22] =	ssyncset.done $0x0  }
0x9e: {  	[sflag:s22] =	ssyncadd.s32 $0xFFFFFFD8  }
0x9f: {  	_ =	swait.ge [sflag:s22], $0x28  }
0xa0: {  	[sflag:s22] =	ssyncset.done $0x0  }
0xa1: {  	[sflag:s22] =	ssyncadd.s32 $0xFFFFFFD8  }
0xa2: {  	_ =	swait.ge [sflag:s22], $0x28  }
0xa3: {  	[sflag:s22] =	ssyncset.done $0x0  }
0xa4: {  	[sflag:s22] =	ssyncadd.s32 $0xFFFFFFD8  }
0xa5: {  	_ =	swait.ge [sflag:s22], $0x28  }
0xa6: {  	[sflag:s22] =	ssyncset.done $0x0  }
0xa7: {  	[sflag:s22] =	ssyncadd.s32 $0xFFFFFFD8  }
0xa8: {  	_ =	swait.ge [sflag:s22], $0x28  }
0xa9: {  	[sflag:s22] =	ssyncset.done $0x0  }
0xaa: {  	[sflag:s22] =	ssyncadd.s32 $0xFFFFFFD8  }
0xab: {  	_ =	swait.ge [sflag:s22], $0x28  }
0xac: {  	[sflag:s22] =	ssyncset.done $0x0  }
0xad: {  	[sflag:s22] =	ssyncadd.s32 $0xFFFFFFD8  }
0xae: {  	[tilespmem:s12], [sflag:$0x2] =	stream.indirect.gather [hbm4b:s7+s23], $0x80, s3, s23, $0xb8;
	[tilespmem:$0x1A900] =	vst v63  }
0xaf: {  	_ = 	snop  }
0xb0: {  	[tilespmem:s24], [sflag:$0x2] =	stream.indirect.gather [hbm4b:s7+s23], $0x80, s14, s23, $0xb8;
	[tilespmem:$0x1A900] =	vst v63  }
0xb1: {  	_ = 	snop  }
0xb2: {  	[tilespmem:s25], [sflag:$0x2] =	stream.indirect.gather [hbm4b:s7+s23], $0x80, s16, s23, $0xb8;
	[tilespmem:$0x1A900] =	vst v63  }
0xb3: {  	_ = 	snop  }
0xb4: {  	[tilespmem:s26], [sflag:$0x2] =	stream.indirect.gather [hbm4b:s7+s23], $0x80, s18, s23, $0xb8;
	[tilespmem:$0x1A900] =	vst v63  }
0xb5: {  	_ = 	snop  }
0xb6: {  	[tilespmem:s28], [sflag:$0x2] =	stream.indirect.gather [hbm4b:s7+s23], $0x80, s20, s23, $0xb8;
	[tilespmem:$0x1A900] =	vst v63  }
0xb7: {  	_ =	swait.ge [sflag:s29], $0x1400  }
0xb8: {  	[sflag:s29] =	ssyncset.done $0x0  }
0xb9: {  	[sflag:s29] =	ssyncadd.s32 $0xFFFFEC00  }
0xba: {  	_ =	swait.ge [sflag:s29], $0x1400  }
0xbb: {  	[sflag:s29] =	ssyncset.done $0x0  }
0xbc: {  	[sflag:s29] =	ssyncadd.s32 $0xFFFFEC00  }
0xbd: {  	_ =	swait.ge [sflag:s29], $0x1400  }
0xbe: {  	[sflag:s29] =	ssyncset.done $0x0  }
0xbf: {  	[sflag:s29] =	ssyncadd.s32 $0xFFFFEC00  }
0xc0: {  	_ =	swait.ge [sflag:s29], $0x1400  }
0xc1: {  	[sflag:s29] =	ssyncset.done $0x0  }
0xc2: {  	[sflag:s29] =	ssyncadd.s32 $0xFFFFEC00  }
0xc3: {  	_ =	swait.ge [sflag:s29], $0x1400  }
0xc4: {  	[sflag:s29] =	ssyncset.done $0x0  }
0xc5: {  	[sflag:s29] =	ssyncadd.s32 $0xFFFFEC00  }
0xc6: {  	[spmem:s2] =	stream.indirect.scatter.add.f32 [tilespmem:s12], [sflag:$0x3], $0x80, s13, s23, $0xb8;
	[tilespmem:$0x1A900] =	vst v63  }
0xc7: {  	_ =	swait.ge [sflag:s11], $0x1400  }
0xc8: {  	[sflag:s11] =	ssyncset.done $0x0  }
0xc9: {  	[sflag:s11] =	ssyncadd.s32 $0xFFFFEC00  }
0xca: {  	[spmem:s2] =	stream.indirect.scatter.add.f32 [tilespmem:s24], [sflag:$0x3], $0x80, s15, s23, $0xb8;
	[tilespmem:$0x1A900] =	vst v63  }
0xcb: {  	_ =	swait.ge [sflag:s11], $0x1400  }
0xcc: {  	[sflag:s11] =	ssyncset.done $0x0  }
0xcd: {  	[sflag:s11] =	ssyncadd.s32 $0xFFFFEC00  }
0xce: {  	[spmem:s2] =	stream.indirect.scatter.add.f32 [tilespmem:s25], [sflag:$0x3], $0x80, s17, s23, $0xb8;
	[tilespmem:$0x1A900] =	vst v63  }
0xcf: {  	_ =	swait.ge [sflag:s11], $0x1400  }
0xd0: {  	[sflag:s11] =	ssyncset.done $0x0  }
0xd1: {  	[sflag:s11] =	ssyncadd.s32 $0xFFFFEC00  }
0xd2: {  	[spmem:s2] =	stream.indirect.scatter.add.f32 [tilespmem:s26], [sflag:$0x3], $0x80, s19, s23, $0xb8;
	[tilespmem:$0x1A900] =	vst v63  }
0xd3: {  	p0 =	sne.s32 s0, $0x9AB;
	_ =	swait.ge [sflag:s11], $0x1400  }
.Ltmp0:
0xd4: {  	[sflag:s11] =	ssyncset.done $0x0;
	(pc) =	sbr.rel @p0 .LBB2_2-.Ltmp0, $4  }
0xd5: {  	[sflag:s11] =	ssyncadd.s32 $0xFFFFEC00  }
0xd6: {  	[spmem:s2] =	stream.indirect.scatter.add.f32 [tilespmem:s28], [sflag:$0x3], $0x80, s21, s23, $0xb8;
	[tilespmem:$0x1A900] =	vst v63  }
0xd7: {  	_ =	swait.ge [sflag:s11], $0x1400  }
0xd8: {  	s0 =	sadd.s32 $0x19, s0;
	s1 =	rddreg [dreg:$0x4];
	[sflag:s11] =	ssyncset.done $0x0  }
0xd9: {  	s0 =	rddreg [dreg:$0x3];
	[sflag:s11] =	ssyncadd.s32 $0xFFFFEC00;
	s1 =	sadd.s32 s31, s1  }
0xda: {  	[tilespmem:s3], [sflag:$0x1] =	stream.linear.gather [hbm4b:s1+s3], $0x28, $0x38;
	[tilespmem:$0x1A900] =	vst v63  }
0xdb: {  	s0 =	sadd.s32 s31, s0  }
0xdc: {  	[tilespmem:s13], [sflag:$0x1] =	stream.linear.gather [hbm4b:s0+s3], $0x28, $0x38;
	[tilespmem:$0x1A900] =	vst v63  }
0xdd: {  	s4 =	sadd.s32 $0x5, s1  }
0xde: {  	[tilespmem:s14], [sflag:$0x1] =	stream.linear.gather [hbm4b:s4+s3], $0x28, $0x38;
	[tilespmem:$0x1A900] =	vst v63  }
0xdf: {  	s8 =	sadd.s32 $0x5, s0  }
0xe0: {  	[tilespmem:s15], [sflag:$0x1] =	stream.linear.gather [hbm4b:s8+s3], $0x28, $0x38;
	[tilespmem:$0x1A900] =	vst v63  }
0xe1: {  	s31 =	sadd.s32 $0xA, s1  }
0xe2: {  	[tilespmem:s16], [sflag:$0x1] =	stream.linear.gather [hbm4b:s31+s3], $0x28, $0x38;
	[tilespmem:$0x1A900] =	vst v63  }
0xe3: {  	s8 =	sadd.s32 $0xA, s0  }
0xe4: {  	[tilespmem:s17], [sflag:$0x1] =	stream.linear.gather [hbm4b:s8+s3], $0x28, $0x38;
	[tilespmem:$0x1A900] =	vst v63  }
0xe5: {  	s31 =	sadd.s32 $0xF, s1  }
0xe6: {  	[tilespmem:s18], [sflag:$0x1] =	stream.linear.gather [hbm4b:s31+s3], $0x28, $0x38;
	[tilespmem:$0x1A900] =	vst v63  }
0xe7: {  	s8 =	sadd.s32 $0xF, s0  }
0xe8: {  	[tilespmem:s19], [sflag:$0x1] =	stream.linear.gather [hbm4b:s8+s3], $0x28, $0x38;
	[tilespmem:$0x1A900] =	vst v63  }
0xe9: {  	s1 =	sadd.s32 $0x14, s1  }
0xea: {  	[tilespmem:s20], [sflag:$0x1] =	stream.linear.gather [hbm4b:s1+s3], $0x28, $0x38;
	[tilespmem:$0x1A900] =	vst v63  }
0xeb: {  	s0 =	sadd.s32 $0x14, s0  }
0xec: {  	[tilespmem:s21], [sflag:$0x1] =	stream.linear.gather [hbm4b:s0+s3], $0x28, $0x38;
	[tilespmem:$0x1A900] =	vst v63  }
0xed: {  	_ =	swait.ge [sflag:s22], $0x28  }
0xee: {  	[sflag:s22] =	ssyncset.done $0x0  }
0xef: {  	[sflag:s22] =	ssyncadd.s32 $0xFFFFFFD8  }
0xf0: {  	_ =	swait.ge [sflag:s22], $0x28  }
0xf1: {  	[sflag:s22] =	ssyncset.done $0x0  }
0xf2: {  	[sflag:s22] =	ssyncadd.s32 $0xFFFFFFD8  }
0xf3: {  	_ =	swait.ge [sflag:s22], $0x28  }
0xf4: {  	[sflag:s22] =	ssyncset.done $0x0  }
0xf5: {  	[sflag:s22] =	ssyncadd.s32 $0xFFFFFFD8  }
0xf6: {  	_ =	swait.ge [sflag:s22], $0x28  }
0xf7: {  	[sflag:s22] =	ssyncset.done $0x0  }
0xf8: {  	[sflag:s22] =	ssyncadd.s32 $0xFFFFFFD8  }
0xf9: {  	_ =	swait.ge [sflag:s22], $0x28  }
0xfa: {  	[sflag:s22] =	ssyncset.done $0x0  }
0xfb: {  	[sflag:s22] =	ssyncadd.s32 $0xFFFFFFD8  }
0xfc: {  	_ =	swait.ge [sflag:s22], $0x28  }
0xfd: {  	[sflag:s22] =	ssyncset.done $0x0  }
0xfe: {  	[sflag:s22] =	ssyncadd.s32 $0xFFFFFFD8  }
0xff: {  	_ =	swait.ge [sflag:s22], $0x28  }
0x100: {  	[sflag:s22] =	ssyncset.done $0x0  }
0x101: {  	[sflag:s22] =	ssyncadd.s32 $0xFFFFFFD8  }
0x102: {  	_ =	swait.ge [sflag:s22], $0x28  }
0x103: {  	[sflag:s22] =	ssyncset.done $0x0  }
0x104: {  	[sflag:s22] =	ssyncadd.s32 $0xFFFFFFD8  }
0x105: {  	_ =	swait.ge [sflag:s22], $0x28  }
0x106: {  	[sflag:s22] =	ssyncset.done $0x0  }
0x107: {  	[sflag:s22] =	ssyncadd.s32 $0xFFFFFFD8  }
0x108: {  	_ =	swait.ge [sflag:s22], $0x28  }
0x109: {  	[sflag:s22] =	ssyncset.done $0x0  }
0x10a: {  	[sflag:s22] =	ssyncadd.s32 $0xFFFFFFD8  }
0x10b: {  	[tilespmem:s12], [sflag:$0x2] =	stream.indirect.gather [hbm4b:s7+s23], $0x80, s3, s23, $0xb8;
	[tilespmem:$0x1A900] =	vst v63  }
0x10c: {  	_ = 	snop  }
0x10d: {  	[tilespmem:s24], [sflag:$0x2] =	stream.indirect.gather [hbm4b:s7+s23], $0x80, s14, s23, $0xb8;
	[tilespmem:$0x1A900] =	vst v63  }
0x10e: {  	_ = 	snop  }
0x10f: {  	[tilespmem:s25], [sflag:$0x2] =	stream.indirect.gather [hbm4b:s7+s23], $0x80, s16, s23, $0xb8;
	[tilespmem:$0x1A900] =	vst v63  }
0x110: {  	_ = 	snop  }
0x111: {  	[tilespmem:s26], [sflag:$0x2] =	stream.indirect.gather [hbm4b:s7+s23], $0x80, s18, s23, $0xb8;
	[tilespmem:$0x1A900] =	vst v63  }
0x112: {  	_ = 	snop  }
0x113: {  	[tilespmem:s28], [sflag:$0x2] =	stream.indirect.gather [hbm4b:s7+s23], $0x80, s20, s23, $0xb8;
	[tilespmem:$0x1A900] =	vst v63  }
0x114: {  	_ =	swait.ge [sflag:s29], $0x1400  }
0x115: {  	[sflag:s29] =	ssyncset.done $0x0  }
0x116: {  	[sflag:s29] =	ssyncadd.s32 $0xFFFFEC00  }
0x117: {  	_ =	swait.ge [sflag:s29], $0x1400  }
0x118: {  	[sflag:s29] =	ssyncset.done $0x0  }
0x119: {  	[sflag:s29] =	ssyncadd.s32 $0xFFFFEC00  }
0x11a: {  	_ =	swait.ge [sflag:s29], $0x1400  }
0x11b: {  	[sflag:s29] =	ssyncset.done $0x0  }
0x11c: {  	[sflag:s29] =	ssyncadd.s32 $0xFFFFEC00  }
0x11d: {  	_ =	swait.ge [sflag:s29], $0x1400  }
0x11e: {  	[sflag:s29] =	ssyncset.done $0x0  }
0x11f: {  	[sflag:s29] =	ssyncadd.s32 $0xFFFFEC00  }
0x120: {  	_ =	swait.ge [sflag:s29], $0x1400  }
0x121: {  	[sflag:s29] =	ssyncset.done $0x0  }
0x122: {  	[sflag:s29] =	ssyncadd.s32 $0xFFFFEC00  }
0x123: {  	[spmem:s2] =	stream.indirect.scatter.add.f32 [tilespmem:s12], [sflag:$0x3], $0x80, s13, s23, $0xb8;
	[tilespmem:$0x1A900] =	vst v63  }
0x124: {  	_ =	swait.ge [sflag:s11], $0x1400  }
0x125: {  	[sflag:s11] =	ssyncset.done $0x0  }
0x126: {  	[sflag:s11] =	ssyncadd.s32 $0xFFFFEC00  }
0x127: {  	[spmem:s2] =	stream.indirect.scatter.add.f32 [tilespmem:s24], [sflag:$0x3], $0x80, s15, s23, $0xb8;
	[tilespmem:$0x1A900] =	vst v63  }
0x128: {  	_ =	swait.ge [sflag:s11], $0x1400  }
0x129: {  	[sflag:s11] =	ssyncset.done $0x0  }
0x12a: {  	[sflag:s11] =	ssyncadd.s32 $0xFFFFEC00  }
0x12b: {  	[spmem:s2] =	stream.indirect.scatter.add.f32 [tilespmem:s25], [sflag:$0x3], $0x80, s17, s23, $0xb8;
	[tilespmem:$0x1A900] =	vst v63  }
0x12c: {  	_ =	swait.ge [sflag:s11], $0x1400  }
0x12d: {  	[sflag:s11] =	ssyncset.done $0x0  }
0x12e: {  	[sflag:s11] =	ssyncadd.s32 $0xFFFFEC00  }
0x12f: {  	[spmem:s2] =	stream.indirect.scatter.add.f32 [tilespmem:s26], [sflag:$0x3], $0x80, s19, s23, $0xb8;
	[tilespmem:$0x1A900] =	vst v63  }
0x130: {  	_ =	swait.ge [sflag:s11], $0x1400  }
0x131: {  	[sflag:s11] =	ssyncset.done $0x0  }
0x132: {  	[sflag:s11] =	ssyncadd.s32 $0xFFFFEC00  }
0x133: {  	[spmem:s2] =	stream.indirect.scatter.add.f32 [tilespmem:s28], [sflag:$0x3], $0x80, s21, s23, $0xb8;
	[tilespmem:$0x1A900] =	vst v63  }
0x134: {  	_ =	swait.ge [sflag:s11], $0x1400  }
0x135: {  	[sflag:s11] =	ssyncset.done $0x0  }
0x136: {  	[sflag:s11] =	ssyncadd.s32 $0xFFFFEC00  }
0x137: {  	[tilespmem:s12], [sflag:$0x3] =	stream.linear.gather [spmem:s5], $0x400, $0x38;
	[tilespmem:$0x1A900] =	vst v63  }
0x138: {  	_ =	swait.ge [sflag:s11], $0x400  }
0x139: {  	[sflag:s11] =	ssyncset.done $0x0  }
0x13a: {  	[sflag:s11] =	ssyncadd.s32 $0xFFFFFC00  }
0x13b: {  	s30 =	sadd.s32 $0x1, s30;
	[bflag:$0x0] =	sbarrier.arrive $0xFFFF  }
0x13c: {  	p0 =	sne.s32 s30, s9;
	[bflag:$0x0] =	sbarrier.arrive $0xFFFF  }
.Ltmp1:
0x13d: {  	s31 =	rddreg [dreg:$0x6];
	(pc) =	sbr.rel @p0 .LBB2_1-.Ltmp1, $4  }
0x13e: {  	[hbm:s31], [sflag:s6] =	dma.local [spmem:s10], $0x2800  }
0x13f: {  	_ =	swait.ge [sflag:s11], $0x2800  }
0x140: {  	[sflag:s11] =	ssyncset.done $0x0  }
0x141: {  	[sflag:s11] =	ssyncadd.s32 $0xFFFFD800  }
0x142: {  	_ =	sfence.sel $0x180000  }
0x143: {  	[bflag:$0x0] =	sbarrier.arrive $0xFFFF  }
0x144: {  	_ =	strace $0x90000050  }
0x145: {  	s0 =	stileid.u32;
	[bflag:$0x2] =	sbarrier.arrive $0xFFFF  }
0x146: {  	p0 =	sne.s32 s0, $0x0;
	s0 =	rddreg [dreg:$0x2]  }
0x147: {  	s0 =	sadd.s32 @!p0 $0x100000, s0  }
0x148: {  	[sflag:s0] =	ssyncadd.tile.s32 @!p0 $0x1;
	_ =	shalt  }
.Lfunc_end2:
_tile_overlayer_lowered:
.L_overlay_start_2:
0x149: {  	(tag) =	ssettag $0x2  }
0x14a: {  	s0 =	rddreg [dreg:$0x0];
	s2 =	stileid.u32  }
0x14b: {  	s1 =	rddreg [dreg:$0x1];
	p0 =	sne.s32 s2, $0x0  }
0x14c: {  	s3 =	rddreg [dreg:$0x2];
	[bflag:$0x3] =	sbarrier.arrive $0xFFFF;
	s2 =	simm.s32 @!p0 $0x1C03  }
0x14d: {  	[timem:s3], [sflag:s2] =	dma.local @!p0 [hbm:s0], s1  }
0x14e: {  	s0 =	simm.s32 @!p0 $0x3  }
0x14f: {  	_ =	swait.ge @!p0 [sflag:s0], s1  }
0x150: {  	s1 =	ssub.s32 @!p0 $0x0, s1;
	[sflag:s0] =	ssyncset.done @!p0 $0x0  }
0x151: {  	[sflag:s0] =	ssyncadd.s32 @!p0 s1  }
0x152: {  	[bflag:$0x3] =	sbarrier.arrive $0xFFFF  }
0x153: {  	_ =	shalt  }

</sc_bundles>
